<compile_context>
chip_gen: v7x
topology: tpu7x:2x2x1
jax: 0.10.2.dev20260603
libtpu: 0.0.44.dev20260713+nightly
codegen_flags: <defaults>
</compile_context>

<pallas_src>
import functools

import jax
import jax.numpy as jnp
from jax import lax
from jax.experimental import pallas as pl
from jax.experimental.pallas import tpu as pltpu
from jax.experimental.pallas import tpu_sc as plsc

NUM_EMB = 49
EMBED = 64
NC = 2
NS = 16
NW = NC * NS

CHUNK = 128
BLOCK = 5


@functools.partial(jax.jit, static_argnames=("b_tot",))
def _sc_embedding_lookup(idx2d, table, *, b_tot):
    rows_tot = b_tot // CHUNK
    rows_per_w = rows_tot // NW
    n_blocks = rows_per_w // BLOCK
    n_outer = n_blocks // 2

    mesh = plsc.VectorSubcoreMesh(core_axis_name="c", subcore_axis_name="s")

    @functools.partial(
        pl.kernel,
        mesh=mesh,
        compiler_params=pltpu.CompilerParams(use_tc_tiling_on_sc=False),
        out_type=jax.ShapeDtypeStruct((b_tot, EMBED), jnp.float32),
        scratch_types=dict(
            idx_v=pltpu.VMEM((2, BLOCK, CHUNK), jnp.int32),
            rows_v=pltpu.VMEM((2, BLOCK, CHUNK, EMBED), jnp.float32),
            table_v=pltpu.VMEM_SHARED((NUM_EMB, EMBED), jnp.float32),
            sem_i=pltpu.SemaphoreType.DMA,
            sem_g=pltpu.SemaphoreType.DMA,
            sem_w=pltpu.SemaphoreType.DMA,
        ),
    )
    def k(idx_hbm, table_hbm, out_hbm, idx_v, rows_v, table_v,
          sem_i, sem_g, sem_w):
        wid = lax.axis_index("s") * NC + lax.axis_index("c")
        base_row = wid * rows_per_w
        @pl.when(lax.axis_index("s") == 0)
        def _():
            pltpu.sync_copy(table_hbm, table_v)
        plsc.subcore_barrier()

        def load_idx(blk, slot):
            row0 = base_row + blk * BLOCK
            pltpu.async_copy(
                idx_hbm.at[pl.ds(row0, BLOCK), :], idx_v.at[slot], sem_i
            )

        def drain_idx(slot):
            pltpu.make_async_copy(
                idx_hbm.at[pl.ds(base_row, BLOCK), :], idx_v.at[slot], sem_i
            ).wait()

        def fire_gathers(slot):
            for j in range(BLOCK):
                pltpu.async_copy(
                    table_v.at[idx_v.at[slot, j]], rows_v.at[slot, j], sem_g
                )

        def fire_writes(blk, slot):
            row0 = base_row + blk * BLOCK
            for j in range(BLOCK):
                pltpu.make_async_copy(
                    table_v.at[idx_v.at[slot, j]], rows_v.at[slot, j], sem_g
                ).wait()
                pltpu.async_copy(
                    rows_v.at[slot, j],
                    out_hbm.at[pl.ds((row0 + j) * CHUNK, CHUNK)],
                    sem_w,
                )

        def drain_writes(blk, slot):
            row0 = base_row + blk * BLOCK
            for j in range(BLOCK):
                pltpu.make_async_copy(
                    rows_v.at[slot, j],
                    out_hbm.at[pl.ds((row0 + j) * CHUNK, CHUNK)],
                    sem_w,
                ).wait()

        def step(blk, slot, prefetch):
            other = 1 - slot
            fire_writes(blk, slot)
            drain_idx(other)
            if prefetch:
                load_idx(blk + 2, slot)
            fire_gathers(other)
            drain_writes(blk, slot)

        load_idx(0, 0)
        drain_idx(0)
        load_idx(1, 1)
        fire_gathers(0)

        def outer(i, carry):
            blk = i * 2
            step(blk, 0, True)
            step(blk + 1, 1, True)
            return carry

        lax.fori_loop(0, n_outer - 1, outer, 0, unroll=False)

        blk = (n_outer - 1) * 2
        step(blk, 0, False)
        fire_writes(blk + 1, 1)
        drain_writes(blk + 1, 1)

    return k(idx2d, table)


def kernel(time, table):
    b, h = time.shape
    idx2d = time.reshape(b * h // CHUNK, CHUNK).astype(jnp.int32)
    out = _sc_embedding_lookup(idx2d, table, b_tot=b * h)
    return out.reshape(b, h, EMBED)

# --- scband reference (transcript-rebuilt; emitter-appended) ---
"""Pipeline reference for scband-time-embedding-model-6219112644722 (READ-ONLY COPY).

The authoritative reference and input builder live on the scoring server;
editing this copy changes nothing except your own understanding.
"""

import jax, jax.numpy as jnp
import numpy as np

NUM_EMBEDDINGS = 49
EMBED_SIZE = 64
BATCH = 16384
HIST = 200

def setup_inputs(seed: int = 0) -> dict:
    key = jax.random.key(seed)
    k1, k2 = jax.random.split(key)
    time = jax.random.randint(k1, (BATCH, HIST), 0, NUM_EMBEDDINGS, dtype=jnp.int64 if jax.config.jax_enable_x64 else jnp.int32)
    table = jax.random.normal(k2, (NUM_EMBEDDINGS, EMBED_SIZE), dtype=jnp.float32)
    return {"time": time, "table": table}

def reference(time, table):
    # nn.Embedding lookup: gather rows of the table by integer index
    embed = jnp.take(table, time, axis=0)
    return embed

if __name__ == "__main__":
    import jax
    _d = setup_inputs()
    print(jax.jit(kernel)(*tuple(_d.values())))

</pallas_src>

<mosaic_0001>
#map = affine_map<(d0, d1) -> (0, 0)>
module attributes {stable_mosaic.version = 14 : i64} {
  func.func @k(%arg0: i32, %arg1: i32, %arg2: memref<25600x128xi32, #tpu.memory_space<hbm>>, %arg3: memref<49x64xf32, #tpu.memory_space<hbm>>, %arg4: memref<3276800x64xf32, #tpu.memory_space<hbm>>, %arg5: memref<2x5x128xi32, #tpu.memory_space<vmem>>, %arg6: memref<2x5x128x64xf32, #tpu.memory_space<vmem>>, %arg7: memref<!tpu.dma_semaphore, #tpu.memory_space<semaphore_mem>>, %arg8: memref<!tpu.dma_semaphore, #tpu.memory_space<semaphore_mem>>, %arg9: memref<!tpu.dma_semaphore, #tpu.memory_space<semaphore_mem>>, %arg10: memref<49x64xf32, #tpu.memory_space<vmem_shared>>) attributes {dimension_semantics = [#tpu.dimension_semantics<core_parallel>, #tpu.dimension_semantics<subcore_parallel>], iteration_bounds = array<i64: 2, 16>, scalar_prefetch = 0 : i64, scratch_operands = 6 : i64, tpu.core_type = #tpu.core_type<sc_vector_subcore>, window_params = [{transform_indices = #map}, {transform_indices = #map}, {transform_indices = #map}]} {
    %mul3A = arith.constant 2 : i32
    %mul3A_0 = arith.muli %arg1, %mul3A : i32
    %add3A = arith.addi %mul3A_0, %arg0 : i32
    %mul3A_1 = arith.constant 800 : i32
    %mul3A_2 = arith.muli %add3A, %mul3A_1 : i32
    %eq3A = arith.constant 0 : i32
    %eq3A_3 = arith.cmpi eq, %arg1, %eq3A : i32
    %convert_element_type3A = arith.extui %eq3A_3 : i1 to i32
    %cond3A = arith.constant 0 : i32
    %cond3A_4 = arith.cmpi ne, %convert_element_type3A, %cond3A : i32
    scf.if %cond3A_4 {
      "tpu.region"() ({
        %run_scoped3A = tpu.sem_alloc : memref<!tpu.dma_semaphore, #tpu.memory_space<semaphore_mem>>
        tpu.enqueue_dma source(%arg3 : memref<49x64xf32, #tpu.memory_space<hbm>>) target(%arg10 : memref<49x64xf32, #tpu.memory_space<vmem_shared>>) target_semaphore(%run_scoped3A : memref<!tpu.dma_semaphore, #tpu.memory_space<semaphore_mem>>)
        tpu.wait_dma2 semaphore(%run_scoped3A : memref<!tpu.dma_semaphore, #tpu.memory_space<semaphore_mem>>) src(%arg3 : memref<49x64xf32, #tpu.memory_space<hbm>>) dst(%arg10 : memref<49x64xf32, #tpu.memory_space<vmem_shared>>)
        tpu.yield
      }) : () -> ()
    } else {
    }
    %barrier3A = arith.constant 0 : index
    tpu.barrier barrier_id(%barrier3A)
    %add3A_5 = arith.constant 0 : i32
    %add3A_6 = arith.addi %mul3A_2, %add3A_5 : i32
    %dma_start3A = arith.constant 0 : i32
    %dma_start3A_7 = arith.constant 0 : i32
    %dma_start3A_8 = arith.constant 0 : i32
    %dma_start3A_9 = tpu.memref_slice %arg5[%dma_start3A, %dma_start3A_7, %dma_start3A_8] : memref<2x5x128xi32, #tpu.memory_space<vmem>> -> memref<1x5x128xi32, #tpu.memory_space<vmem>>
    %dma_start3A_10 = tpu.memref_squeeze %dma_start3A_9 : memref<1x5x128xi32, #tpu.memory_space<vmem>> -> memref<5x128xi32, #tpu.memory_space<vmem>>
    %dma_start3A_11 = arith.constant 0 : i32
    %dma_start3A_12 = tpu.memref_slice %arg2[%add3A_6, %dma_start3A_11] : memref<25600x128xi32, #tpu.memory_space<hbm>> -> memref<5x128xi32, #tpu.memory_space<hbm>>
    %dma_start3A_13 = arith.constant 0 : i32
    %dma_start3A_14 = arith.constant 0 : i32
    %dma_start3A_15 = tpu.memref_slice %arg5[%dma_start3A, %dma_start3A_13, %dma_start3A_14] : memref<2x5x128xi32, #tpu.memory_space<vmem>> -> memref<1x5x128xi32, #tpu.memory_space<vmem>>
    %dma_start3A_16 = tpu.memref_squeeze %dma_start3A_15 : memref<1x5x128xi32, #tpu.memory_space<vmem>> -> memref<5x128xi32, #tpu.memory_space<vmem>>
    %dma_start3A_17 = arith.constant 0 : i32
    %dma_start3A_18 = tpu.memref_slice %arg2[%add3A_6, %dma_start3A_17] : memref<25600x128xi32, #tpu.memory_space<hbm>> -> memref<5x128xi32, #tpu.memory_space<hbm>>
    tpu.enqueue_dma source(%dma_start3A_18 : memref<5x128xi32, #tpu.memory_space<hbm>>) target(%dma_start3A_16 : memref<5x128xi32, #tpu.memory_space<vmem>>) target_semaphore(%arg8 : memref<!tpu.dma_semaphore, #tpu.memory_space<semaphore_mem>>)
    %dma_wait3A = arith.constant 0 : i32
    %dma_wait3A_19 = arith.constant 0 : i32
    %dma_wait3A_20 = arith.constant 0 : i32
    %dma_wait3A_21 = tpu.memref_slice %arg5[%dma_wait3A, %dma_wait3A_19, %dma_wait3A_20] : memref<2x5x128xi32, #tpu.memory_space<vmem>> -> memref<1x5x128xi32, #tpu.memory_space<vmem>>
    %dma_wait3A_22 = tpu.memref_squeeze %dma_wait3A_21 : memref<1x5x128xi32, #tpu.memory_space<vmem>> -> memref<5x128xi32, #tpu.memory_space<vmem>>
    %dma_wait3A_23 = arith.constant 0 : i32
    %dma_wait3A_24 = tpu.memref_slice %arg2[%mul3A_2, %dma_wait3A_23] : memref<25600x128xi32, #tpu.memory_space<hbm>> -> memref<5x128xi32, #tpu.memory_space<hbm>>
    %dma_wait3A_25 = arith.constant 0 : i32
    %dma_wait3A_26 = arith.constant 0 : i32
    %dma_wait3A_27 = tpu.memref_slice %arg5[%dma_wait3A, %dma_wait3A_25, %dma_wait3A_26] : memref<2x5x128xi32, #tpu.memory_space<vmem>> -> memref<1x5x128xi32, #tpu.memory_space<vmem>>
    %dma_wait3A_28 = tpu.memref_squeeze %dma_wait3A_27 : memref<1x5x128xi32, #tpu.memory_space<vmem>> -> memref<5x128xi32, #tpu.memory_space<vmem>>
    %dma_wait3A_29 = arith.constant 0 : i32
    %dma_wait3A_30 = tpu.memref_slice %arg2[%mul3A_2, %dma_wait3A_29] : memref<25600x128xi32, #tpu.memory_space<hbm>> -> memref<5x128xi32, #tpu.memory_space<hbm>>
    tpu.wait_dma2 semaphore(%arg8 : memref<!tpu.dma_semaphore, #tpu.memory_space<semaphore_mem>>) src(%dma_wait3A_30 : memref<5x128xi32, #tpu.memory_space<hbm>>) dst(%dma_wait3A_28 : memref<5x128xi32, #tpu.memory_space<vmem>>)
    %add3A_31 = arith.constant 5 : i32
    %add3A_32 = arith.addi %mul3A_2, %add3A_31 : i32
    %dma_start3A_33 = arith.constant 1 : i32
    %dma_start3A_34 = arith.constant 0 : i32
    %dma_start3A_35 = arith.constant 0 : i32
    %dma_start3A_36 = tpu.memref_slice %arg5[%dma_start3A_33, %dma_start3A_34, %dma_start3A_35] : memref<2x5x128xi32, #tpu.memory_space<vmem>> -> memref<1x5x128xi32, #tpu.memory_space<vmem>>
    %dma_start3A_37 = tpu.memref_squeeze %dma_start3A_36 : memref<1x5x128xi32, #tpu.memory_space<vmem>> -> memref<5x128xi32, #tpu.memory_space<vmem>>
    %dma_start3A_38 = arith.constant 0 : i32
    %dma_start3A_39 = tpu.memref_slice %arg2[%add3A_32, %dma_start3A_38] : memref<25600x128xi32, #tpu.memory_space<hbm>> -> memref<5x128xi32, #tpu.memory_space<hbm>>
    %dma_start3A_40 = arith.constant 0 : i32
    %dma_start3A_41 = arith.constant 0 : i32
    %dma_start3A_42 = tpu.memref_slice %arg5[%dma_start3A_33, %dma_start3A_40, %dma_start3A_41] : memref<2x5x128xi32, #tpu.memory_space<vmem>> -> memref<1x5x128xi32, #tpu.memory_space<vmem>>
    %dma_start3A_43 = tpu.memref_squeeze %dma_start3A_42 : memref<1x5x128xi32, #tpu.memory_space<vmem>> -> memref<5x128xi32, #tpu.memory_space<vmem>>
    %dma_start3A_44 = arith.constant 0 : i32
    %dma_start3A_45 = tpu.memref_slice %arg2[%add3A_32, %dma_start3A_44] : memref<25600x128xi32, #tpu.memory_space<hbm>> -> memref<5x128xi32, #tpu.memory_space<hbm>>
    tpu.enqueue_dma source(%dma_start3A_45 : memref<5x128xi32, #tpu.memory_space<hbm>>) target(%dma_start3A_43 : memref<5x128xi32, #tpu.memory_space<vmem>>) target_semaphore(%arg8 : memref<!tpu.dma_semaphore, #tpu.memory_space<semaphore_mem>>)
    %dma_start3A_46 = arith.constant 0 : i32
    %dma_start3A_47 = arith.constant 0 : i32
    %dma_start3A_48 = arith.constant 0 : i32
    %dma_start3A_49 = arith.constant 0 : i32
    %dma_start3A_50 = arith.constant 0 : i32
    %dma_start3A_51 = arith.constant 0 : i32
    %dma_start3A_52 = tpu.memref_slice %arg6[%dma_start3A_48, %dma_start3A_49, %dma_start3A_50, %dma_start3A_51] : memref<2x5x128x64xf32, #tpu.memory_space<vmem>> -> memref<1x1x128x64xf32, #tpu.memory_space<vmem>>
    %dma_start3A_53 = tpu.memref_squeeze %dma_start3A_52 : memref<1x1x128x64xf32, #tpu.memory_space<vmem>> -> memref<128x64xf32, #tpu.memory_space<vmem>>
    %dma_start3A_54 = arith.constant 0 : i32
    %dma_start3A_55 = tpu.memref_slice %arg5[%dma_start3A_46, %dma_start3A_47, %dma_start3A_54] : memref<2x5x128xi32, #tpu.memory_space<vmem>> -> memref<1x1x128xi32, #tpu.memory_space<vmem>>
    %dma_start3A_56 = tpu.memref_squeeze %dma_start3A_55 : memref<1x1x128xi32, #tpu.memory_space<vmem>> -> memref<128xi32, #tpu.memory_space<vmem>>
    %dma_start3A_57 = arith.constant 0 : i32
    %dma_start3A_58 = arith.constant 0 : i32
    %dma_start3A_59 = tpu.memref_slice %arg10[%dma_start3A_57, %dma_start3A_58] : memref<49x64xf32, #tpu.memory_space<vmem_shared>> -> memref<49x64xf32, #tpu.memory_space<vmem_shared>>
    tpu.enqueue_indirect_dma source(%dma_start3A_59 : memref<49x64xf32, #tpu.memory_space<vmem_shared>>) target(%dma_start3A_53 : memref<128x64xf32, #tpu.memory_space<vmem>>) offsets(%dma_start3A_56 : memref<128xi32, #tpu.memory_space<vmem>>) semaphore(%arg7 : memref<!tpu.dma_semaphore, #tpu.memory_space<semaphore_mem>>)
    %dma_start3A_60 = arith.constant 0 : i32
    %dma_start3A_61 = arith.constant 1 : i32
    %dma_start3A_62 = arith.constant 0 : i32
    %dma_start3A_63 = arith.constant 1 : i32
    %dma_start3A_64 = arith.constant 0 : i32
    %dma_start3A_65 = arith.constant 0 : i32
    %dma_start3A_66 = tpu.memref_slice %arg6[%dma_start3A_62, %dma_start3A_63, %dma_start3A_64, %dma_start3A_65] : memref<2x5x128x64xf32, #tpu.memory_space<vmem>> -> memref<1x1x128x64xf32, #tpu.memory_space<vmem>>
    %dma_start3A_67 = tpu.memref_squeeze %dma_start3A_66 : memref<1x1x128x64xf32, #tpu.memory_space<vmem>> -> memref<128x64xf32, #tpu.memory_space<vmem>>
    %dma_start3A_68 = arith.constant 0 : i32
    %dma_start3A_69 = tpu.memref_slice %arg5[%dma_start3A_60, %dma_start3A_61, %dma_start3A_68] : memref<2x5x128xi32, #tpu.memory_space<vmem>> -> memref<1x1x128xi32, #tpu.memory_space<vmem>>
    %dma_start3A_70 = tpu.memref_squeeze %dma_start3A_69 : memref<1x1x128xi32, #tpu.memory_space<vmem>> -> memref<128xi32, #tpu.memory_space<vmem>>
    %dma_start3A_71 = arith.constant 0 : i32
    %dma_start3A_72 = arith.constant 0 : i32
    %dma_start3A_73 = tpu.memref_slice %arg10[%dma_start3A_71, %dma_start3A_72] : memref<49x64xf32, #tpu.memory_space<vmem_shared>> -> memref<49x64xf32, #tpu.memory_space<vmem_shared>>
    tpu.enqueue_indirect_dma source(%dma_start3A_73 : memref<49x64xf32, #tpu.memory_space<vmem_shared>>) target(%dma_start3A_67 : memref<128x64xf32, #tpu.memory_space<vmem>>) offsets(%dma_start3A_70 : memref<128xi32, #tpu.memory_space<vmem>>) semaphore(%arg7 : memref<!tpu.dma_semaphore, #tpu.memory_space<semaphore_mem>>)
    %dma_start3A_74 = arith.constant 0 : i32
    %dma_start3A_75 = arith.constant 2 : i32
    %dma_start3A_76 = arith.constant 0 : i32
    %dma_start3A_77 = arith.constant 2 : i32
    %dma_start3A_78 = arith.constant 0 : i32
    %dma_start3A_79 = arith.constant 0 : i32
    %dma_start3A_80 = tpu.memref_slice %arg6[%dma_start3A_76, %dma_start3A_77, %dma_start3A_78, %dma_start3A_79] : memref<2x5x128x64xf32, #tpu.memory_space<vmem>> -> memref<1x1x128x64xf32, #tpu.memory_space<vmem>>
    %dma_start3A_81 = tpu.memref_squeeze %dma_start3A_80 : memref<1x1x128x64xf32, #tpu.memory_space<vmem>> -> memref<128x64xf32, #tpu.memory_space<vmem>>
    %dma_start3A_82 = arith.constant 0 : i32
    %dma_start3A_83 = tpu.memref_slice %arg5[%dma_start3A_74, %dma_start3A_75, %dma_start3A_82] : memref<2x5x128xi32, #tpu.memory_space<vmem>> -> memref<1x1x128xi32, #tpu.memory_space<vmem>>
    %dma_start3A_84 = tpu.memref_squeeze %dma_start3A_83 : memref<1x1x128xi32, #tpu.memory_space<vmem>> -> memref<128xi32, #tpu.memory_space<vmem>>
    %dma_start3A_85 = arith.constant 0 : i32
    %dma_start3A_86 = arith.constant 0 : i32
    %dma_start3A_87 = tpu.memref_slice %arg10[%dma_start3A_85, %dma_start3A_86] : memref<49x64xf32, #tpu.memory_space<vmem_shared>> -> memref<49x64xf32, #tpu.memory_space<vmem_shared>>
    tpu.enqueue_indirect_dma source(%dma_start3A_87 : memref<49x64xf32, #tpu.memory_space<vmem_shared>>) target(%dma_start3A_81 : memref<128x64xf32, #tpu.memory_space<vmem>>) offsets(%dma_start3A_84 : memref<128xi32, #tpu.memory_space<vmem>>) semaphore(%arg7 : memref<!tpu.dma_semaphore, #tpu.memory_space<semaphore_mem>>)
    %dma_start3A_88 = arith.constant 0 : i32
    %dma_start3A_89 = arith.constant 3 : i32
    %dma_start3A_90 = arith.constant 0 : i32
    %dma_start3A_91 = arith.constant 3 : i32
    %dma_start3A_92 = arith.constant 0 : i32
    %dma_start3A_93 = arith.constant 0 : i32
    %dma_start3A_94 = tpu.memref_slice %arg6[%dma_start3A_90, %dma_start3A_91, %dma_start3A_92, %dma_start3A_93] : memref<2x5x128x64xf32, #tpu.memory_space<vmem>> -> memref<1x1x128x64xf32, #tpu.memory_space<vmem>>
    %dma_start3A_95 = tpu.memref_squeeze %dma_start3A_94 : memref<1x1x128x64xf32, #tpu.memory_space<vmem>> -> memref<128x64xf32, #tpu.memory_space<vmem>>
    %dma_start3A_96 = arith.constant 0 : i32
    %dma_start3A_97 = tpu.memref_slice %arg5[%dma_start3A_88, %dma_start3A_89, %dma_start3A_96] : memref<2x5x128xi32, #tpu.memory_space<vmem>> -> memref<1x1x128xi32, #tpu.memory_space<vmem>>
    %dma_start3A_98 = tpu.memref_squeeze %dma_start3A_97 : memref<1x1x128xi32, #tpu.memory_space<vmem>> -> memref<128xi32, #tpu.memory_space<vmem>>
    %dma_start3A_99 = arith.constant 0 : i32
    %dma_start3A_100 = arith.constant 0 : i32
    %dma_start3A_101 = tpu.memref_slice %arg10[%dma_start3A_99, %dma_start3A_100] : memref<49x64xf32, #tpu.memory_space<vmem_shared>> -> memref<49x64xf32, #tpu.memory_space<vmem_shared>>
    tpu.enqueue_indirect_dma source(%dma_start3A_101 : memref<49x64xf32, #tpu.memory_space<vmem_shared>>) target(%dma_start3A_95 : memref<128x64xf32, #tpu.memory_space<vmem>>) offsets(%dma_start3A_98 : memref<128xi32, #tpu.memory_space<vmem>>) semaphore(%arg7 : memref<!tpu.dma_semaphore, #tpu.memory_space<semaphore_mem>>)
    %dma_start3A_102 = arith.constant 0 : i32
    %dma_start3A_103 = arith.constant 4 : i32
    %dma_start3A_104 = arith.constant 0 : i32
    %dma_start3A_105 = arith.constant 4 : i32
    %dma_start3A_106 = arith.constant 0 : i32
    %dma_start3A_107 = arith.constant 0 : i32
    %dma_start3A_108 = tpu.memref_slice %arg6[%dma_start3A_104, %dma_start3A_105, %dma_start3A_106, %dma_start3A_107] : memref<2x5x128x64xf32, #tpu.memory_space<vmem>> -> memref<1x1x128x64xf32, #tpu.memory_space<vmem>>
    %dma_start3A_109 = tpu.memref_squeeze %dma_start3A_108 : memref<1x1x128x64xf32, #tpu.memory_space<vmem>> -> memref<128x64xf32, #tpu.memory_space<vmem>>
    %dma_start3A_110 = arith.constant 0 : i32
    %dma_start3A_111 = tpu.memref_slice %arg5[%dma_start3A_102, %dma_start3A_103, %dma_start3A_110] : memref<2x5x128xi32, #tpu.memory_space<vmem>> -> memref<1x1x128xi32, #tpu.memory_space<vmem>>
    %dma_start3A_112 = tpu.memref_squeeze %dma_start3A_111 : memref<1x1x128xi32, #tpu.memory_space<vmem>> -> memref<128xi32, #tpu.memory_space<vmem>>
    %dma_start3A_113 = arith.constant 0 : i32
    %dma_start3A_114 = arith.constant 0 : i32
    %dma_start3A_115 = tpu.memref_slice %arg10[%dma_start3A_113, %dma_start3A_114] : memref<49x64xf32, #tpu.memory_space<vmem_shared>> -> memref<49x64xf32, #tpu.memory_space<vmem_shared>>
    tpu.enqueue_indirect_dma source(%dma_start3A_115 : memref<49x64xf32, #tpu.memory_space<vmem_shared>>) target(%dma_start3A_109 : memref<128x64xf32, #tpu.memory_space<vmem>>) offsets(%dma_start3A_112 : memref<128xi32, #tpu.memory_space<vmem>>) semaphore(%arg7 : memref<!tpu.dma_semaphore, #tpu.memory_space<semaphore_mem>>)
    %scan3A = arith.constant 0 : i32
    %scan3A_116 = arith.constant 0 : i32
    %scan3A_117 = arith.constant 79 : i32
    %scan3A_118 = arith.addi %scan3A_116, %scan3A_117 : i32
    %scan3A_119 = arith.constant 1 : i32
    scf.for %scan3A_712 = %scan3A_116 to %scan3A_118 step %scan3A_119  : i32 {
      %mul3A_713 = arith.constant 2 : i32
      %mul3A_714 = arith.muli %scan3A_712, %mul3A_713 : i32
      %mul3A_715 = arith.constant 5 : i32
      %mul3A_716 = arith.muli %mul3A_714, %mul3A_715 : i32
      %add3A_717 = arith.addi %mul3A_2, %mul3A_716 : i32
      %dma_wait3A_718 = arith.constant 0 : i32
      %dma_wait3A_719 = arith.constant 0 : i32
      %dma_wait3A_720 = arith.constant 0 : i32
      %dma_wait3A_721 = arith.constant 0 : i32
      %dma_wait3A_722 = arith.constant 0 : i32
      %dma_wait3A_723 = arith.constant 0 : i32
      %dma_wait3A_724 = tpu.memref_slice %arg6[%dma_wait3A_720, %dma_wait3A_721, %dma_wait3A_722, %dma_wait3A_723] : memref<2x5x128x64xf32, #tpu.memory_space<vmem>> -> memref<1x1x128x64xf32, #tpu.memory_space<vmem>>
      %dma_wait3A_725 = tpu.memref_squeeze %dma_wait3A_724 : memref<1x1x128x64xf32, #tpu.memory_space<vmem>> -> memref<128x64xf32, #tpu.memory_space<vmem>>
      %dma_wait3A_726 = arith.constant 0 : i32
      %dma_wait3A_727 = tpu.memref_slice %arg5[%dma_wait3A_718, %dma_wait3A_719, %dma_wait3A_726] : memref<2x5x128xi32, #tpu.memory_space<vmem>> -> memref<1x1x128xi32, #tpu.memory_space<vmem>>
      %dma_wait3A_728 = tpu.memref_squeeze %dma_wait3A_727 : memref<1x1x128xi32, #tpu.memory_space<vmem>> -> memref<128xi32, #tpu.memory_space<vmem>>
      %dma_wait3A_729 = arith.constant 0 : i32
      %dma_wait3A_730 = arith.constant 0 : i32
      %dma_wait3A_731 = tpu.memref_slice %arg10[%dma_wait3A_729, %dma_wait3A_730] : memref<49x64xf32, #tpu.memory_space<vmem_shared>> -> memref<49x64xf32, #tpu.memory_space<vmem_shared>>
      tpu.wait_indirect_dma semaphore(%arg7 : memref<!tpu.dma_semaphore, #tpu.memory_space<semaphore_mem>>) src(%dma_wait3A_731 : memref<49x64xf32, #tpu.memory_space<vmem_shared>>) dst(%dma_wait3A_725 : memref<128x64xf32, #tpu.memory_space<vmem>>)
      %add3A_732 = arith.constant 0 : i32
      %add3A_733 = arith.addi %add3A_717, %add3A_732 : i32
      %mul3A_734 = arith.constant 128 : i32
      %mul3A_735 = arith.muli %add3A_733, %mul3A_734 : i32
      %dma_start3A_736 = arith.constant 0 : i32
      %dma_start3A_737 = arith.constant 0 : i32
      %dma_start3A_738 = arith.constant 0 : i32
      %dma_start3A_739 = arith.constant 0 : i32
      %dma_start3A_740 = tpu.memref_slice %arg6[%dma_start3A_736, %dma_start3A_737, %dma_start3A_738, %dma_start3A_739] : memref<2x5x128x64xf32, #tpu.memory_space<vmem>> -> memref<1x1x128x64xf32, #tpu.memory_space<vmem>>
      %dma_start3A_741 = tpu.memref_squeeze %dma_start3A_740 : memref<1x1x128x64xf32, #tpu.memory_space<vmem>> -> memref<128x64xf32, #tpu.memory_space<vmem>>
      %dma_start3A_742 = arith.constant 0 : i32
      %dma_start3A_743 = tpu.memref_slice %arg4[%mul3A_735, %dma_start3A_742] : memref<3276800x64xf32, #tpu.memory_space<hbm>> -> memref<128x64xf32, #tpu.memory_space<hbm>>
      %dma_start3A_744 = arith.constant 0 : i32
      %dma_start3A_745 = tpu.memref_slice %arg4[%mul3A_735, %dma_start3A_744] : memref<3276800x64xf32, #tpu.memory_space<hbm>> -> memref<128x64xf32, #tpu.memory_space<hbm>>
      %dma_start3A_746 = arith.constant 0 : i32
      %dma_start3A_747 = arith.constant 0 : i32
      %dma_start3A_748 = tpu.memref_slice %arg6[%dma_start3A_736, %dma_start3A_737, %dma_start3A_746, %dma_start3A_747] : memref<2x5x128x64xf32, #tpu.memory_space<vmem>> -> memref<1x1x128x64xf32, #tpu.memory_space<vmem>>
      %dma_start3A_749 = tpu.memref_squeeze %dma_start3A_748 : memref<1x1x128x64xf32, #tpu.memory_space<vmem>> -> memref<128x64xf32, #tpu.memory_space<vmem>>
      tpu.enqueue_dma source(%dma_start3A_749 : memref<128x64xf32, #tpu.memory_space<vmem>>) target(%dma_start3A_745 : memref<128x64xf32, #tpu.memory_space<hbm>>) target_semaphore(%arg9 : memref<!tpu.dma_semaphore, #tpu.memory_space<semaphore_mem>>)
      %dma_wait3A_750 = arith.constant 0 : i32
      %dma_wait3A_751 = arith.constant 1 : i32
      %dma_wait3A_752 = arith.constant 0 : i32
      %dma_wait3A_753 = arith.constant 1 : i32
      %dma_wait3A_754 = arith.constant 0 : i32
      %dma_wait3A_755 = arith.constant 0 : i32
      %dma_wait3A_756 = tpu.memref_slice %arg6[%dma_wait3A_752, %dma_wait3A_753, %dma_wait3A_754, %dma_wait3A_755] : memref<2x5x128x64xf32, #tpu.memory_space<vmem>> -> memref<1x1x128x64xf32, #tpu.memory_space<vmem>>
      %dma_wait3A_757 = tpu.memref_squeeze %dma_wait3A_756 : memref<1x1x128x64xf32, #tpu.memory_space<vmem>> -> memref<128x64xf32, #tpu.memory_space<vmem>>
      %dma_wait3A_758 = arith.constant 0 : i32
      %dma_wait3A_759 = tpu.memref_slice %arg5[%dma_wait3A_750, %dma_wait3A_751, %dma_wait3A_758] : memref<2x5x128xi32, #tpu.memory_space<vmem>> -> memref<1x1x128xi32, #tpu.memory_space<vmem>>
      %dma_wait3A_760 = tpu.memref_squeeze %dma_wait3A_759 : memref<1x1x128xi32, #tpu.memory_space<vmem>> -> memref<128xi32, #tpu.memory_space<vmem>>
      %dma_wait3A_761 = arith.constant 0 : i32
      %dma_wait3A_762 = arith.constant 0 : i32
      %dma_wait3A_763 = tpu.memref_slice %arg10[%dma_wait3A_761, %dma_wait3A_762] : memref<49x64xf32, #tpu.memory_space<vmem_shared>> -> memref<49x64xf32, #tpu.memory_space<vmem_shared>>
      tpu.wait_indirect_dma semaphore(%arg7 : memref<!tpu.dma_semaphore, #tpu.memory_space<semaphore_mem>>) src(%dma_wait3A_763 : memref<49x64xf32, #tpu.memory_space<vmem_shared>>) dst(%dma_wait3A_757 : memref<128x64xf32, #tpu.memory_space<vmem>>)
      %add3A_764 = arith.constant 1 : i32
      %add3A_765 = arith.addi %add3A_717, %add3A_764 : i32
      %mul3A_766 = arith.constant 128 : i32
      %mul3A_767 = arith.muli %add3A_765, %mul3A_766 : i32
      %dma_start3A_768 = arith.constant 0 : i32
      %dma_start3A_769 = arith.constant 1 : i32
      %dma_start3A_770 = arith.constant 0 : i32
      %dma_start3A_771 = arith.constant 0 : i32
      %dma_start3A_772 = tpu.memref_slice %arg6[%dma_start3A_768, %dma_start3A_769, %dma_start3A_770, %dma_start3A_771] : memref<2x5x128x64xf32, #tpu.memory_space<vmem>> -> memref<1x1x128x64xf32, #tpu.memory_space<vmem>>
      %dma_start3A_773 = tpu.memref_squeeze %dma_start3A_772 : memref<1x1x128x64xf32, #tpu.memory_space<vmem>> -> memref<128x64xf32, #tpu.memory_space<vmem>>
      %dma_start3A_774 = arith.constant 0 : i32
      %dma_start3A_775 = tpu.memref_slice %arg4[%mul3A_767, %dma_start3A_774] : memref<3276800x64xf32, #tpu.memory_space<hbm>> -> memref<128x64xf32, #tpu.memory_space<hbm>>
      %dma_start3A_776 = arith.constant 0 : i32
      %dma_start3A_777 = tpu.memref_slice %arg4[%mul3A_767, %dma_start3A_776] : memref<3276800x64xf32, #tpu.memory_space<hbm>> -> memref<128x64xf32, #tpu.memory_space<hbm>>
      %dma_start3A_778 = arith.constant 0 : i32
      %dma_start3A_779 = arith.constant 0 : i32
      %dma_start3A_780 = tpu.memref_slice %arg6[%dma_start3A_768, %dma_start3A_769, %dma_start3A_778, %dma_start3A_779] : memref<2x5x128x64xf32, #tpu.memory_space<vmem>> -> memref<1x1x128x64xf32, #tpu.memory_space<vmem>>
      %dma_start3A_781 = tpu.memref_squeeze %dma_start3A_780 : memref<1x1x128x64xf32, #tpu.memory_space<vmem>> -> memref<128x64xf32, #tpu.memory_space<vmem>>
      tpu.enqueue_dma source(%dma_start3A_781 : memref<128x64xf32, #tpu.memory_space<vmem>>) target(%dma_start3A_777 : memref<128x64xf32, #tpu.memory_space<hbm>>) target_semaphore(%arg9 : memref<!tpu.dma_semaphore, #tpu.memory_space<semaphore_mem>>)
      %dma_wait3A_782 = arith.constant 0 : i32
      %dma_wait3A_783 = arith.constant 2 : i32
      %dma_wait3A_784 = arith.constant 0 : i32
      %dma_wait3A_785 = arith.constant 2 : i32
      %dma_wait3A_786 = arith.constant 0 : i32
      %dma_wait3A_787 = arith.constant 0 : i32
      %dma_wait3A_788 = tpu.memref_slice %arg6[%dma_wait3A_784, %dma_wait3A_785, %dma_wait3A_786, %dma_wait3A_787] : memref<2x5x128x64xf32, #tpu.memory_space<vmem>> -> memref<1x1x128x64xf32, #tpu.memory_space<vmem>>
      %dma_wait3A_789 = tpu.memref_squeeze %dma_wait3A_788 : memref<1x1x128x64xf32, #tpu.memory_space<vmem>> -> memref<128x64xf32, #tpu.memory_space<vmem>>
      %dma_wait3A_790 = arith.constant 0 : i32
      %dma_wait3A_791 = tpu.memref_slice %arg5[%dma_wait3A_782, %dma_wait3A_783, %dma_wait3A_790] : memref<2x5x128xi32, #tpu.memory_space<vmem>> -> memref<1x1x128xi32, #tpu.memory_space<vmem>>
      %dma_wait3A_792 = tpu.memref_squeeze %dma_wait3A_791 : memref<1x1x128xi32, #tpu.memory_space<vmem>> -> memref<128xi32, #tpu.memory_space<vmem>>
      %dma_wait3A_793 = arith.constant 0 : i32
      %dma_wait3A_794 = arith.constant 0 : i32
      %dma_wait3A_795 = tpu.memref_slice %arg10[%dma_wait3A_793, %dma_wait3A_794] : memref<49x64xf32, #tpu.memory_space<vmem_shared>> -> memref<49x64xf32, #tpu.memory_space<vmem_shared>>
      tpu.wait_indirect_dma semaphore(%arg7 : memref<!tpu.dma_semaphore, #tpu.memory_space<semaphore_mem>>) src(%dma_wait3A_795 : memref<49x64xf32, #tpu.memory_space<vmem_shared>>) dst(%dma_wait3A_789 : memref<128x64xf32, #tpu.memory_space<vmem>>)
      %add3A_796 = arith.constant 2 : i32
      %add3A_797 = arith.addi %add3A_717, %add3A_796 : i32
      %mul3A_798 = arith.constant 128 : i32
      %mul3A_799 = arith.muli %add3A_797, %mul3A_798 : i32
      %dma_start3A_800 = arith.constant 0 : i32
      %dma_start3A_801 = arith.constant 2 : i32
      %dma_start3A_802 = arith.constant 0 : i32
      %dma_start3A_803 = arith.constant 0 : i32
      %dma_start3A_804 = tpu.memref_slice %arg6[%dma_start3A_800, %dma_start3A_801, %dma_start3A_802, %dma_start3A_803] : memref<2x5x128x64xf32, #tpu.memory_space<vmem>> -> memref<1x1x128x64xf32, #tpu.memory_space<vmem>>
      %dma_start3A_805 = tpu.memref_squeeze %dma_start3A_804 : memref<1x1x128x64xf32, #tpu.memory_space<vmem>> -> memref<128x64xf32, #tpu.memory_space<vmem>>
      %dma_start3A_806 = arith.constant 0 : i32
      %dma_start3A_807 = tpu.memref_slice %arg4[%mul3A_799, %dma_start3A_806] : memref<3276800x64xf32, #tpu.memory_space<hbm>> -> memref<128x64xf32, #tpu.memory_space<hbm>>
      %dma_start3A_808 = arith.constant 0 : i32
      %dma_start3A_809 = tpu.memref_slice %arg4[%mul3A_799, %dma_start3A_808] : memref<3276800x64xf32, #tpu.memory_space<hbm>> -> memref<128x64xf32, #tpu.memory_space<hbm>>
      %dma_start3A_810 = arith.constant 0 : i32
      %dma_start3A_811 = arith.constant 0 : i32
      %dma_start3A_812 = tpu.memref_slice %arg6[%dma_start3A_800, %dma_start3A_801, %dma_start3A_810, %dma_start3A_811] : memref<2x5x128x64xf32, #tpu.memory_space<vmem>> -> memref<1x1x128x64xf32, #tpu.memory_space<vmem>>
      %dma_start3A_813 = tpu.memref_squeeze %dma_start3A_812 : memref<1x1x128x64xf32, #tpu.memory_space<vmem>> -> memref<128x64xf32, #tpu.memory_space<vmem>>
      tpu.enqueue_dma source(%dma_start3A_813 : memref<128x64xf32, #tpu.memory_space<vmem>>) target(%dma_start3A_809 : memref<128x64xf32, #tpu.memory_space<hbm>>) target_semaphore(%arg9 : memref<!tpu.dma_semaphore, #tpu.memory_space<semaphore_mem>>)
      %dma_wait3A_814 = arith.constant 0 : i32
      %dma_wait3A_815 = arith.constant 3 : i32
      %dma_wait3A_816 = arith.constant 0 : i32
      %dma_wait3A_817 = arith.constant 3 : i32
      %dma_wait3A_818 = arith.constant 0 : i32
      %dma_wait3A_819 = arith.constant 0 : i32
      %dma_wait3A_820 = tpu.memref_slice %arg6[%dma_wait3A_816, %dma_wait3A_817, %dma_wait3A_818, %dma_wait3A_819] : memref<2x5x128x64xf32, #tpu.memory_space<vmem>> -> memref<1x1x128x64xf32, #tpu.memory_space<vmem>>
      %dma_wait3A_821 = tpu.memref_squeeze %dma_wait3A_820 : memref<1x1x128x64xf32, #tpu.memory_space<vmem>> -> memref<128x64xf32, #tpu.memory_space<vmem>>
      %dma_wait3A_822 = arith.constant 0 : i32
      %dma_wait3A_823 = tpu.memref_slice %arg5[%dma_wait3A_814, %dma_wait3A_815, %dma_wait3A_822] : memref<2x5x128xi32, #tpu.memory_space<vmem>> -> memref<1x1x128xi32, #tpu.memory_space<vmem>>
      %dma_wait3A_824 = tpu.memref_squeeze %dma_wait3A_823 : memref<1x1x128xi32, #tpu.memory_space<vmem>> -> memref<128xi32, #tpu.memory_space<vmem>>
      %dma_wait3A_825 = arith.constant 0 : i32
      %dma_wait3A_826 = arith.constant 0 : i32
      %dma_wait3A_827 = tpu.memref_slice %arg10[%dma_wait3A_825, %dma_wait3A_826] : memref<49x64xf32, #tpu.memory_space<vmem_shared>> -> memref<49x64xf32, #tpu.memory_space<vmem_shared>>
      tpu.wait_indirect_dma semaphore(%arg7 : memref<!tpu.dma_semaphore, #tpu.memory_space<semaphore_mem>>) src(%dma_wait3A_827 : memref<49x64xf32, #tpu.memory_space<vmem_shared>>) dst(%dma_wait3A_821 : memref<128x64xf32, #tpu.memory_space<vmem>>)
      %add3A_828 = arith.constant 3 : i32
      %add3A_829 = arith.addi %add3A_717, %add3A_828 : i32
      %mul3A_830 = arith.constant 128 : i32
      %mul3A_831 = arith.muli %add3A_829, %mul3A_830 : i32
      %dma_start3A_832 = arith.constant 0 : i32
      %dma_start3A_833 = arith.constant 3 : i32
      %dma_start3A_834 = arith.constant 0 : i32
      %dma_start3A_835 = arith.constant 0 : i32
      %dma_start3A_836 = tpu.memref_slice %arg6[%dma_start3A_832, %dma_start3A_833, %dma_start3A_834, %dma_start3A_835] : memref<2x5x128x64xf32, #tpu.memory_space<vmem>> -> memref<1x1x128x64xf32, #tpu.memory_space<vmem>>
      %dma_start3A_837 = tpu.memref_squeeze %dma_start3A_836 : memref<1x1x128x64xf32, #tpu.memory_space<vmem>> -> memref<128x64xf32, #tpu.memory_space<vmem>>
      %dma_start3A_838 = arith.constant 0 : i32
      %dma_start3A_839 = tpu.memref_slice %arg4[%mul3A_831, %dma_start3A_838] : memref<3276800x64xf32, #tpu.memory_space<hbm>> -> memref<128x64xf32, #tpu.memory_space<hbm>>
      %dma_start3A_840 = arith.constant 0 : i32
      %dma_start3A_841 = tpu.memref_slice %arg4[%mul3A_831, %dma_start3A_840] : memref<3276800x64xf32, #tpu.memory_space<hbm>> -> memref<128x64xf32, #tpu.memory_space<hbm>>
      %dma_start3A_842 = arith.constant 0 : i32
      %dma_start3A_843 = arith.constant 0 : i32
      %dma_start3A_844 = tpu.memref_slice %arg6[%dma_start3A_832, %dma_start3A_833, %dma_start3A_842, %dma_start3A_843] : memref<2x5x128x64xf32, #tpu.memory_space<vmem>> -> memref<1x1x128x64xf32, #tpu.memory_space<vmem>>
      %dma_start3A_845 = tpu.memref_squeeze %dma_start3A_844 : memref<1x1x128x64xf32, #tpu.memory_space<vmem>> -> memref<128x64xf32, #tpu.memory_space<vmem>>
      tpu.enqueue_dma source(%dma_start3A_845 : memref<128x64xf32, #tpu.memory_space<vmem>>) target(%dma_start3A_841 : memref<128x64xf32, #tpu.memory_space<hbm>>) target_semaphore(%arg9 : memref<!tpu.dma_semaphore, #tpu.memory_space<semaphore_mem>>)
      %dma_wait3A_846 = arith.constant 0 : i32
      %dma_wait3A_847 = arith.constant 4 : i32
      %dma_wait3A_848 = arith.constant 0 : i32
      %dma_wait3A_849 = arith.constant 4 : i32
      %dma_wait3A_850 = arith.constant 0 : i32
      %dma_wait3A_851 = arith.constant 0 : i32
      %dma_wait3A_852 = tpu.memref_slice %arg6[%dma_wait3A_848, %dma_wait3A_849, %dma_wait3A_850, %dma_wait3A_851] : memref<2x5x128x64xf32, #tpu.memory_space<vmem>> -> memref<1x1x128x64xf32, #tpu.memory_space<vmem>>
      %dma_wait3A_853 = tpu.memref_squeeze %dma_wait3A_852 : memref<1x1x128x64xf32, #tpu.memory_space<vmem>> -> memref<128x64xf32, #tpu.memory_space<vmem>>
      %dma_wait3A_854 = arith.constant 0 : i32
      %dma_wait3A_855 = tpu.memref_slice %arg5[%dma_wait3A_846, %dma_wait3A_847, %dma_wait3A_854] : memref<2x5x128xi32, #tpu.memory_space<vmem>> -> memref<1x1x128xi32, #tpu.memory_space<vmem>>
      %dma_wait3A_856 = tpu.memref_squeeze %dma_wait3A_855 : memref<1x1x128xi32, #tpu.memory_space<vmem>> -> memref<128xi32, #tpu.memory_space<vmem>>
      %dma_wait3A_857 = arith.constant 0 : i32
      %dma_wait3A_858 = arith.constant 0 : i32
      %dma_wait3A_859 = tpu.memref_slice %arg10[%dma_wait3A_857, %dma_wait3A_858] : memref<49x64xf32, #tpu.memory_space<vmem_shared>> -> memref<49x64xf32, #tpu.memory_space<vmem_shared>>
      tpu.wait_indirect_dma semaphore(%arg7 : memref<!tpu.dma_semaphore, #tpu.memory_space<semaphore_mem>>) src(%dma_wait3A_859 : memref<49x64xf32, #tpu.memory_space<vmem_shared>>) dst(%dma_wait3A_853 : memref<128x64xf32, #tpu.memory_space<vmem>>)
      %add3A_860 = arith.constant 4 : i32
      %add3A_861 = arith.addi %add3A_717, %add3A_860 : i32
      %mul3A_862 = arith.constant 128 : i32
      %mul3A_863 = arith.muli %add3A_861, %mul3A_862 : i32
      %dma_start3A_864 = arith.constant 0 : i32
      %dma_start3A_865 = arith.constant 4 : i32
      %dma_start3A_866 = arith.constant 0 : i32
      %dma_start3A_867 = arith.constant 0 : i32
      %dma_start3A_868 = tpu.memref_slice %arg6[%dma_start3A_864, %dma_start3A_865, %dma_start3A_866, %dma_start3A_867] : memref<2x5x128x64xf32, #tpu.memory_space<vmem>> -> memref<1x1x128x64xf32, #tpu.memory_space<vmem>>
      %dma_start3A_869 = tpu.memref_squeeze %dma_start3A_868 : memref<1x1x128x64xf32, #tpu.memory_space<vmem>> -> memref<128x64xf32, #tpu.memory_space<vmem>>
      %dma_start3A_870 = arith.constant 0 : i32
      %dma_start3A_871 = tpu.memref_slice %arg4[%mul3A_863, %dma_start3A_870] : memref<3276800x64xf32, #tpu.memory_space<hbm>> -> memref<128x64xf32, #tpu.memory_space<hbm>>
      %dma_start3A_872 = arith.constant 0 : i32
      %dma_start3A_873 = tpu.memref_slice %arg4[%mul3A_863, %dma_start3A_872] : memref<3276800x64xf32, #tpu.memory_space<hbm>> -> memref<128x64xf32, #tpu.memory_space<hbm>>
      %dma_start3A_874 = arith.constant 0 : i32
      %dma_start3A_875 = arith.constant 0 : i32
      %dma_start3A_876 = tpu.memref_slice %arg6[%dma_start3A_864, %dma_start3A_865, %dma_start3A_874, %dma_start3A_875] : memref<2x5x128x64xf32, #tpu.memory_space<vmem>> -> memref<1x1x128x64xf32, #tpu.memory_space<vmem>>
      %dma_start3A_877 = tpu.memref_squeeze %dma_start3A_876 : memref<1x1x128x64xf32, #tpu.memory_space<vmem>> -> memref<128x64xf32, #tpu.memory_space<vmem>>
      tpu.enqueue_dma source(%dma_start3A_877 : memref<128x64xf32, #tpu.memory_space<vmem>>) target(%dma_start3A_873 : memref<128x64xf32, #tpu.memory_space<hbm>>) target_semaphore(%arg9 : memref<!tpu.dma_semaphore, #tpu.memory_space<semaphore_mem>>)
      %dma_wait3A_878 = arith.constant 1 : i32
      %dma_wait3A_879 = arith.constant 0 : i32
      %dma_wait3A_880 = arith.constant 0 : i32
      %dma_wait3A_881 = tpu.memref_slice %arg5[%dma_wait3A_878, %dma_wait3A_879, %dma_wait3A_880] : memref<2x5x128xi32, #tpu.memory_space<vmem>> -> memref<1x5x128xi32, #tpu.memory_space<vmem>>
      %dma_wait3A_882 = tpu.memref_squeeze %dma_wait3A_881 : memref<1x5x128xi32, #tpu.memory_space<vmem>> -> memref<5x128xi32, #tpu.memory_space<vmem>>
      %dma_wait3A_883 = arith.constant 0 : i32
      %dma_wait3A_884 = tpu.memref_slice %arg2[%mul3A_2, %dma_wait3A_883] : memref<25600x128xi32, #tpu.memory_space<hbm>> -> memref<5x128xi32, #tpu.memory_space<hbm>>
      %dma_wait3A_885 = arith.constant 0 : i32
      %dma_wait3A_886 = arith.constant 0 : i32
      %dma_wait3A_887 = tpu.memref_slice %arg5[%dma_wait3A_878, %dma_wait3A_885, %dma_wait3A_886] : memref<2x5x128xi32, #tpu.memory_space<vmem>> -> memref<1x5x128xi32, #tpu.memory_space<vmem>>
      %dma_wait3A_888 = tpu.memref_squeeze %dma_wait3A_887 : memref<1x5x128xi32, #tpu.memory_space<vmem>> -> memref<5x128xi32, #tpu.memory_space<vmem>>
      %dma_wait3A_889 = arith.constant 0 : i32
      %dma_wait3A_890 = tpu.memref_slice %arg2[%mul3A_2, %dma_wait3A_889] : memref<25600x128xi32, #tpu.memory_space<hbm>> -> memref<5x128xi32, #tpu.memory_space<hbm>>
      tpu.wait_dma2 semaphore(%arg8 : memref<!tpu.dma_semaphore, #tpu.memory_space<semaphore_mem>>) src(%dma_wait3A_890 : memref<5x128xi32, #tpu.memory_space<hbm>>) dst(%dma_wait3A_888 : memref<5x128xi32, #tpu.memory_space<vmem>>)
      %add3A_891 = arith.constant 2 : i32
      %add3A_892 = arith.addi %mul3A_714, %add3A_891 : i32
      %mul3A_893 = arith.constant 5 : i32
      %mul3A_894 = arith.muli %add3A_892, %mul3A_893 : i32
      %add3A_895 = arith.addi %mul3A_2, %mul3A_894 : i32
      %dma_start3A_896 = arith.constant 0 : i32
      %dma_start3A_897 = arith.constant 0 : i32
      %dma_start3A_898 = arith.constant 0 : i32
      %dma_start3A_899 = tpu.memref_slice %arg5[%dma_start3A_896, %dma_start3A_897, %dma_start3A_898] : memref<2x5x128xi32, #tpu.memory_space<vmem>> -> memref<1x5x128xi32, #tpu.memory_space<vmem>>
      %dma_start3A_900 = tpu.memref_squeeze %dma_start3A_899 : memref<1x5x128xi32, #tpu.memory_space<vmem>> -> memref<5x128xi32, #tpu.memory_space<vmem>>
      %dma_start3A_901 = arith.constant 0 : i32
      %dma_start3A_902 = tpu.memref_slice %arg2[%add3A_895, %dma_start3A_901] : memref<25600x128xi32, #tpu.memory_space<hbm>> -> memref<5x128xi32, #tpu.memory_space<hbm>>
      %dma_start3A_903 = arith.constant 0 : i32
      %dma_start3A_904 = arith.constant 0 : i32
      %dma_start3A_905 = tpu.memref_slice %arg5[%dma_start3A_896, %dma_start3A_903, %dma_start3A_904] : memref<2x5x128xi32, #tpu.memory_space<vmem>> -> memref<1x5x128xi32, #tpu.memory_space<vmem>>
      %dma_start3A_906 = tpu.memref_squeeze %dma_start3A_905 : memref<1x5x128xi32, #tpu.memory_space<vmem>> -> memref<5x128xi32, #tpu.memory_space<vmem>>
      %dma_start3A_907 = arith.constant 0 : i32
      %dma_start3A_908 = tpu.memref_slice %arg2[%add3A_895, %dma_start3A_907] : memref<25600x128xi32, #tpu.memory_space<hbm>> -> memref<5x128xi32, #tpu.memory_space<hbm>>
      tpu.enqueue_dma source(%dma_start3A_908 : memref<5x128xi32, #tpu.memory_space<hbm>>) target(%dma_start3A_906 : memref<5x128xi32, #tpu.memory_space<vmem>>) target_semaphore(%arg8 : memref<!tpu.dma_semaphore, #tpu.memory_space<semaphore_mem>>)
      %dma_start3A_909 = arith.constant 1 : i32
      %dma_start3A_910 = arith.constant 0 : i32
      %dma_start3A_911 = arith.constant 1 : i32
      %dma_start3A_912 = arith.constant 0 : i32
      %dma_start3A_913 = arith.constant 0 : i32
      %dma_start3A_914 = arith.constant 0 : i32
      %dma_start3A_915 = tpu.memref_slice %arg6[%dma_start3A_911, %dma_start3A_912, %dma_start3A_913, %dma_start3A_914] : memref<2x5x128x64xf32, #tpu.memory_space<vmem>> -> memref<1x1x128x64xf32, #tpu.memory_space<vmem>>
      %dma_start3A_916 = tpu.memref_squeeze %dma_start3A_915 : memref<1x1x128x64xf32, #tpu.memory_space<vmem>> -> memref<128x64xf32, #tpu.memory_space<vmem>>
      %dma_start3A_917 = arith.constant 0 : i32
      %dma_start3A_918 = tpu.memref_slice %arg5[%dma_start3A_909, %dma_start3A_910, %dma_start3A_917] : memref<2x5x128xi32, #tpu.memory_space<vmem>> -> memref<1x1x128xi32, #tpu.memory_space<vmem>>
      %dma_start3A_919 = tpu.memref_squeeze %dma_start3A_918 : memref<1x1x128xi32, #tpu.memory_space<vmem>> -> memref<128xi32, #tpu.memory_space<vmem>>
      %dma_start3A_920 = arith.constant 0 : i32
      %dma_start3A_921 = arith.constant 0 : i32
      %dma_start3A_922 = tpu.memref_slice %arg10[%dma_start3A_920, %dma_start3A_921] : memref<49x64xf32, #tpu.memory_space<vmem_shared>> -> memref<49x64xf32, #tpu.memory_space<vmem_shared>>
      tpu.enqueue_indirect_dma source(%dma_start3A_922 : memref<49x64xf32, #tpu.memory_space<vmem_shared>>) target(%dma_start3A_916 : memref<128x64xf32, #tpu.memory_space<vmem>>) offsets(%dma_start3A_919 : memref<128xi32, #tpu.memory_space<vmem>>) semaphore(%arg7 : memref<!tpu.dma_semaphore, #tpu.memory_space<semaphore_mem>>)
      %dma_start3A_923 = arith.constant 1 : i32
      %dma_start3A_924 = arith.constant 1 : i32
      %dma_start3A_925 = arith.constant 1 : i32
      %dma_start3A_926 = arith.constant 1 : i32
      %dma_start3A_927 = arith.constant 0 : i32
      %dma_start3A_928 = arith.constant 0 : i32
      %dma_start3A_929 = tpu.memref_slice %arg6[%dma_start3A_925, %dma_start3A_926, %dma_start3A_927, %dma_start3A_928] : memref<2x5x128x64xf32, #tpu.memory_space<vmem>> -> memref<1x1x128x64xf32, #tpu.memory_space<vmem>>
      %dma_start3A_930 = tpu.memref_squeeze %dma_start3A_929 : memref<1x1x128x64xf32, #tpu.memory_space<vmem>> -> memref<128x64xf32, #tpu.memory_space<vmem>>
      %dma_start3A_931 = arith.constant 0 : i32
      %dma_start3A_932 = tpu.memref_slice %arg5[%dma_start3A_923, %dma_start3A_924, %dma_start3A_931] : memref<2x5x128xi32, #tpu.memory_space<vmem>> -> memref<1x1x128xi32, #tpu.memory_space<vmem>>
      %dma_start3A_933 = tpu.memref_squeeze %dma_start3A_932 : memref<1x1x128xi32, #tpu.memory_space<vmem>> -> memref<128xi32, #tpu.memory_space<vmem>>
      %dma_start3A_934 = arith.constant 0 : i32
      %dma_start3A_935 = arith.constant 0 : i32
      %dma_start3A_936 = tpu.memref_slice %arg10[%dma_start3A_934, %dma_start3A_935] : memref<49x64xf32, #tpu.memory_space<vmem_shared>> -> memref<49x64xf32, #tpu.memory_space<vmem_shared>>
      tpu.enqueue_indirect_dma source(%dma_start3A_936 : memref<49x64xf32, #tpu.memory_space<vmem_shared>>) target(%dma_start3A_930 : memref<128x64xf32, #tpu.memory_space<vmem>>) offsets(%dma_start3A_933 : memref<128xi32, #tpu.memory_space<vmem>>) semaphore(%arg7 : memref<!tpu.dma_semaphore, #tpu.memory_space<semaphore_mem>>)
      %dma_start3A_937 = arith.constant 1 : i32
      %dma_start3A_938 = arith.constant 2 : i32
      %dma_start3A_939 = arith.constant 1 : i32
      %dma_start3A_940 = arith.constant 2 : i32
      %dma_start3A_941 = arith.constant 0 : i32
      %dma_start3A_942 = arith.constant 0 : i32
      %dma_start3A_943 = tpu.memref_slice %arg6[%dma_start3A_939, %dma_start3A_940, %dma_start3A_941, %dma_start3A_942] : memref<2x5x128x64xf32, #tpu.memory_space<vmem>> -> memref<1x1x128x64xf32, #tpu.memory_space<vmem>>
      %dma_start3A_944 = tpu.memref_squeeze %dma_start3A_943 : memref<1x1x128x64xf32, #tpu.memory_space<vmem>> -> memref<128x64xf32, #tpu.memory_space<vmem>>
      %dma_start3A_945 = arith.constant 0 : i32
      %dma_start3A_946 = tpu.memref_slice %arg5[%dma_start3A_937, %dma_start3A_938, %dma_start3A_945] : memref<2x5x128xi32, #tpu.memory_space<vmem>> -> memref<1x1x128xi32, #tpu.memory_space<vmem>>
      %dma_start3A_947 = tpu.memref_squeeze %dma_start3A_946 : memref<1x1x128xi32, #tpu.memory_space<vmem>> -> memref<128xi32, #tpu.memory_space<vmem>>
      %dma_start3A_948 = arith.constant 0 : i32
      %dma_start3A_949 = arith.constant 0 : i32
      %dma_start3A_950 = tpu.memref_slice %arg10[%dma_start3A_948, %dma_start3A_949] : memref<49x64xf32, #tpu.memory_space<vmem_shared>> -> memref<49x64xf32, #tpu.memory_space<vmem_shared>>
      tpu.enqueue_indirect_dma source(%dma_start3A_950 : memref<49x64xf32, #tpu.memory_space<vmem_shared>>) target(%dma_start3A_944 : memref<128x64xf32, #tpu.memory_space<vmem>>) offsets(%dma_start3A_947 : memref<128xi32, #tpu.memory_space<vmem>>) semaphore(%arg7 : memref<!tpu.dma_semaphore, #tpu.memory_space<semaphore_mem>>)
      %dma_start3A_951 = arith.constant 1 : i32
      %dma_start3A_952 = arith.constant 3 : i32
      %dma_start3A_953 = arith.constant 1 : i32
      %dma_start3A_954 = arith.constant 3 : i32
      %dma_start3A_955 = arith.constant 0 : i32
      %dma_start3A_956 = arith.constant 0 : i32
      %dma_start3A_957 = tpu.memref_slice %arg6[%dma_start3A_953, %dma_start3A_954, %dma_start3A_955, %dma_start3A_956] : memref<2x5x128x64xf32, #tpu.memory_space<vmem>> -> memref<1x1x128x64xf32, #tpu.memory_space<vmem>>
      %dma_start3A_958 = tpu.memref_squeeze %dma_start3A_957 : memref<1x1x128x64xf32, #tpu.memory_space<vmem>> -> memref<128x64xf32, #tpu.memory_space<vmem>>
      %dma_start3A_959 = arith.constant 0 : i32
      %dma_start3A_960 = tpu.memref_slice %arg5[%dma_start3A_951, %dma_start3A_952, %dma_start3A_959] : memref<2x5x128xi32, #tpu.memory_space<vmem>> -> memref<1x1x128xi32, #tpu.memory_space<vmem>>
      %dma_start3A_961 = tpu.memref_squeeze %dma_start3A_960 : memref<1x1x128xi32, #tpu.memory_space<vmem>> -> memref<128xi32, #tpu.memory_space<vmem>>
      %dma_start3A_962 = arith.constant 0 : i32
      %dma_start3A_963 = arith.constant 0 : i32
      %dma_start3A_964 = tpu.memref_slice %arg10[%dma_start3A_962, %dma_start3A_963] : memref<49x64xf32, #tpu.memory_space<vmem_shared>> -> memref<49x64xf32, #tpu.memory_space<vmem_shared>>
      tpu.enqueue_indirect_dma source(%dma_start3A_964 : memref<49x64xf32, #tpu.memory_space<vmem_shared>>) target(%dma_start3A_958 : memref<128x64xf32, #tpu.memory_space<vmem>>) offsets(%dma_start3A_961 : memref<128xi32, #tpu.memory_space<vmem>>) semaphore(%arg7 : memref<!tpu.dma_semaphore, #tpu.memory_space<semaphore_mem>>)
      %dma_start3A_965 = arith.constant 1 : i32
      %dma_start3A_966 = arith.constant 4 : i32
      %dma_start3A_967 = arith.constant 1 : i32
      %dma_start3A_968 = arith.constant 4 : i32
      %dma_start3A_969 = arith.constant 0 : i32
      %dma_start3A_970 = arith.constant 0 : i32
      %dma_start3A_971 = tpu.memref_slice %arg6[%dma_start3A_967, %dma_start3A_968, %dma_start3A_969, %dma_start3A_970] : memref<2x5x128x64xf32, #tpu.memory_space<vmem>> -> memref<1x1x128x64xf32, #tpu.memory_space<vmem>>
      %dma_start3A_972 = tpu.memref_squeeze %dma_start3A_971 : memref<1x1x128x64xf32, #tpu.memory_space<vmem>> -> memref<128x64xf32, #tpu.memory_space<vmem>>
      %dma_start3A_973 = arith.constant 0 : i32
      %dma_start3A_974 = tpu.memref_slice %arg5[%dma_start3A_965, %dma_start3A_966, %dma_start3A_973] : memref<2x5x128xi32, #tpu.memory_space<vmem>> -> memref<1x1x128xi32, #tpu.memory_space<vmem>>
      %dma_start3A_975 = tpu.memref_squeeze %dma_start3A_974 : memref<1x1x128xi32, #tpu.memory_space<vmem>> -> memref<128xi32, #tpu.memory_space<vmem>>
      %dma_start3A_976 = arith.constant 0 : i32
      %dma_start3A_977 = arith.constant 0 : i32
      %dma_start3A_978 = tpu.memref_slice %arg10[%dma_start3A_976, %dma_start3A_977] : memref<49x64xf32, #tpu.memory_space<vmem_shared>> -> memref<49x64xf32, #tpu.memory_space<vmem_shared>>
      tpu.enqueue_indirect_dma source(%dma_start3A_978 : memref<49x64xf32, #tpu.memory_space<vmem_shared>>) target(%dma_start3A_972 : memref<128x64xf32, #tpu.memory_space<vmem>>) offsets(%dma_start3A_975 : memref<128xi32, #tpu.memory_space<vmem>>) semaphore(%arg7 : memref<!tpu.dma_semaphore, #tpu.memory_space<semaphore_mem>>)
      %mul3A_979 = arith.constant 5 : i32
      %mul3A_980 = arith.muli %mul3A_714, %mul3A_979 : i32
      %add3A_981 = arith.addi %mul3A_2, %mul3A_980 : i32
      %add3A_982 = arith.constant 0 : i32
      %add3A_983 = arith.addi %add3A_981, %add3A_982 : i32
      %mul3A_984 = arith.constant 128 : i32
      %mul3A_985 = arith.muli %add3A_983, %mul3A_984 : i32
      %dma_wait3A_986 = arith.constant 0 : i32
      %dma_wait3A_987 = arith.constant 0 : i32
      %dma_wait3A_988 = arith.constant 0 : i32
      %dma_wait3A_989 = arith.constant 0 : i32
      %dma_wait3A_990 = tpu.memref_slice %arg6[%dma_wait3A_986, %dma_wait3A_987, %dma_wait3A_988, %dma_wait3A_989] : memref<2x5x128x64xf32, #tpu.memory_space<vmem>> -> memref<1x1x128x64xf32, #tpu.memory_space<vmem>>
      %dma_wait3A_991 = tpu.memref_squeeze %dma_wait3A_990 : memref<1x1x128x64xf32, #tpu.memory_space<vmem>> -> memref<128x64xf32, #tpu.memory_space<vmem>>
      %dma_wait3A_992 = arith.constant 0 : i32
      %dma_wait3A_993 = tpu.memref_slice %arg4[%mul3A_985, %dma_wait3A_992] : memref<3276800x64xf32, #tpu.memory_space<hbm>> -> memref<128x64xf32, #tpu.memory_space<hbm>>
      %dma_wait3A_994 = arith.constant 0 : i32
      %dma_wait3A_995 = tpu.memref_slice %arg4[%mul3A_985, %dma_wait3A_994] : memref<3276800x64xf32, #tpu.memory_space<hbm>> -> memref<128x64xf32, #tpu.memory_space<hbm>>
      %dma_wait3A_996 = arith.constant 0 : i32
      %dma_wait3A_997 = arith.constant 0 : i32
      %dma_wait3A_998 = tpu.memref_slice %arg6[%dma_wait3A_986, %dma_wait3A_987, %dma_wait3A_996, %dma_wait3A_997] : memref<2x5x128x64xf32, #tpu.memory_space<vmem>> -> memref<1x1x128x64xf32, #tpu.memory_space<vmem>>
      %dma_wait3A_999 = tpu.memref_squeeze %dma_wait3A_998 : memref<1x1x128x64xf32, #tpu.memory_space<vmem>> -> memref<128x64xf32, #tpu.memory_space<vmem>>
      tpu.wait_dma2 semaphore(%arg9 : memref<!tpu.dma_semaphore, #tpu.memory_space<semaphore_mem>>) src(%dma_wait3A_999 : memref<128x64xf32, #tpu.memory_space<vmem>>) dst(%dma_wait3A_995 : memref<128x64xf32, #tpu.memory_space<hbm>>)
      %add3A_1000 = arith.constant 1 : i32
      %add3A_1001 = arith.addi %add3A_981, %add3A_1000 : i32
      %mul3A_1002 = arith.constant 128 : i32
      %mul3A_1003 = arith.muli %add3A_1001, %mul3A_1002 : i32
      %dma_wait3A_1004 = arith.constant 0 : i32
      %dma_wait3A_1005 = arith.constant 1 : i32
      %dma_wait3A_1006 = arith.constant 0 : i32
      %dma_wait3A_1007 = arith.constant 0 : i32
      %dma_wait3A_1008 = tpu.memref_slice %arg6[%dma_wait3A_1004, %dma_wait3A_1005, %dma_wait3A_1006, %dma_wait3A_1007] : memref<2x5x128x64xf32, #tpu.memory_space<vmem>> -> memref<1x1x128x64xf32, #tpu.memory_space<vmem>>
      %dma_wait3A_1009 = tpu.memref_squeeze %dma_wait3A_1008 : memref<1x1x128x64xf32, #tpu.memory_space<vmem>> -> memref<128x64xf32, #tpu.memory_space<vmem>>
      %dma_wait3A_1010 = arith.constant 0 : i32
      %dma_wait3A_1011 = tpu.memref_slice %arg4[%mul3A_1003, %dma_wait3A_1010] : memref<3276800x64xf32, #tpu.memory_space<hbm>> -> memref<128x64xf32, #tpu.memory_space<hbm>>
      %dma_wait3A_1012 = arith.constant 0 : i32
      %dma_wait3A_1013 = tpu.memref_slice %arg4[%mul3A_1003, %dma_wait3A_1012] : memref<3276800x64xf32, #tpu.memory_space<hbm>> -> memref<128x64xf32, #tpu.memory_space<hbm>>
      %dma_wait3A_1014 = arith.constant 0 : i32
      %dma_wait3A_1015 = arith.constant 0 : i32
      %dma_wait3A_1016 = tpu.memref_slice %arg6[%dma_wait3A_1004, %dma_wait3A_1005, %dma_wait3A_1014, %dma_wait3A_1015] : memref<2x5x128x64xf32, #tpu.memory_space<vmem>> -> memref<1x1x128x64xf32, #tpu.memory_space<vmem>>
      %dma_wait3A_1017 = tpu.memref_squeeze %dma_wait3A_1016 : memref<1x1x128x64xf32, #tpu.memory_space<vmem>> -> memref<128x64xf32, #tpu.memory_space<vmem>>
      tpu.wait_dma2 semaphore(%arg9 : memref<!tpu.dma_semaphore, #tpu.memory_space<semaphore_mem>>) src(%dma_wait3A_1017 : memref<128x64xf32, #tpu.memory_space<vmem>>) dst(%dma_wait3A_1013 : memref<128x64xf32, #tpu.memory_space<hbm>>)
      %add3A_1018 = arith.constant 2 : i32
      %add3A_1019 = arith.addi %add3A_981, %add3A_1018 : i32
      %mul3A_1020 = arith.constant 128 : i32
      %mul3A_1021 = arith.muli %add3A_1019, %mul3A_1020 : i32
      %dma_wait3A_1022 = arith.constant 0 : i32
      %dma_wait3A_1023 = arith.constant 2 : i32
      %dma_wait3A_1024 = arith.constant 0 : i32
      %dma_wait3A_1025 = arith.constant 0 : i32
      %dma_wait3A_1026 = tpu.memref_slice %arg6[%dma_wait3A_1022, %dma_wait3A_1023, %dma_wait3A_1024, %dma_wait3A_1025] : memref<2x5x128x64xf32, #tpu.memory_space<vmem>> -> memref<1x1x128x64xf32, #tpu.memory_space<vmem>>
      %dma_wait3A_1027 = tpu.memref_squeeze %dma_wait3A_1026 : memref<1x1x128x64xf32, #tpu.memory_space<vmem>> -> memref<128x64xf32, #tpu.memory_space<vmem>>
      %dma_wait3A_1028 = arith.constant 0 : i32
      %dma_wait3A_1029 = tpu.memref_slice %arg4[%mul3A_1021, %dma_wait3A_1028] : memref<3276800x64xf32, #tpu.memory_space<hbm>> -> memref<128x64xf32, #tpu.memory_space<hbm>>
      %dma_wait3A_1030 = arith.constant 0 : i32
      %dma_wait3A_1031 = tpu.memref_slice %arg4[%mul3A_1021, %dma_wait3A_1030] : memref<3276800x64xf32, #tpu.memory_space<hbm>> -> memref<128x64xf32, #tpu.memory_space<hbm>>
      %dma_wait3A_1032 = arith.constant 0 : i32
      %dma_wait3A_1033 = arith.constant 0 : i32
      %dma_wait3A_1034 = tpu.memref_slice %arg6[%dma_wait3A_1022, %dma_wait3A_1023, %dma_wait3A_1032, %dma_wait3A_1033] : memref<2x5x128x64xf32, #tpu.memory_space<vmem>> -> memref<1x1x128x64xf32, #tpu.memory_space<vmem>>
      %dma_wait3A_1035 = tpu.memref_squeeze %dma_wait3A_1034 : memref<1x1x128x64xf32, #tpu.memory_space<vmem>> -> memref<128x64xf32, #tpu.memory_space<vmem>>
      tpu.wait_dma2 semaphore(%arg9 : memref<!tpu.dma_semaphore, #tpu.memory_space<semaphore_mem>>) src(%dma_wait3A_1035 : memref<128x64xf32, #tpu.memory_space<vmem>>) dst(%dma_wait3A_1031 : memref<128x64xf32, #tpu.memory_space<hbm>>)
      %add3A_1036 = arith.constant 3 : i32
      %add3A_1037 = arith.addi %add3A_981, %add3A_1036 : i32
      %mul3A_1038 = arith.constant 128 : i32
      %mul3A_1039 = arith.muli %add3A_1037, %mul3A_1038 : i32
      %dma_wait3A_1040 = arith.constant 0 : i32
      %dma_wait3A_1041 = arith.constant 3 : i32
      %dma_wait3A_1042 = arith.constant 0 : i32
      %dma_wait3A_1043 = arith.constant 0 : i32
      %dma_wait3A_1044 = tpu.memref_slice %arg6[%dma_wait3A_1040, %dma_wait3A_1041, %dma_wait3A_1042, %dma_wait3A_1043] : memref<2x5x128x64xf32, #tpu.memory_space<vmem>> -> memref<1x1x128x64xf32, #tpu.memory_space<vmem>>
      %dma_wait3A_1045 = tpu.memref_squeeze %dma_wait3A_1044 : memref<1x1x128x64xf32, #tpu.memory_space<vmem>> -> memref<128x64xf32, #tpu.memory_space<vmem>>
      %dma_wait3A_1046 = arith.constant 0 : i32
      %dma_wait3A_1047 = tpu.memref_slice %arg4[%mul3A_1039, %dma_wait3A_1046] : memref<3276800x64xf32, #tpu.memory_space<hbm>> -> memref<128x64xf32, #tpu.memory_space<hbm>>
      %dma_wait3A_1048 = arith.constant 0 : i32
      %dma_wait3A_1049 = tpu.memref_slice %arg4[%mul3A_1039, %dma_wait3A_1048] : memref<3276800x64xf32, #tpu.memory_space<hbm>> -> memref<128x64xf32, #tpu.memory_space<hbm>>
      %dma_wait3A_1050 = arith.constant 0 : i32
      %dma_wait3A_1051 = arith.constant 0 : i32
      %dma_wait3A_1052 = tpu.memref_slice %arg6[%dma_wait3A_1040, %dma_wait3A_1041, %dma_wait3A_1050, %dma_wait3A_1051] : memref<2x5x128x64xf32, #tpu.memory_space<vmem>> -> memref<1x1x128x64xf32, #tpu.memory_space<vmem>>
      %dma_wait3A_1053 = tpu.memref_squeeze %dma_wait3A_1052 : memref<1x1x128x64xf32, #tpu.memory_space<vmem>> -> memref<128x64xf32, #tpu.memory_space<vmem>>
      tpu.wait_dma2 semaphore(%arg9 : memref<!tpu.dma_semaphore, #tpu.memory_space<semaphore_mem>>) src(%dma_wait3A_1053 : memref<128x64xf32, #tpu.memory_space<vmem>>) dst(%dma_wait3A_1049 : memref<128x64xf32, #tpu.memory_space<hbm>>)
      %add3A_1054 = arith.constant 4 : i32
      %add3A_1055 = arith.addi %add3A_981, %add3A_1054 : i32
      %mul3A_1056 = arith.constant 128 : i32
      %mul3A_1057 = arith.muli %add3A_1055, %mul3A_1056 : i32
      %dma_wait3A_1058 = arith.constant 0 : i32
      %dma_wait3A_1059 = arith.constant 4 : i32
      %dma_wait3A_1060 = arith.constant 0 : i32
      %dma_wait3A_1061 = arith.constant 0 : i32
      %dma_wait3A_1062 = tpu.memref_slice %arg6[%dma_wait3A_1058, %dma_wait3A_1059, %dma_wait3A_1060, %dma_wait3A_1061] : memref<2x5x128x64xf32, #tpu.memory_space<vmem>> -> memref<1x1x128x64xf32, #tpu.memory_space<vmem>>
      %dma_wait3A_1063 = tpu.memref_squeeze %dma_wait3A_1062 : memref<1x1x128x64xf32, #tpu.memory_space<vmem>> -> memref<128x64xf32, #tpu.memory_space<vmem>>
      %dma_wait3A_1064 = arith.constant 0 : i32
      %dma_wait3A_1065 = tpu.memref_slice %arg4[%mul3A_1057, %dma_wait3A_1064] : memref<3276800x64xf32, #tpu.memory_space<hbm>> -> memref<128x64xf32, #tpu.memory_space<hbm>>
      %dma_wait3A_1066 = arith.constant 0 : i32
      %dma_wait3A_1067 = tpu.memref_slice %arg4[%mul3A_1057, %dma_wait3A_1066] : memref<3276800x64xf32, #tpu.memory_space<hbm>> -> memref<128x64xf32, #tpu.memory_space<hbm>>
      %dma_wait3A_1068 = arith.constant 0 : i32
      %dma_wait3A_1069 = arith.constant 0 : i32
      %dma_wait3A_1070 = tpu.memref_slice %arg6[%dma_wait3A_1058, %dma_wait3A_1059, %dma_wait3A_1068, %dma_wait3A_1069] : memref<2x5x128x64xf32, #tpu.memory_space<vmem>> -> memref<1x1x128x64xf32, #tpu.memory_space<vmem>>
      %dma_wait3A_1071 = tpu.memref_squeeze %dma_wait3A_1070 : memref<1x1x128x64xf32, #tpu.memory_space<vmem>> -> memref<128x64xf32, #tpu.memory_space<vmem>>
      tpu.wait_dma2 semaphore(%arg9 : memref<!tpu.dma_semaphore, #tpu.memory_space<semaphore_mem>>) src(%dma_wait3A_1071 : memref<128x64xf32, #tpu.memory_space<vmem>>) dst(%dma_wait3A_1067 : memref<128x64xf32, #tpu.memory_space<hbm>>)
      %add3A_1072 = arith.constant 1 : i32
      %add3A_1073 = arith.addi %mul3A_714, %add3A_1072 : i32
      %mul3A_1074 = arith.constant 5 : i32
      %mul3A_1075 = arith.muli %add3A_1073, %mul3A_1074 : i32
      %add3A_1076 = arith.addi %mul3A_2, %mul3A_1075 : i32
      %dma_wait3A_1077 = arith.constant 1 : i32
      %dma_wait3A_1078 = arith.constant 0 : i32
      %dma_wait3A_1079 = arith.constant 1 : i32
      %dma_wait3A_1080 = arith.constant 0 : i32
      %dma_wait3A_1081 = arith.constant 0 : i32
      %dma_wait3A_1082 = arith.constant 0 : i32
      %dma_wait3A_1083 = tpu.memref_slice %arg6[%dma_wait3A_1079, %dma_wait3A_1080, %dma_wait3A_1081, %dma_wait3A_1082] : memref<2x5x128x64xf32, #tpu.memory_space<vmem>> -> memref<1x1x128x64xf32, #tpu.memory_space<vmem>>
      %dma_wait3A_1084 = tpu.memref_squeeze %dma_wait3A_1083 : memref<1x1x128x64xf32, #tpu.memory_space<vmem>> -> memref<128x64xf32, #tpu.memory_space<vmem>>
      %dma_wait3A_1085 = arith.constant 0 : i32
      %dma_wait3A_1086 = tpu.memref_slice %arg5[%dma_wait3A_1077, %dma_wait3A_1078, %dma_wait3A_1085] : memref<2x5x128xi32, #tpu.memory_space<vmem>> -> memref<1x1x128xi32, #tpu.memory_space<vmem>>
      %dma_wait3A_1087 = tpu.memref_squeeze %dma_wait3A_1086 : memref<1x1x128xi32, #tpu.memory_space<vmem>> -> memref<128xi32, #tpu.memory_space<vmem>>
      %dma_wait3A_1088 = arith.constant 0 : i32
      %dma_wait3A_1089 = arith.constant 0 : i32
      %dma_wait3A_1090 = tpu.memref_slice %arg10[%dma_wait3A_1088, %dma_wait3A_1089] : memref<49x64xf32, #tpu.memory_space<vmem_shared>> -> memref<49x64xf32, #tpu.memory_space<vmem_shared>>
      tpu.wait_indirect_dma semaphore(%arg7 : memref<!tpu.dma_semaphore, #tpu.memory_space<semaphore_mem>>) src(%dma_wait3A_1090 : memref<49x64xf32, #tpu.memory_space<vmem_shared>>) dst(%dma_wait3A_1084 : memref<128x64xf32, #tpu.memory_space<vmem>>)
      %add3A_1091 = arith.constant 0 : i32
      %add3A_1092 = arith.addi %add3A_1076, %add3A_1091 : i32
      %mul3A_1093 = arith.constant 128 : i32
      %mul3A_1094 = arith.muli %add3A_1092, %mul3A_1093 : i32
      %dma_start3A_1095 = arith.constant 1 : i32
      %dma_start3A_1096 = arith.constant 0 : i32
      %dma_start3A_1097 = arith.constant 0 : i32
      %dma_start3A_1098 = arith.constant 0 : i32
      %dma_start3A_1099 = tpu.memref_slice %arg6[%dma_start3A_1095, %dma_start3A_1096, %dma_start3A_1097, %dma_start3A_1098] : memref<2x5x128x64xf32, #tpu.memory_space<vmem>> -> memref<1x1x128x64xf32, #tpu.memory_space<vmem>>
      %dma_start3A_1100 = tpu.memref_squeeze %dma_start3A_1099 : memref<1x1x128x64xf32, #tpu.memory_space<vmem>> -> memref<128x64xf32, #tpu.memory_space<vmem>>
      %dma_start3A_1101 = arith.constant 0 : i32
      %dma_start3A_1102 = tpu.memref_slice %arg4[%mul3A_1094, %dma_start3A_1101] : memref<3276800x64xf32, #tpu.memory_space<hbm>> -> memref<128x64xf32, #tpu.memory_space<hbm>>
      %dma_start3A_1103 = arith.constant 0 : i32
      %dma_start3A_1104 = tpu.memref_slice %arg4[%mul3A_1094, %dma_start3A_1103] : memref<3276800x64xf32, #tpu.memory_space<hbm>> -> memref<128x64xf32, #tpu.memory_space<hbm>>
      %dma_start3A_1105 = arith.constant 0 : i32
      %dma_start3A_1106 = arith.constant 0 : i32
      %dma_start3A_1107 = tpu.memref_slice %arg6[%dma_start3A_1095, %dma_start3A_1096, %dma_start3A_1105, %dma_start3A_1106] : memref<2x5x128x64xf32, #tpu.memory_space<vmem>> -> memref<1x1x128x64xf32, #tpu.memory_space<vmem>>
      %dma_start3A_1108 = tpu.memref_squeeze %dma_start3A_1107 : memref<1x1x128x64xf32, #tpu.memory_space<vmem>> -> memref<128x64xf32, #tpu.memory_space<vmem>>
      tpu.enqueue_dma source(%dma_start3A_1108 : memref<128x64xf32, #tpu.memory_space<vmem>>) target(%dma_start3A_1104 : memref<128x64xf32, #tpu.memory_space<hbm>>) target_semaphore(%arg9 : memref<!tpu.dma_semaphore, #tpu.memory_space<semaphore_mem>>)
      %dma_wait3A_1109 = arith.constant 1 : i32
      %dma_wait3A_1110 = arith.constant 1 : i32
      %dma_wait3A_1111 = arith.constant 1 : i32
      %dma_wait3A_1112 = arith.constant 1 : i32
      %dma_wait3A_1113 = arith.constant 0 : i32
      %dma_wait3A_1114 = arith.constant 0 : i32
      %dma_wait3A_1115 = tpu.memref_slice %arg6[%dma_wait3A_1111, %dma_wait3A_1112, %dma_wait3A_1113, %dma_wait3A_1114] : memref<2x5x128x64xf32, #tpu.memory_space<vmem>> -> memref<1x1x128x64xf32, #tpu.memory_space<vmem>>
      %dma_wait3A_1116 = tpu.memref_squeeze %dma_wait3A_1115 : memref<1x1x128x64xf32, #tpu.memory_space<vmem>> -> memref<128x64xf32, #tpu.memory_space<vmem>>
      %dma_wait3A_1117 = arith.constant 0 : i32
      %dma_wait3A_1118 = tpu.memref_slice %arg5[%dma_wait3A_1109, %dma_wait3A_1110, %dma_wait3A_1117] : memref<2x5x128xi32, #tpu.memory_space<vmem>> -> memref<1x1x128xi32, #tpu.memory_space<vmem>>
      %dma_wait3A_1119 = tpu.memref_squeeze %dma_wait3A_1118 : memref<1x1x128xi32, #tpu.memory_space<vmem>> -> memref<128xi32, #tpu.memory_space<vmem>>
      %dma_wait3A_1120 = arith.constant 0 : i32
      %dma_wait3A_1121 = arith.constant 0 : i32
      %dma_wait3A_1122 = tpu.memref_slice %arg10[%dma_wait3A_1120, %dma_wait3A_1121] : memref<49x64xf32, #tpu.memory_space<vmem_shared>> -> memref<49x64xf32, #tpu.memory_space<vmem_shared>>
      tpu.wait_indirect_dma semaphore(%arg7 : memref<!tpu.dma_semaphore, #tpu.memory_space<semaphore_mem>>) src(%dma_wait3A_1122 : memref<49x64xf32, #tpu.memory_space<vmem_shared>>) dst(%dma_wait3A_1116 : memref<128x64xf32, #tpu.memory_space<vmem>>)
      %add3A_1123 = arith.constant 1 : i32
      %add3A_1124 = arith.addi %add3A_1076, %add3A_1123 : i32
      %mul3A_1125 = arith.constant 128 : i32
      %mul3A_1126 = arith.muli %add3A_1124, %mul3A_1125 : i32
      %dma_start3A_1127 = arith.constant 1 : i32
      %dma_start3A_1128 = arith.constant 1 : i32
      %dma_start3A_1129 = arith.constant 0 : i32
      %dma_start3A_1130 = arith.constant 0 : i32
      %dma_start3A_1131 = tpu.memref_slice %arg6[%dma_start3A_1127, %dma_start3A_1128, %dma_start3A_1129, %dma_start3A_1130] : memref<2x5x128x64xf32, #tpu.memory_space<vmem>> -> memref<1x1x128x64xf32, #tpu.memory_space<vmem>>
      %dma_start3A_1132 = tpu.memref_squeeze %dma_start3A_1131 : memref<1x1x128x64xf32, #tpu.memory_space<vmem>> -> memref<128x64xf32, #tpu.memory_space<vmem>>
      %dma_start3A_1133 = arith.constant 0 : i32
      %dma_start3A_1134 = tpu.memref_slice %arg4[%mul3A_1126, %dma_start3A_1133] : memref<3276800x64xf32, #tpu.memory_space<hbm>> -> memref<128x64xf32, #tpu.memory_space<hbm>>
      %dma_start3A_1135 = arith.constant 0 : i32
      %dma_start3A_1136 = tpu.memref_slice %arg4[%mul3A_1126, %dma_start3A_1135] : memref<3276800x64xf32, #tpu.memory_space<hbm>> -> memref<128x64xf32, #tpu.memory_space<hbm>>
      %dma_start3A_1137 = arith.constant 0 : i32
      %dma_start3A_1138 = arith.constant 0 : i32
      %dma_start3A_1139 = tpu.memref_slice %arg6[%dma_start3A_1127, %dma_start3A_1128, %dma_start3A_1137, %dma_start3A_1138] : memref<2x5x128x64xf32, #tpu.memory_space<vmem>> -> memref<1x1x128x64xf32, #tpu.memory_space<vmem>>
      %dma_start3A_1140 = tpu.memref_squeeze %dma_start3A_1139 : memref<1x1x128x64xf32, #tpu.memory_space<vmem>> -> memref<128x64xf32, #tpu.memory_space<vmem>>
      tpu.enqueue_dma source(%dma_start3A_1140 : memref<128x64xf32, #tpu.memory_space<vmem>>) target(%dma_start3A_1136 : memref<128x64xf32, #tpu.memory_space<hbm>>) target_semaphore(%arg9 : memref<!tpu.dma_semaphore, #tpu.memory_space<semaphore_mem>>)
      %dma_wait3A_1141 = arith.constant 1 : i32
      %dma_wait3A_1142 = arith.constant 2 : i32
      %dma_wait3A_1143 = arith.constant 1 : i32
      %dma_wait3A_1144 = arith.constant 2 : i32
      %dma_wait3A_1145 = arith.constant 0 : i32
      %dma_wait3A_1146 = arith.constant 0 : i32
      %dma_wait3A_1147 = tpu.memref_slice %arg6[%dma_wait3A_1143, %dma_wait3A_1144, %dma_wait3A_1145, %dma_wait3A_1146] : memref<2x5x128x64xf32, #tpu.memory_space<vmem>> -> memref<1x1x128x64xf32, #tpu.memory_space<vmem>>
      %dma_wait3A_1148 = tpu.memref_squeeze %dma_wait3A_1147 : memref<1x1x128x64xf32, #tpu.memory_space<vmem>> -> memref<128x64xf32, #tpu.memory_space<vmem>>
      %dma_wait3A_1149 = arith.constant 0 : i32
      %dma_wait3A_1150 = tpu.memref_slice %arg5[%dma_wait3A_1141, %dma_wait3A_1142, %dma_wait3A_1149] : memref<2x5x128xi32, #tpu.memory_space<vmem>> -> memref<1x1x128xi32, #tpu.memory_space<vmem>>
      %dma_wait3A_1151 = tpu.memref_squeeze %dma_wait3A_1150 : memref<1x1x128xi32, #tpu.memory_space<vmem>> -> memref<128xi32, #tpu.memory_space<vmem>>
      %dma_wait3A_1152 = arith.constant 0 : i32
      %dma_wait3A_1153 = arith.constant 0 : i32
      %dma_wait3A_1154 = tpu.memref_slice %arg10[%dma_wait3A_1152, %dma_wait3A_1153] : memref<49x64xf32, #tpu.memory_space<vmem_shared>> -> memref<49x64xf32, #tpu.memory_space<vmem_shared>>
      tpu.wait_indirect_dma semaphore(%arg7 : memref<!tpu.dma_semaphore, #tpu.memory_space<semaphore_mem>>) src(%dma_wait3A_1154 : memref<49x64xf32, #tpu.memory_space<vmem_shared>>) dst(%dma_wait3A_1148 : memref<128x64xf32, #tpu.memory_space<vmem>>)
      %add3A_1155 = arith.constant 2 : i32
      %add3A_1156 = arith.addi %add3A_1076, %add3A_1155 : i32
      %mul3A_1157 = arith.constant 128 : i32
      %mul3A_1158 = arith.muli %add3A_1156, %mul3A_1157 : i32
      %dma_start3A_1159 = arith.constant 1 : i32
      %dma_start3A_1160 = arith.constant 2 : i32
      %dma_start3A_1161 = arith.constant 0 : i32
      %dma_start3A_1162 = arith.constant 0 : i32
      %dma_start3A_1163 = tpu.memref_slice %arg6[%dma_start3A_1159, %dma_start3A_1160, %dma_start3A_1161, %dma_start3A_1162] : memref<2x5x128x64xf32, #tpu.memory_space<vmem>> -> memref<1x1x128x64xf32, #tpu.memory_space<vmem>>
      %dma_start3A_1164 = tpu.memref_squeeze %dma_start3A_1163 : memref<1x1x128x64xf32, #tpu.memory_space<vmem>> -> memref<128x64xf32, #tpu.memory_space<vmem>>
      %dma_start3A_1165 = arith.constant 0 : i32
      %dma_start3A_1166 = tpu.memref_slice %arg4[%mul3A_1158, %dma_start3A_1165] : memref<3276800x64xf32, #tpu.memory_space<hbm>> -> memref<128x64xf32, #tpu.memory_space<hbm>>
      %dma_start3A_1167 = arith.constant 0 : i32
      %dma_start3A_1168 = tpu.memref_slice %arg4[%mul3A_1158, %dma_start3A_1167] : memref<3276800x64xf32, #tpu.memory_space<hbm>> -> memref<128x64xf32, #tpu.memory_space<hbm>>
      %dma_start3A_1169 = arith.constant 0 : i32
      %dma_start3A_1170 = arith.constant 0 : i32
      %dma_start3A_1171 = tpu.memref_slice %arg6[%dma_start3A_1159, %dma_start3A_1160, %dma_start3A_1169, %dma_start3A_1170] : memref<2x5x128x64xf32, #tpu.memory_space<vmem>> -> memref<1x1x128x64xf32, #tpu.memory_space<vmem>>
      %dma_start3A_1172 = tpu.memref_squeeze %dma_start3A_1171 : memref<1x1x128x64xf32, #tpu.memory_space<vmem>> -> memref<128x64xf32, #tpu.memory_space<vmem>>
      tpu.enqueue_dma source(%dma_start3A_1172 : memref<128x64xf32, #tpu.memory_space<vmem>>) target(%dma_start3A_1168 : memref<128x64xf32, #tpu.memory_space<hbm>>) target_semaphore(%arg9 : memref<!tpu.dma_semaphore, #tpu.memory_space<semaphore_mem>>)
      %dma_wait3A_1173 = arith.constant 1 : i32
      %dma_wait3A_1174 = arith.constant 3 : i32
      %dma_wait3A_1175 = arith.constant 1 : i32
      %dma_wait3A_1176 = arith.constant 3 : i32
      %dma_wait3A_1177 = arith.constant 0 : i32
      %dma_wait3A_1178 = arith.constant 0 : i32
      %dma_wait3A_1179 = tpu.memref_slice %arg6[%dma_wait3A_1175, %dma_wait3A_1176, %dma_wait3A_1177, %dma_wait3A_1178] : memref<2x5x128x64xf32, #tpu.memory_space<vmem>> -> memref<1x1x128x64xf32, #tpu.memory_space<vmem>>
      %dma_wait3A_1180 = tpu.memref_squeeze %dma_wait3A_1179 : memref<1x1x128x64xf32, #tpu.memory_space<vmem>> -> memref<128x64xf32, #tpu.memory_space<vmem>>
      %dma_wait3A_1181 = arith.constant 0 : i32
      %dma_wait3A_1182 = tpu.memref_slice %arg5[%dma_wait3A_1173, %dma_wait3A_1174, %dma_wait3A_1181] : memref<2x5x128xi32, #tpu.memory_space<vmem>> -> memref<1x1x128xi32, #tpu.memory_space<vmem>>
      %dma_wait3A_1183 = tpu.memref_squeeze %dma_wait3A_1182 : memref<1x1x128xi32, #tpu.memory_space<vmem>> -> memref<128xi32, #tpu.memory_space<vmem>>
      %dma_wait3A_1184 = arith.constant 0 : i32
      %dma_wait3A_1185 = arith.constant 0 : i32
      %dma_wait3A_1186 = tpu.memref_slice %arg10[%dma_wait3A_1184, %dma_wait3A_1185] : memref<49x64xf32, #tpu.memory_space<vmem_shared>> -> memref<49x64xf32, #tpu.memory_space<vmem_shared>>
      tpu.wait_indirect_dma semaphore(%arg7 : memref<!tpu.dma_semaphore, #tpu.memory_space<semaphore_mem>>) src(%dma_wait3A_1186 : memref<49x64xf32, #tpu.memory_space<vmem_shared>>) dst(%dma_wait3A_1180 : memref<128x64xf32, #tpu.memory_space<vmem>>)
      %add3A_1187 = arith.constant 3 : i32
      %add3A_1188 = arith.addi %add3A_1076, %add3A_1187 : i32
      %mul3A_1189 = arith.constant 128 : i32
      %mul3A_1190 = arith.muli %add3A_1188, %mul3A_1189 : i32
      %dma_start3A_1191 = arith.constant 1 : i32
      %dma_start3A_1192 = arith.constant 3 : i32
      %dma_start3A_1193 = arith.constant 0 : i32
      %dma_start3A_1194 = arith.constant 0 : i32
      %dma_start3A_1195 = tpu.memref_slice %arg6[%dma_start3A_1191, %dma_start3A_1192, %dma_start3A_1193, %dma_start3A_1194] : memref<2x5x128x64xf32, #tpu.memory_space<vmem>> -> memref<1x1x128x64xf32, #tpu.memory_space<vmem>>
      %dma_start3A_1196 = tpu.memref_squeeze %dma_start3A_1195 : memref<1x1x128x64xf32, #tpu.memory_space<vmem>> -> memref<128x64xf32, #tpu.memory_space<vmem>>
      %dma_start3A_1197 = arith.constant 0 : i32
      %dma_start3A_1198 = tpu.memref_slice %arg4[%mul3A_1190, %dma_start3A_1197] : memref<3276800x64xf32, #tpu.memory_space<hbm>> -> memref<128x64xf32, #tpu.memory_space<hbm>>
      %dma_start3A_1199 = arith.constant 0 : i32
      %dma_start3A_1200 = tpu.memref_slice %arg4[%mul3A_1190, %dma_start3A_1199] : memref<3276800x64xf32, #tpu.memory_space<hbm>> -> memref<128x64xf32, #tpu.memory_space<hbm>>
      %dma_start3A_1201 = arith.constant 0 : i32
      %dma_start3A_1202 = arith.constant 0 : i32
      %dma_start3A_1203 = tpu.memref_slice %arg6[%dma_start3A_1191, %dma_start3A_1192, %dma_start3A_1201, %dma_start3A_1202] : memref<2x5x128x64xf32, #tpu.memory_space<vmem>> -> memref<1x1x128x64xf32, #tpu.memory_space<vmem>>
      %dma_start3A_1204 = tpu.memref_squeeze %dma_start3A_1203 : memref<1x1x128x64xf32, #tpu.memory_space<vmem>> -> memref<128x64xf32, #tpu.memory_space<vmem>>
      tpu.enqueue_dma source(%dma_start3A_1204 : memref<128x64xf32, #tpu.memory_space<vmem>>) target(%dma_start3A_1200 : memref<128x64xf32, #tpu.memory_space<hbm>>) target_semaphore(%arg9 : memref<!tpu.dma_semaphore, #tpu.memory_space<semaphore_mem>>)
      %dma_wait3A_1205 = arith.constant 1 : i32
      %dma_wait3A_1206 = arith.constant 4 : i32
      %dma_wait3A_1207 = arith.constant 1 : i32
      %dma_wait3A_1208 = arith.constant 4 : i32
      %dma_wait3A_1209 = arith.constant 0 : i32
      %dma_wait3A_1210 = arith.constant 0 : i32
      %dma_wait3A_1211 = tpu.memref_slice %arg6[%dma_wait3A_1207, %dma_wait3A_1208, %dma_wait3A_1209, %dma_wait3A_1210] : memref<2x5x128x64xf32, #tpu.memory_space<vmem>> -> memref<1x1x128x64xf32, #tpu.memory_space<vmem>>
      %dma_wait3A_1212 = tpu.memref_squeeze %dma_wait3A_1211 : memref<1x1x128x64xf32, #tpu.memory_space<vmem>> -> memref<128x64xf32, #tpu.memory_space<vmem>>
      %dma_wait3A_1213 = arith.constant 0 : i32
      %dma_wait3A_1214 = tpu.memref_slice %arg5[%dma_wait3A_1205, %dma_wait3A_1206, %dma_wait3A_1213] : memref<2x5x128xi32, #tpu.memory_space<vmem>> -> memref<1x1x128xi32, #tpu.memory_space<vmem>>
      %dma_wait3A_1215 = tpu.memref_squeeze %dma_wait3A_1214 : memref<1x1x128xi32, #tpu.memory_space<vmem>> -> memref<128xi32, #tpu.memory_space<vmem>>
      %dma_wait3A_1216 = arith.constant 0 : i32
      %dma_wait3A_1217 = arith.constant 0 : i32
      %dma_wait3A_1218 = tpu.memref_slice %arg10[%dma_wait3A_1216, %dma_wait3A_1217] : memref<49x64xf32, #tpu.memory_space<vmem_shared>> -> memref<49x64xf32, #tpu.memory_space<vmem_shared>>
      tpu.wait_indirect_dma semaphore(%arg7 : memref<!tpu.dma_semaphore, #tpu.memory_space<semaphore_mem>>) src(%dma_wait3A_1218 : memref<49x64xf32, #tpu.memory_space<vmem_shared>>) dst(%dma_wait3A_1212 : memref<128x64xf32, #tpu.memory_space<vmem>>)
      %add3A_1219 = arith.constant 4 : i32
      %add3A_1220 = arith.addi %add3A_1076, %add3A_1219 : i32
      %mul3A_1221 = arith.constant 128 : i32
      %mul3A_1222 = arith.muli %add3A_1220, %mul3A_1221 : i32
      %dma_start3A_1223 = arith.constant 1 : i32
      %dma_start3A_1224 = arith.constant 4 : i32
      %dma_start3A_1225 = arith.constant 0 : i32
      %dma_start3A_1226 = arith.constant 0 : i32
      %dma_start3A_1227 = tpu.memref_slice %arg6[%dma_start3A_1223, %dma_start3A_1224, %dma_start3A_1225, %dma_start3A_1226] : memref<2x5x128x64xf32, #tpu.memory_space<vmem>> -> memref<1x1x128x64xf32, #tpu.memory_space<vmem>>
      %dma_start3A_1228 = tpu.memref_squeeze %dma_start3A_1227 : memref<1x1x128x64xf32, #tpu.memory_space<vmem>> -> memref<128x64xf32, #tpu.memory_space<vmem>>
      %dma_start3A_1229 = arith.constant 0 : i32
      %dma_start3A_1230 = tpu.memref_slice %arg4[%mul3A_1222, %dma_start3A_1229] : memref<3276800x64xf32, #tpu.memory_space<hbm>> -> memref<128x64xf32, #tpu.memory_space<hbm>>
      %dma_start3A_1231 = arith.constant 0 : i32
      %dma_start3A_1232 = tpu.memref_slice %arg4[%mul3A_1222, %dma_start3A_1231] : memref<3276800x64xf32, #tpu.memory_space<hbm>> -> memref<128x64xf32, #tpu.memory_space<hbm>>
      %dma_start3A_1233 = arith.constant 0 : i32
      %dma_start3A_1234 = arith.constant 0 : i32
      %dma_start3A_1235 = tpu.memref_slice %arg6[%dma_start3A_1223, %dma_start3A_1224, %dma_start3A_1233, %dma_start3A_1234] : memref<2x5x128x64xf32, #tpu.memory_space<vmem>> -> memref<1x1x128x64xf32, #tpu.memory_space<vmem>>
      %dma_start3A_1236 = tpu.memref_squeeze %dma_start3A_1235 : memref<1x1x128x64xf32, #tpu.memory_space<vmem>> -> memref<128x64xf32, #tpu.memory_space<vmem>>
      tpu.enqueue_dma source(%dma_start3A_1236 : memref<128x64xf32, #tpu.memory_space<vmem>>) target(%dma_start3A_1232 : memref<128x64xf32, #tpu.memory_space<hbm>>) target_semaphore(%arg9 : memref<!tpu.dma_semaphore, #tpu.memory_space<semaphore_mem>>)
      %dma_wait3A_1237 = arith.constant 0 : i32
      %dma_wait3A_1238 = arith.constant 0 : i32
      %dma_wait3A_1239 = arith.constant 0 : i32
      %dma_wait3A_1240 = tpu.memref_slice %arg5[%dma_wait3A_1237, %dma_wait3A_1238, %dma_wait3A_1239] : memref<2x5x128xi32, #tpu.memory_space<vmem>> -> memref<1x5x128xi32, #tpu.memory_space<vmem>>
      %dma_wait3A_1241 = tpu.memref_squeeze %dma_wait3A_1240 : memref<1x5x128xi32, #tpu.memory_space<vmem>> -> memref<5x128xi32, #tpu.memory_space<vmem>>
      %dma_wait3A_1242 = arith.constant 0 : i32
      %dma_wait3A_1243 = tpu.memref_slice %arg2[%mul3A_2, %dma_wait3A_1242] : memref<25600x128xi32, #tpu.memory_space<hbm>> -> memref<5x128xi32, #tpu.memory_space<hbm>>
      %dma_wait3A_1244 = arith.constant 0 : i32
      %dma_wait3A_1245 = arith.constant 0 : i32
      %dma_wait3A_1246 = tpu.memref_slice %arg5[%dma_wait3A_1237, %dma_wait3A_1244, %dma_wait3A_1245] : memref<2x5x128xi32, #tpu.memory_space<vmem>> -> memref<1x5x128xi32, #tpu.memory_space<vmem>>
      %dma_wait3A_1247 = tpu.memref_squeeze %dma_wait3A_1246 : memref<1x5x128xi32, #tpu.memory_space<vmem>> -> memref<5x128xi32, #tpu.memory_space<vmem>>
      %dma_wait3A_1248 = arith.constant 0 : i32
      %dma_wait3A_1249 = tpu.memref_slice %arg2[%mul3A_2, %dma_wait3A_1248] : memref<25600x128xi32, #tpu.memory_space<hbm>> -> memref<5x128xi32, #tpu.memory_space<hbm>>
      tpu.wait_dma2 semaphore(%arg8 : memref<!tpu.dma_semaphore, #tpu.memory_space<semaphore_mem>>) src(%dma_wait3A_1249 : memref<5x128xi32, #tpu.memory_space<hbm>>) dst(%dma_wait3A_1247 : memref<5x128xi32, #tpu.memory_space<vmem>>)
      %add3A_1250 = arith.constant 2 : i32
      %add3A_1251 = arith.addi %add3A_1073, %add3A_1250 : i32
      %mul3A_1252 = arith.constant 5 : i32
      %mul3A_1253 = arith.muli %add3A_1251, %mul3A_1252 : i32
      %add3A_1254 = arith.addi %mul3A_2, %mul3A_1253 : i32
      %dma_start3A_1255 = arith.constant 1 : i32
      %dma_start3A_1256 = arith.constant 0 : i32
      %dma_start3A_1257 = arith.constant 0 : i32
      %dma_start3A_1258 = tpu.memref_slice %arg5[%dma_start3A_1255, %dma_start3A_1256, %dma_start3A_1257] : memref<2x5x128xi32, #tpu.memory_space<vmem>> -> memref<1x5x128xi32, #tpu.memory_space<vmem>>
      %dma_start3A_1259 = tpu.memref_squeeze %dma_start3A_1258 : memref<1x5x128xi32, #tpu.memory_space<vmem>> -> memref<5x128xi32, #tpu.memory_space<vmem>>
      %dma_start3A_1260 = arith.constant 0 : i32
      %dma_start3A_1261 = tpu.memref_slice %arg2[%add3A_1254, %dma_start3A_1260] : memref<25600x128xi32, #tpu.memory_space<hbm>> -> memref<5x128xi32, #tpu.memory_space<hbm>>
      %dma_start3A_1262 = arith.constant 0 : i32
      %dma_start3A_1263 = arith.constant 0 : i32
      %dma_start3A_1264 = tpu.memref_slice %arg5[%dma_start3A_1255, %dma_start3A_1262, %dma_start3A_1263] : memref<2x5x128xi32, #tpu.memory_space<vmem>> -> memref<1x5x128xi32, #tpu.memory_space<vmem>>
      %dma_start3A_1265 = tpu.memref_squeeze %dma_start3A_1264 : memref<1x5x128xi32, #tpu.memory_space<vmem>> -> memref<5x128xi32, #tpu.memory_space<vmem>>
      %dma_start3A_1266 = arith.constant 0 : i32
      %dma_start3A_1267 = tpu.memref_slice %arg2[%add3A_1254, %dma_start3A_1266] : memref<25600x128xi32, #tpu.memory_space<hbm>> -> memref<5x128xi32, #tpu.memory_space<hbm>>
      tpu.enqueue_dma source(%dma_start3A_1267 : memref<5x128xi32, #tpu.memory_space<hbm>>) target(%dma_start3A_1265 : memref<5x128xi32, #tpu.memory_space<vmem>>) target_semaphore(%arg8 : memref<!tpu.dma_semaphore, #tpu.memory_space<semaphore_mem>>)
      %dma_start3A_1268 = arith.constant 0 : i32
      %dma_start3A_1269 = arith.constant 0 : i32
      %dma_start3A_1270 = arith.constant 0 : i32
      %dma_start3A_1271 = arith.constant 0 : i32
      %dma_start3A_1272 = arith.constant 0 : i32
      %dma_start3A_1273 = arith.constant 0 : i32
      %dma_start3A_1274 = tpu.memref_slice %arg6[%dma_start3A_1270, %dma_start3A_1271, %dma_start3A_1272, %dma_start3A_1273] : memref<2x5x128x64xf32, #tpu.memory_space<vmem>> -> memref<1x1x128x64xf32, #tpu.memory_space<vmem>>
      %dma_start3A_1275 = tpu.memref_squeeze %dma_start3A_1274 : memref<1x1x128x64xf32, #tpu.memory_space<vmem>> -> memref<128x64xf32, #tpu.memory_space<vmem>>
      %dma_start3A_1276 = arith.constant 0 : i32
      %dma_start3A_1277 = tpu.memref_slice %arg5[%dma_start3A_1268, %dma_start3A_1269, %dma_start3A_1276] : memref<2x5x128xi32, #tpu.memory_space<vmem>> -> memref<1x1x128xi32, #tpu.memory_space<vmem>>
      %dma_start3A_1278 = tpu.memref_squeeze %dma_start3A_1277 : memref<1x1x128xi32, #tpu.memory_space<vmem>> -> memref<128xi32, #tpu.memory_space<vmem>>
      %dma_start3A_1279 = arith.constant 0 : i32
      %dma_start3A_1280 = arith.constant 0 : i32
      %dma_start3A_1281 = tpu.memref_slice %arg10[%dma_start3A_1279, %dma_start3A_1280] : memref<49x64xf32, #tpu.memory_space<vmem_shared>> -> memref<49x64xf32, #tpu.memory_space<vmem_shared>>
      tpu.enqueue_indirect_dma source(%dma_start3A_1281 : memref<49x64xf32, #tpu.memory_space<vmem_shared>>) target(%dma_start3A_1275 : memref<128x64xf32, #tpu.memory_space<vmem>>) offsets(%dma_start3A_1278 : memref<128xi32, #tpu.memory_space<vmem>>) semaphore(%arg7 : memref<!tpu.dma_semaphore, #tpu.memory_space<semaphore_mem>>)
      %dma_start3A_1282 = arith.constant 0 : i32
      %dma_start3A_1283 = arith.constant 1 : i32
      %dma_start3A_1284 = arith.constant 0 : i32
      %dma_start3A_1285 = arith.constant 1 : i32
      %dma_start3A_1286 = arith.constant 0 : i32
      %dma_start3A_1287 = arith.constant 0 : i32
      %dma_start3A_1288 = tpu.memref_slice %arg6[%dma_start3A_1284, %dma_start3A_1285, %dma_start3A_1286, %dma_start3A_1287] : memref<2x5x128x64xf32, #tpu.memory_space<vmem>> -> memref<1x1x128x64xf32, #tpu.memory_space<vmem>>
      %dma_start3A_1289 = tpu.memref_squeeze %dma_start3A_1288 : memref<1x1x128x64xf32, #tpu.memory_space<vmem>> -> memref<128x64xf32, #tpu.memory_space<vmem>>
      %dma_start3A_1290 = arith.constant 0 : i32
      %dma_start3A_1291 = tpu.memref_slice %arg5[%dma_start3A_1282, %dma_start3A_1283, %dma_start3A_1290] : memref<2x5x128xi32, #tpu.memory_space<vmem>> -> memref<1x1x128xi32, #tpu.memory_space<vmem>>
      %dma_start3A_1292 = tpu.memref_squeeze %dma_start3A_1291 : memref<1x1x128xi32, #tpu.memory_space<vmem>> -> memref<128xi32, #tpu.memory_space<vmem>>
      %dma_start3A_1293 = arith.constant 0 : i32
      %dma_start3A_1294 = arith.constant 0 : i32
      %dma_start3A_1295 = tpu.memref_slice %arg10[%dma_start3A_1293, %dma_start3A_1294] : memref<49x64xf32, #tpu.memory_space<vmem_shared>> -> memref<49x64xf32, #tpu.memory_space<vmem_shared>>
      tpu.enqueue_indirect_dma source(%dma_start3A_1295 : memref<49x64xf32, #tpu.memory_space<vmem_shared>>) target(%dma_start3A_1289 : memref<128x64xf32, #tpu.memory_space<vmem>>) offsets(%dma_start3A_1292 : memref<128xi32, #tpu.memory_space<vmem>>) semaphore(%arg7 : memref<!tpu.dma_semaphore, #tpu.memory_space<semaphore_mem>>)
      %dma_start3A_1296 = arith.constant 0 : i32
      %dma_start3A_1297 = arith.constant 2 : i32
      %dma_start3A_1298 = arith.constant 0 : i32
      %dma_start3A_1299 = arith.constant 2 : i32
      %dma_start3A_1300 = arith.constant 0 : i32
      %dma_start3A_1301 = arith.constant 0 : i32
      %dma_start3A_1302 = tpu.memref_slice %arg6[%dma_start3A_1298, %dma_start3A_1299, %dma_start3A_1300, %dma_start3A_1301] : memref<2x5x128x64xf32, #tpu.memory_space<vmem>> -> memref<1x1x128x64xf32, #tpu.memory_space<vmem>>
      %dma_start3A_1303 = tpu.memref_squeeze %dma_start3A_1302 : memref<1x1x128x64xf32, #tpu.memory_space<vmem>> -> memref<128x64xf32, #tpu.memory_space<vmem>>
      %dma_start3A_1304 = arith.constant 0 : i32
      %dma_start3A_1305 = tpu.memref_slice %arg5[%dma_start3A_1296, %dma_start3A_1297, %dma_start3A_1304] : memref<2x5x128xi32, #tpu.memory_space<vmem>> -> memref<1x1x128xi32, #tpu.memory_space<vmem>>
      %dma_start3A_1306 = tpu.memref_squeeze %dma_start3A_1305 : memref<1x1x128xi32, #tpu.memory_space<vmem>> -> memref<128xi32, #tpu.memory_space<vmem>>
      %dma_start3A_1307 = arith.constant 0 : i32
      %dma_start3A_1308 = arith.constant 0 : i32
      %dma_start3A_1309 = tpu.memref_slice %arg10[%dma_start3A_1307, %dma_start3A_1308] : memref<49x64xf32, #tpu.memory_space<vmem_shared>> -> memref<49x64xf32, #tpu.memory_space<vmem_shared>>
      tpu.enqueue_indirect_dma source(%dma_start3A_1309 : memref<49x64xf32, #tpu.memory_space<vmem_shared>>) target(%dma_start3A_1303 : memref<128x64xf32, #tpu.memory_space<vmem>>) offsets(%dma_start3A_1306 : memref<128xi32, #tpu.memory_space<vmem>>) semaphore(%arg7 : memref<!tpu.dma_semaphore, #tpu.memory_space<semaphore_mem>>)
      %dma_start3A_1310 = arith.constant 0 : i32
      %dma_start3A_1311 = arith.constant 3 : i32
      %dma_start3A_1312 = arith.constant 0 : i32
      %dma_start3A_1313 = arith.constant 3 : i32
      %dma_start3A_1314 = arith.constant 0 : i32
      %dma_start3A_1315 = arith.constant 0 : i32
      %dma_start3A_1316 = tpu.memref_slice %arg6[%dma_start3A_1312, %dma_start3A_1313, %dma_start3A_1314, %dma_start3A_1315] : memref<2x5x128x64xf32, #tpu.memory_space<vmem>> -> memref<1x1x128x64xf32, #tpu.memory_space<vmem>>
      %dma_start3A_1317 = tpu.memref_squeeze %dma_start3A_1316 : memref<1x1x128x64xf32, #tpu.memory_space<vmem>> -> memref<128x64xf32, #tpu.memory_space<vmem>>
      %dma_start3A_1318 = arith.constant 0 : i32
      %dma_start3A_1319 = tpu.memref_slice %arg5[%dma_start3A_1310, %dma_start3A_1311, %dma_start3A_1318] : memref<2x5x128xi32, #tpu.memory_space<vmem>> -> memref<1x1x128xi32, #tpu.memory_space<vmem>>
      %dma_start3A_1320 = tpu.memref_squeeze %dma_start3A_1319 : memref<1x1x128xi32, #tpu.memory_space<vmem>> -> memref<128xi32, #tpu.memory_space<vmem>>
      %dma_start3A_1321 = arith.constant 0 : i32
      %dma_start3A_1322 = arith.constant 0 : i32
      %dma_start3A_1323 = tpu.memref_slice %arg10[%dma_start3A_1321, %dma_start3A_1322] : memref<49x64xf32, #tpu.memory_space<vmem_shared>> -> memref<49x64xf32, #tpu.memory_space<vmem_shared>>
      tpu.enqueue_indirect_dma source(%dma_start3A_1323 : memref<49x64xf32, #tpu.memory_space<vmem_shared>>) target(%dma_start3A_1317 : memref<128x64xf32, #tpu.memory_space<vmem>>) offsets(%dma_start3A_1320 : memref<128xi32, #tpu.memory_space<vmem>>) semaphore(%arg7 : memref<!tpu.dma_semaphore, #tpu.memory_space<semaphore_mem>>)
      %dma_start3A_1324 = arith.constant 0 : i32
      %dma_start3A_1325 = arith.constant 4 : i32
      %dma_start3A_1326 = arith.constant 0 : i32
      %dma_start3A_1327 = arith.constant 4 : i32
      %dma_start3A_1328 = arith.constant 0 : i32
      %dma_start3A_1329 = arith.constant 0 : i32
      %dma_start3A_1330 = tpu.memref_slice %arg6[%dma_start3A_1326, %dma_start3A_1327, %dma_start3A_1328, %dma_start3A_1329] : memref<2x5x128x64xf32, #tpu.memory_space<vmem>> -> memref<1x1x128x64xf32, #tpu.memory_space<vmem>>
      %dma_start3A_1331 = tpu.memref_squeeze %dma_start3A_1330 : memref<1x1x128x64xf32, #tpu.memory_space<vmem>> -> memref<128x64xf32, #tpu.memory_space<vmem>>
      %dma_start3A_1332 = arith.constant 0 : i32
      %dma_start3A_1333 = tpu.memref_slice %arg5[%dma_start3A_1324, %dma_start3A_1325, %dma_start3A_1332] : memref<2x5x128xi32, #tpu.memory_space<vmem>> -> memref<1x1x128xi32, #tpu.memory_space<vmem>>
      %dma_start3A_1334 = tpu.memref_squeeze %dma_start3A_1333 : memref<1x1x128xi32, #tpu.memory_space<vmem>> -> memref<128xi32, #tpu.memory_space<vmem>>
      %dma_start3A_1335 = arith.constant 0 : i32
      %dma_start3A_1336 = arith.constant 0 : i32
      %dma_start3A_1337 = tpu.memref_slice %arg10[%dma_start3A_1335, %dma_start3A_1336] : memref<49x64xf32, #tpu.memory_space<vmem_shared>> -> memref<49x64xf32, #tpu.memory_space<vmem_shared>>
      tpu.enqueue_indirect_dma source(%dma_start3A_1337 : memref<49x64xf32, #tpu.memory_space<vmem_shared>>) target(%dma_start3A_1331 : memref<128x64xf32, #tpu.memory_space<vmem>>) offsets(%dma_start3A_1334 : memref<128xi32, #tpu.memory_space<vmem>>) semaphore(%arg7 : memref<!tpu.dma_semaphore, #tpu.memory_space<semaphore_mem>>)
      %mul3A_1338 = arith.constant 5 : i32
      %mul3A_1339 = arith.muli %add3A_1073, %mul3A_1338 : i32
      %add3A_1340 = arith.addi %mul3A_2, %mul3A_1339 : i32
      %add3A_1341 = arith.constant 0 : i32
      %add3A_1342 = arith.addi %add3A_1340, %add3A_1341 : i32
      %mul3A_1343 = arith.constant 128 : i32
      %mul3A_1344 = arith.muli %add3A_1342, %mul3A_1343 : i32
      %dma_wait3A_1345 = arith.constant 1 : i32
      %dma_wait3A_1346 = arith.constant 0 : i32
      %dma_wait3A_1347 = arith.constant 0 : i32
      %dma_wait3A_1348 = arith.constant 0 : i32
      %dma_wait3A_1349 = tpu.memref_slice %arg6[%dma_wait3A_1345, %dma_wait3A_1346, %dma_wait3A_1347, %dma_wait3A_1348] : memref<2x5x128x64xf32, #tpu.memory_space<vmem>> -> memref<1x1x128x64xf32, #tpu.memory_space<vmem>>
      %dma_wait3A_1350 = tpu.memref_squeeze %dma_wait3A_1349 : memref<1x1x128x64xf32, #tpu.memory_space<vmem>> -> memref<128x64xf32, #tpu.memory_space<vmem>>
      %dma_wait3A_1351 = arith.constant 0 : i32
      %dma_wait3A_1352 = tpu.memref_slice %arg4[%mul3A_1344, %dma_wait3A_1351] : memref<3276800x64xf32, #tpu.memory_space<hbm>> -> memref<128x64xf32, #tpu.memory_space<hbm>>
      %dma_wait3A_1353 = arith.constant 0 : i32
      %dma_wait3A_1354 = tpu.memref_slice %arg4[%mul3A_1344, %dma_wait3A_1353] : memref<3276800x64xf32, #tpu.memory_space<hbm>> -> memref<128x64xf32, #tpu.memory_space<hbm>>
      %dma_wait3A_1355 = arith.constant 0 : i32
      %dma_wait3A_1356 = arith.constant 0 : i32
      %dma_wait3A_1357 = tpu.memref_slice %arg6[%dma_wait3A_1345, %dma_wait3A_1346, %dma_wait3A_1355, %dma_wait3A_1356] : memref<2x5x128x64xf32, #tpu.memory_space<vmem>> -> memref<1x1x128x64xf32, #tpu.memory_space<vmem>>
      %dma_wait3A_1358 = tpu.memref_squeeze %dma_wait3A_1357 : memref<1x1x128x64xf32, #tpu.memory_space<vmem>> -> memref<128x64xf32, #tpu.memory_space<vmem>>
      tpu.wait_dma2 semaphore(%arg9 : memref<!tpu.dma_semaphore, #tpu.memory_space<semaphore_mem>>) src(%dma_wait3A_1358 : memref<128x64xf32, #tpu.memory_space<vmem>>) dst(%dma_wait3A_1354 : memref<128x64xf32, #tpu.memory_space<hbm>>)
      %add3A_1359 = arith.constant 1 : i32
      %add3A_1360 = arith.addi %add3A_1340, %add3A_1359 : i32
      %mul3A_1361 = arith.constant 128 : i32
      %mul3A_1362 = arith.muli %add3A_1360, %mul3A_1361 : i32
      %dma_wait3A_1363 = arith.constant 1 : i32
      %dma_wait3A_1364 = arith.constant 1 : i32
      %dma_wait3A_1365 = arith.constant 0 : i32
      %dma_wait3A_1366 = arith.constant 0 : i32
      %dma_wait3A_1367 = tpu.memref_slice %arg6[%dma_wait3A_1363, %dma_wait3A_1364, %dma_wait3A_1365, %dma_wait3A_1366] : memref<2x5x128x64xf32, #tpu.memory_space<vmem>> -> memref<1x1x128x64xf32, #tpu.memory_space<vmem>>
      %dma_wait3A_1368 = tpu.memref_squeeze %dma_wait3A_1367 : memref<1x1x128x64xf32, #tpu.memory_space<vmem>> -> memref<128x64xf32, #tpu.memory_space<vmem>>
      %dma_wait3A_1369 = arith.constant 0 : i32
      %dma_wait3A_1370 = tpu.memref_slice %arg4[%mul3A_1362, %dma_wait3A_1369] : memref<3276800x64xf32, #tpu.memory_space<hbm>> -> memref<128x64xf32, #tpu.memory_space<hbm>>
      %dma_wait3A_1371 = arith.constant 0 : i32
      %dma_wait3A_1372 = tpu.memref_slice %arg4[%mul3A_1362, %dma_wait3A_1371] : memref<3276800x64xf32, #tpu.memory_space<hbm>> -> memref<128x64xf32, #tpu.memory_space<hbm>>
      %dma_wait3A_1373 = arith.constant 0 : i32
      %dma_wait3A_1374 = arith.constant 0 : i32
      %dma_wait3A_1375 = tpu.memref_slice %arg6[%dma_wait3A_1363, %dma_wait3A_1364, %dma_wait3A_1373, %dma_wait3A_1374] : memref<2x5x128x64xf32, #tpu.memory_space<vmem>> -> memref<1x1x128x64xf32, #tpu.memory_space<vmem>>
      %dma_wait3A_1376 = tpu.memref_squeeze %dma_wait3A_1375 : memref<1x1x128x64xf32, #tpu.memory_space<vmem>> -> memref<128x64xf32, #tpu.memory_space<vmem>>
      tpu.wait_dma2 semaphore(%arg9 : memref<!tpu.dma_semaphore, #tpu.memory_space<semaphore_mem>>) src(%dma_wait3A_1376 : memref<128x64xf32, #tpu.memory_space<vmem>>) dst(%dma_wait3A_1372 : memref<128x64xf32, #tpu.memory_space<hbm>>)
      %add3A_1377 = arith.constant 2 : i32
      %add3A_1378 = arith.addi %add3A_1340, %add3A_1377 : i32
      %mul3A_1379 = arith.constant 128 : i32
      %mul3A_1380 = arith.muli %add3A_1378, %mul3A_1379 : i32
      %dma_wait3A_1381 = arith.constant 1 : i32
      %dma_wait3A_1382 = arith.constant 2 : i32
      %dma_wait3A_1383 = arith.constant 0 : i32
      %dma_wait3A_1384 = arith.constant 0 : i32
      %dma_wait3A_1385 = tpu.memref_slice %arg6[%dma_wait3A_1381, %dma_wait3A_1382, %dma_wait3A_1383, %dma_wait3A_1384] : memref<2x5x128x64xf32, #tpu.memory_space<vmem>> -> memref<1x1x128x64xf32, #tpu.memory_space<vmem>>
      %dma_wait3A_1386 = tpu.memref_squeeze %dma_wait3A_1385 : memref<1x1x128x64xf32, #tpu.memory_space<vmem>> -> memref<128x64xf32, #tpu.memory_space<vmem>>
      %dma_wait3A_1387 = arith.constant 0 : i32
      %dma_wait3A_1388 = tpu.memref_slice %arg4[%mul3A_1380, %dma_wait3A_1387] : memref<3276800x64xf32, #tpu.memory_space<hbm>> -> memref<128x64xf32, #tpu.memory_space<hbm>>
      %dma_wait3A_1389 = arith.constant 0 : i32
      %dma_wait3A_1390 = tpu.memref_slice %arg4[%mul3A_1380, %dma_wait3A_1389] : memref<3276800x64xf32, #tpu.memory_space<hbm>> -> memref<128x64xf32, #tpu.memory_space<hbm>>
      %dma_wait3A_1391 = arith.constant 0 : i32
      %dma_wait3A_1392 = arith.constant 0 : i32
      %dma_wait3A_1393 = tpu.memref_slice %arg6[%dma_wait3A_1381, %dma_wait3A_1382, %dma_wait3A_1391, %dma_wait3A_1392] : memref<2x5x128x64xf32, #tpu.memory_space<vmem>> -> memref<1x1x128x64xf32, #tpu.memory_space<vmem>>
      %dma_wait3A_1394 = tpu.memref_squeeze %dma_wait3A_1393 : memref<1x1x128x64xf32, #tpu.memory_space<vmem>> -> memref<128x64xf32, #tpu.memory_space<vmem>>
      tpu.wait_dma2 semaphore(%arg9 : memref<!tpu.dma_semaphore, #tpu.memory_space<semaphore_mem>>) src(%dma_wait3A_1394 : memref<128x64xf32, #tpu.memory_space<vmem>>) dst(%dma_wait3A_1390 : memref<128x64xf32, #tpu.memory_space<hbm>>)
      %add3A_1395 = arith.constant 3 : i32
      %add3A_1396 = arith.addi %add3A_1340, %add3A_1395 : i32
      %mul3A_1397 = arith.constant 128 : i32
      %mul3A_1398 = arith.muli %add3A_1396, %mul3A_1397 : i32
      %dma_wait3A_1399 = arith.constant 1 : i32
      %dma_wait3A_1400 = arith.constant 3 : i32
      %dma_wait3A_1401 = arith.constant 0 : i32
      %dma_wait3A_1402 = arith.constant 0 : i32
      %dma_wait3A_1403 = tpu.memref_slice %arg6[%dma_wait3A_1399, %dma_wait3A_1400, %dma_wait3A_1401, %dma_wait3A_1402] : memref<2x5x128x64xf32, #tpu.memory_space<vmem>> -> memref<1x1x128x64xf32, #tpu.memory_space<vmem>>
      %dma_wait3A_1404 = tpu.memref_squeeze %dma_wait3A_1403 : memref<1x1x128x64xf32, #tpu.memory_space<vmem>> -> memref<128x64xf32, #tpu.memory_space<vmem>>
      %dma_wait3A_1405 = arith.constant 0 : i32
      %dma_wait3A_1406 = tpu.memref_slice %arg4[%mul3A_1398, %dma_wait3A_1405] : memref<3276800x64xf32, #tpu.memory_space<hbm>> -> memref<128x64xf32, #tpu.memory_space<hbm>>
      %dma_wait3A_1407 = arith.constant 0 : i32
      %dma_wait3A_1408 = tpu.memref_slice %arg4[%mul3A_1398, %dma_wait3A_1407] : memref<3276800x64xf32, #tpu.memory_space<hbm>> -> memref<128x64xf32, #tpu.memory_space<hbm>>
      %dma_wait3A_1409 = arith.constant 0 : i32
      %dma_wait3A_1410 = arith.constant 0 : i32
      %dma_wait3A_1411 = tpu.memref_slice %arg6[%dma_wait3A_1399, %dma_wait3A_1400, %dma_wait3A_1409, %dma_wait3A_1410] : memref<2x5x128x64xf32, #tpu.memory_space<vmem>> -> memref<1x1x128x64xf32, #tpu.memory_space<vmem>>
      %dma_wait3A_1412 = tpu.memref_squeeze %dma_wait3A_1411 : memref<1x1x128x64xf32, #tpu.memory_space<vmem>> -> memref<128x64xf32, #tpu.memory_space<vmem>>
      tpu.wait_dma2 semaphore(%arg9 : memref<!tpu.dma_semaphore, #tpu.memory_space<semaphore_mem>>) src(%dma_wait3A_1412 : memref<128x64xf32, #tpu.memory_space<vmem>>) dst(%dma_wait3A_1408 : memref<128x64xf32, #tpu.memory_space<hbm>>)
      %add3A_1413 = arith.constant 4 : i32
      %add3A_1414 = arith.addi %add3A_1340, %add3A_1413 : i32
      %mul3A_1415 = arith.constant 128 : i32
      %mul3A_1416 = arith.muli %add3A_1414, %mul3A_1415 : i32
      %dma_wait3A_1417 = arith.constant 1 : i32
      %dma_wait3A_1418 = arith.constant 4 : i32
      %dma_wait3A_1419 = arith.constant 0 : i32
      %dma_wait3A_1420 = arith.constant 0 : i32
      %dma_wait3A_1421 = tpu.memref_slice %arg6[%dma_wait3A_1417, %dma_wait3A_1418, %dma_wait3A_1419, %dma_wait3A_1420] : memref<2x5x128x64xf32, #tpu.memory_space<vmem>> -> memref<1x1x128x64xf32, #tpu.memory_space<vmem>>
      %dma_wait3A_1422 = tpu.memref_squeeze %dma_wait3A_1421 : memref<1x1x128x64xf32, #tpu.memory_space<vmem>> -> memref<128x64xf32, #tpu.memory_space<vmem>>
      %dma_wait3A_1423 = arith.constant 0 : i32
      %dma_wait3A_1424 = tpu.memref_slice %arg4[%mul3A_1416, %dma_wait3A_1423] : memref<3276800x64xf32, #tpu.memory_space<hbm>> -> memref<128x64xf32, #tpu.memory_space<hbm>>
      %dma_wait3A_1425 = arith.constant 0 : i32
      %dma_wait3A_1426 = tpu.memref_slice %arg4[%mul3A_1416, %dma_wait3A_1425] : memref<3276800x64xf32, #tpu.memory_space<hbm>> -> memref<128x64xf32, #tpu.memory_space<hbm>>
      %dma_wait3A_1427 = arith.constant 0 : i32
      %dma_wait3A_1428 = arith.constant 0 : i32
      %dma_wait3A_1429 = tpu.memref_slice %arg6[%dma_wait3A_1417, %dma_wait3A_1418, %dma_wait3A_1427, %dma_wait3A_1428] : memref<2x5x128x64xf32, #tpu.memory_space<vmem>> -> memref<1x1x128x64xf32, #tpu.memory_space<vmem>>
      %dma_wait3A_1430 = tpu.memref_squeeze %dma_wait3A_1429 : memref<1x1x128x64xf32, #tpu.memory_space<vmem>> -> memref<128x64xf32, #tpu.memory_space<vmem>>
      tpu.wait_dma2 semaphore(%arg9 : memref<!tpu.dma_semaphore, #tpu.memory_space<semaphore_mem>>) src(%dma_wait3A_1430 : memref<128x64xf32, #tpu.memory_space<vmem>>) dst(%dma_wait3A_1426 : memref<128x64xf32, #tpu.memory_space<hbm>>)
    }
    %scan3A_120 = arith.constant 79 : i32
    %add3A_121 = arith.constant 790 : i32
    %add3A_122 = arith.addi %mul3A_2, %add3A_121 : i32
    %dma_wait3A_123 = arith.constant 0 : i32
    %dma_wait3A_124 = arith.constant 0 : i32
    %dma_wait3A_125 = arith.constant 0 : i32
    %dma_wait3A_126 = arith.constant 0 : i32
    %dma_wait3A_127 = arith.constant 0 : i32
    %dma_wait3A_128 = arith.constant 0 : i32
    %dma_wait3A_129 = tpu.memref_slice %arg6[%dma_wait3A_125, %dma_wait3A_126, %dma_wait3A_127, %dma_wait3A_128] : memref<2x5x128x64xf32, #tpu.memory_space<vmem>> -> memref<1x1x128x64xf32, #tpu.memory_space<vmem>>
    %dma_wait3A_130 = tpu.memref_squeeze %dma_wait3A_129 : memref<1x1x128x64xf32, #tpu.memory_space<vmem>> -> memref<128x64xf32, #tpu.memory_space<vmem>>
    %dma_wait3A_131 = arith.constant 0 : i32
    %dma_wait3A_132 = tpu.memref_slice %arg5[%dma_wait3A_123, %dma_wait3A_124, %dma_wait3A_131] : memref<2x5x128xi32, #tpu.memory_space<vmem>> -> memref<1x1x128xi32, #tpu.memory_space<vmem>>
    %dma_wait3A_133 = tpu.memref_squeeze %dma_wait3A_132 : memref<1x1x128xi32, #tpu.memory_space<vmem>> -> memref<128xi32, #tpu.memory_space<vmem>>
    %dma_wait3A_134 = arith.constant 0 : i32
    %dma_wait3A_135 = arith.constant 0 : i32
    %dma_wait3A_136 = tpu.memref_slice %arg10[%dma_wait3A_134, %dma_wait3A_135] : memref<49x64xf32, #tpu.memory_space<vmem_shared>> -> memref<49x64xf32, #tpu.memory_space<vmem_shared>>
    tpu.wait_indirect_dma semaphore(%arg7 : memref<!tpu.dma_semaphore, #tpu.memory_space<semaphore_mem>>) src(%dma_wait3A_136 : memref<49x64xf32, #tpu.memory_space<vmem_shared>>) dst(%dma_wait3A_130 : memref<128x64xf32, #tpu.memory_space<vmem>>)
    %add3A_137 = arith.constant 0 : i32
    %add3A_138 = arith.addi %add3A_122, %add3A_137 : i32
    %mul3A_139 = arith.constant 128 : i32
    %mul3A_140 = arith.muli %add3A_138, %mul3A_139 : i32
    %dma_start3A_141 = arith.constant 0 : i32
    %dma_start3A_142 = arith.constant 0 : i32
    %dma_start3A_143 = arith.constant 0 : i32
    %dma_start3A_144 = arith.constant 0 : i32
    %dma_start3A_145 = tpu.memref_slice %arg6[%dma_start3A_141, %dma_start3A_142, %dma_start3A_143, %dma_start3A_144] : memref<2x5x128x64xf32, #tpu.memory_space<vmem>> -> memref<1x1x128x64xf32, #tpu.memory_space<vmem>>
    %dma_start3A_146 = tpu.memref_squeeze %dma_start3A_145 : memref<1x1x128x64xf32, #tpu.memory_space<vmem>> -> memref<128x64xf32, #tpu.memory_space<vmem>>
    %dma_start3A_147 = arith.constant 0 : i32
    %dma_start3A_148 = tpu.memref_slice %arg4[%mul3A_140, %dma_start3A_147] : memref<3276800x64xf32, #tpu.memory_space<hbm>> -> memref<128x64xf32, #tpu.memory_space<hbm>>
    %dma_start3A_149 = arith.constant 0 : i32
    %dma_start3A_150 = tpu.memref_slice %arg4[%mul3A_140, %dma_start3A_149] : memref<3276800x64xf32, #tpu.memory_space<hbm>> -> memref<128x64xf32, #tpu.memory_space<hbm>>
    %dma_start3A_151 = arith.constant 0 : i32
    %dma_start3A_152 = arith.constant 0 : i32
    %dma_start3A_153 = tpu.memref_slice %arg6[%dma_start3A_141, %dma_start3A_142, %dma_start3A_151, %dma_start3A_152] : memref<2x5x128x64xf32, #tpu.memory_space<vmem>> -> memref<1x1x128x64xf32, #tpu.memory_space<vmem>>
    %dma_start3A_154 = tpu.memref_squeeze %dma_start3A_153 : memref<1x1x128x64xf32, #tpu.memory_space<vmem>> -> memref<128x64xf32, #tpu.memory_space<vmem>>
    tpu.enqueue_dma source(%dma_start3A_154 : memref<128x64xf32, #tpu.memory_space<vmem>>) target(%dma_start3A_150 : memref<128x64xf32, #tpu.memory_space<hbm>>) target_semaphore(%arg9 : memref<!tpu.dma_semaphore, #tpu.memory_space<semaphore_mem>>)
    %dma_wait3A_155 = arith.constant 0 : i32
    %dma_wait3A_156 = arith.constant 1 : i32
    %dma_wait3A_157 = arith.constant 0 : i32
    %dma_wait3A_158 = arith.constant 1 : i32
    %dma_wait3A_159 = arith.constant 0 : i32
    %dma_wait3A_160 = arith.constant 0 : i32
    %dma_wait3A_161 = tpu.memref_slice %arg6[%dma_wait3A_157, %dma_wait3A_158, %dma_wait3A_159, %dma_wait3A_160] : memref<2x5x128x64xf32, #tpu.memory_space<vmem>> -> memref<1x1x128x64xf32, #tpu.memory_space<vmem>>
    %dma_wait3A_162 = tpu.memref_squeeze %dma_wait3A_161 : memref<1x1x128x64xf32, #tpu.memory_space<vmem>> -> memref<128x64xf32, #tpu.memory_space<vmem>>
    %dma_wait3A_163 = arith.constant 0 : i32
    %dma_wait3A_164 = tpu.memref_slice %arg5[%dma_wait3A_155, %dma_wait3A_156, %dma_wait3A_163] : memref<2x5x128xi32, #tpu.memory_space<vmem>> -> memref<1x1x128xi32, #tpu.memory_space<vmem>>
    %dma_wait3A_165 = tpu.memref_squeeze %dma_wait3A_164 : memref<1x1x128xi32, #tpu.memory_space<vmem>> -> memref<128xi32, #tpu.memory_space<vmem>>
    %dma_wait3A_166 = arith.constant 0 : i32
    %dma_wait3A_167 = arith.constant 0 : i32
    %dma_wait3A_168 = tpu.memref_slice %arg10[%dma_wait3A_166, %dma_wait3A_167] : memref<49x64xf32, #tpu.memory_space<vmem_shared>> -> memref<49x64xf32, #tpu.memory_space<vmem_shared>>
    tpu.wait_indirect_dma semaphore(%arg7 : memref<!tpu.dma_semaphore, #tpu.memory_space<semaphore_mem>>) src(%dma_wait3A_168 : memref<49x64xf32, #tpu.memory_space<vmem_shared>>) dst(%dma_wait3A_162 : memref<128x64xf32, #tpu.memory_space<vmem>>)
    %add3A_169 = arith.constant 1 : i32
    %add3A_170 = arith.addi %add3A_122, %add3A_169 : i32
    %mul3A_171 = arith.constant 128 : i32
    %mul3A_172 = arith.muli %add3A_170, %mul3A_171 : i32
    %dma_start3A_173 = arith.constant 0 : i32
    %dma_start3A_174 = arith.constant 1 : i32
    %dma_start3A_175 = arith.constant 0 : i32
    %dma_start3A_176 = arith.constant 0 : i32
    %dma_start3A_177 = tpu.memref_slice %arg6[%dma_start3A_173, %dma_start3A_174, %dma_start3A_175, %dma_start3A_176] : memref<2x5x128x64xf32, #tpu.memory_space<vmem>> -> memref<1x1x128x64xf32, #tpu.memory_space<vmem>>
    %dma_start3A_178 = tpu.memref_squeeze %dma_start3A_177 : memref<1x1x128x64xf32, #tpu.memory_space<vmem>> -> memref<128x64xf32, #tpu.memory_space<vmem>>
    %dma_start3A_179 = arith.constant 0 : i32
    %dma_start3A_180 = tpu.memref_slice %arg4[%mul3A_172, %dma_start3A_179] : memref<3276800x64xf32, #tpu.memory_space<hbm>> -> memref<128x64xf32, #tpu.memory_space<hbm>>
    %dma_start3A_181 = arith.constant 0 : i32
    %dma_start3A_182 = tpu.memref_slice %arg4[%mul3A_172, %dma_start3A_181] : memref<3276800x64xf32, #tpu.memory_space<hbm>> -> memref<128x64xf32, #tpu.memory_space<hbm>>
    %dma_start3A_183 = arith.constant 0 : i32
    %dma_start3A_184 = arith.constant 0 : i32
    %dma_start3A_185 = tpu.memref_slice %arg6[%dma_start3A_173, %dma_start3A_174, %dma_start3A_183, %dma_start3A_184] : memref<2x5x128x64xf32, #tpu.memory_space<vmem>> -> memref<1x1x128x64xf32, #tpu.memory_space<vmem>>
    %dma_start3A_186 = tpu.memref_squeeze %dma_start3A_185 : memref<1x1x128x64xf32, #tpu.memory_space<vmem>> -> memref<128x64xf32, #tpu.memory_space<vmem>>
    tpu.enqueue_dma source(%dma_start3A_186 : memref<128x64xf32, #tpu.memory_space<vmem>>) target(%dma_start3A_182 : memref<128x64xf32, #tpu.memory_space<hbm>>) target_semaphore(%arg9 : memref<!tpu.dma_semaphore, #tpu.memory_space<semaphore_mem>>)
    %dma_wait3A_187 = arith.constant 0 : i32
    %dma_wait3A_188 = arith.constant 2 : i32
    %dma_wait3A_189 = arith.constant 0 : i32
    %dma_wait3A_190 = arith.constant 2 : i32
    %dma_wait3A_191 = arith.constant 0 : i32
    %dma_wait3A_192 = arith.constant 0 : i32
    %dma_wait3A_193 = tpu.memref_slice %arg6[%dma_wait3A_189, %dma_wait3A_190, %dma_wait3A_191, %dma_wait3A_192] : memref<2x5x128x64xf32, #tpu.memory_space<vmem>> -> memref<1x1x128x64xf32, #tpu.memory_space<vmem>>
    %dma_wait3A_194 = tpu.memref_squeeze %dma_wait3A_193 : memref<1x1x128x64xf32, #tpu.memory_space<vmem>> -> memref<128x64xf32, #tpu.memory_space<vmem>>
    %dma_wait3A_195 = arith.constant 0 : i32
    %dma_wait3A_196 = tpu.memref_slice %arg5[%dma_wait3A_187, %dma_wait3A_188, %dma_wait3A_195] : memref<2x5x128xi32, #tpu.memory_space<vmem>> -> memref<1x1x128xi32, #tpu.memory_space<vmem>>
    %dma_wait3A_197 = tpu.memref_squeeze %dma_wait3A_196 : memref<1x1x128xi32, #tpu.memory_space<vmem>> -> memref<128xi32, #tpu.memory_space<vmem>>
    %dma_wait3A_198 = arith.constant 0 : i32
    %dma_wait3A_199 = arith.constant 0 : i32
    %dma_wait3A_200 = tpu.memref_slice %arg10[%dma_wait3A_198, %dma_wait3A_199] : memref<49x64xf32, #tpu.memory_space<vmem_shared>> -> memref<49x64xf32, #tpu.memory_space<vmem_shared>>
    tpu.wait_indirect_dma semaphore(%arg7 : memref<!tpu.dma_semaphore, #tpu.memory_space<semaphore_mem>>) src(%dma_wait3A_200 : memref<49x64xf32, #tpu.memory_space<vmem_shared>>) dst(%dma_wait3A_194 : memref<128x64xf32, #tpu.memory_space<vmem>>)
    %add3A_201 = arith.constant 2 : i32
    %add3A_202 = arith.addi %add3A_122, %add3A_201 : i32
    %mul3A_203 = arith.constant 128 : i32
    %mul3A_204 = arith.muli %add3A_202, %mul3A_203 : i32
    %dma_start3A_205 = arith.constant 0 : i32
    %dma_start3A_206 = arith.constant 2 : i32
    %dma_start3A_207 = arith.constant 0 : i32
    %dma_start3A_208 = arith.constant 0 : i32
    %dma_start3A_209 = tpu.memref_slice %arg6[%dma_start3A_205, %dma_start3A_206, %dma_start3A_207, %dma_start3A_208] : memref<2x5x128x64xf32, #tpu.memory_space<vmem>> -> memref<1x1x128x64xf32, #tpu.memory_space<vmem>>
    %dma_start3A_210 = tpu.memref_squeeze %dma_start3A_209 : memref<1x1x128x64xf32, #tpu.memory_space<vmem>> -> memref<128x64xf32, #tpu.memory_space<vmem>>
    %dma_start3A_211 = arith.constant 0 : i32
    %dma_start3A_212 = tpu.memref_slice %arg4[%mul3A_204, %dma_start3A_211] : memref<3276800x64xf32, #tpu.memory_space<hbm>> -> memref<128x64xf32, #tpu.memory_space<hbm>>
    %dma_start3A_213 = arith.constant 0 : i32
    %dma_start3A_214 = tpu.memref_slice %arg4[%mul3A_204, %dma_start3A_213] : memref<3276800x64xf32, #tpu.memory_space<hbm>> -> memref<128x64xf32, #tpu.memory_space<hbm>>
    %dma_start3A_215 = arith.constant 0 : i32
    %dma_start3A_216 = arith.constant 0 : i32
    %dma_start3A_217 = tpu.memref_slice %arg6[%dma_start3A_205, %dma_start3A_206, %dma_start3A_215, %dma_start3A_216] : memref<2x5x128x64xf32, #tpu.memory_space<vmem>> -> memref<1x1x128x64xf32, #tpu.memory_space<vmem>>
    %dma_start3A_218 = tpu.memref_squeeze %dma_start3A_217 : memref<1x1x128x64xf32, #tpu.memory_space<vmem>> -> memref<128x64xf32, #tpu.memory_space<vmem>>
    tpu.enqueue_dma source(%dma_start3A_218 : memref<128x64xf32, #tpu.memory_space<vmem>>) target(%dma_start3A_214 : memref<128x64xf32, #tpu.memory_space<hbm>>) target_semaphore(%arg9 : memref<!tpu.dma_semaphore, #tpu.memory_space<semaphore_mem>>)
    %dma_wait3A_219 = arith.constant 0 : i32
    %dma_wait3A_220 = arith.constant 3 : i32
    %dma_wait3A_221 = arith.constant 0 : i32
    %dma_wait3A_222 = arith.constant 3 : i32
    %dma_wait3A_223 = arith.constant 0 : i32
    %dma_wait3A_224 = arith.constant 0 : i32
    %dma_wait3A_225 = tpu.memref_slice %arg6[%dma_wait3A_221, %dma_wait3A_222, %dma_wait3A_223, %dma_wait3A_224] : memref<2x5x128x64xf32, #tpu.memory_space<vmem>> -> memref<1x1x128x64xf32, #tpu.memory_space<vmem>>
    %dma_wait3A_226 = tpu.memref_squeeze %dma_wait3A_225 : memref<1x1x128x64xf32, #tpu.memory_space<vmem>> -> memref<128x64xf32, #tpu.memory_space<vmem>>
    %dma_wait3A_227 = arith.constant 0 : i32
    %dma_wait3A_228 = tpu.memref_slice %arg5[%dma_wait3A_219, %dma_wait3A_220, %dma_wait3A_227] : memref<2x5x128xi32, #tpu.memory_space<vmem>> -> memref<1x1x128xi32, #tpu.memory_space<vmem>>
    %dma_wait3A_229 = tpu.memref_squeeze %dma_wait3A_228 : memref<1x1x128xi32, #tpu.memory_space<vmem>> -> memref<128xi32, #tpu.memory_space<vmem>>
    %dma_wait3A_230 = arith.constant 0 : i32
    %dma_wait3A_231 = arith.constant 0 : i32
    %dma_wait3A_232 = tpu.memref_slice %arg10[%dma_wait3A_230, %dma_wait3A_231] : memref<49x64xf32, #tpu.memory_space<vmem_shared>> -> memref<49x64xf32, #tpu.memory_space<vmem_shared>>
    tpu.wait_indirect_dma semaphore(%arg7 : memref<!tpu.dma_semaphore, #tpu.memory_space<semaphore_mem>>) src(%dma_wait3A_232 : memref<49x64xf32, #tpu.memory_space<vmem_shared>>) dst(%dma_wait3A_226 : memref<128x64xf32, #tpu.memory_space<vmem>>)
    %add3A_233 = arith.constant 3 : i32
    %add3A_234 = arith.addi %add3A_122, %add3A_233 : i32
    %mul3A_235 = arith.constant 128 : i32
    %mul3A_236 = arith.muli %add3A_234, %mul3A_235 : i32
    %dma_start3A_237 = arith.constant 0 : i32
    %dma_start3A_238 = arith.constant 3 : i32
    %dma_start3A_239 = arith.constant 0 : i32
    %dma_start3A_240 = arith.constant 0 : i32
    %dma_start3A_241 = tpu.memref_slice %arg6[%dma_start3A_237, %dma_start3A_238, %dma_start3A_239, %dma_start3A_240] : memref<2x5x128x64xf32, #tpu.memory_space<vmem>> -> memref<1x1x128x64xf32, #tpu.memory_space<vmem>>
    %dma_start3A_242 = tpu.memref_squeeze %dma_start3A_241 : memref<1x1x128x64xf32, #tpu.memory_space<vmem>> -> memref<128x64xf32, #tpu.memory_space<vmem>>
    %dma_start3A_243 = arith.constant 0 : i32
    %dma_start3A_244 = tpu.memref_slice %arg4[%mul3A_236, %dma_start3A_243] : memref<3276800x64xf32, #tpu.memory_space<hbm>> -> memref<128x64xf32, #tpu.memory_space<hbm>>
    %dma_start3A_245 = arith.constant 0 : i32
    %dma_start3A_246 = tpu.memref_slice %arg4[%mul3A_236, %dma_start3A_245] : memref<3276800x64xf32, #tpu.memory_space<hbm>> -> memref<128x64xf32, #tpu.memory_space<hbm>>
    %dma_start3A_247 = arith.constant 0 : i32
    %dma_start3A_248 = arith.constant 0 : i32
    %dma_start3A_249 = tpu.memref_slice %arg6[%dma_start3A_237, %dma_start3A_238, %dma_start3A_247, %dma_start3A_248] : memref<2x5x128x64xf32, #tpu.memory_space<vmem>> -> memref<1x1x128x64xf32, #tpu.memory_space<vmem>>
    %dma_start3A_250 = tpu.memref_squeeze %dma_start3A_249 : memref<1x1x128x64xf32, #tpu.memory_space<vmem>> -> memref<128x64xf32, #tpu.memory_space<vmem>>
    tpu.enqueue_dma source(%dma_start3A_250 : memref<128x64xf32, #tpu.memory_space<vmem>>) target(%dma_start3A_246 : memref<128x64xf32, #tpu.memory_space<hbm>>) target_semaphore(%arg9 : memref<!tpu.dma_semaphore, #tpu.memory_space<semaphore_mem>>)
    %dma_wait3A_251 = arith.constant 0 : i32
    %dma_wait3A_252 = arith.constant 4 : i32
    %dma_wait3A_253 = arith.constant 0 : i32
    %dma_wait3A_254 = arith.constant 4 : i32
    %dma_wait3A_255 = arith.constant 0 : i32
    %dma_wait3A_256 = arith.constant 0 : i32
    %dma_wait3A_257 = tpu.memref_slice %arg6[%dma_wait3A_253, %dma_wait3A_254, %dma_wait3A_255, %dma_wait3A_256] : memref<2x5x128x64xf32, #tpu.memory_space<vmem>> -> memref<1x1x128x64xf32, #tpu.memory_space<vmem>>
    %dma_wait3A_258 = tpu.memref_squeeze %dma_wait3A_257 : memref<1x1x128x64xf32, #tpu.memory_space<vmem>> -> memref<128x64xf32, #tpu.memory_space<vmem>>
    %dma_wait3A_259 = arith.constant 0 : i32
    %dma_wait3A_260 = tpu.memref_slice %arg5[%dma_wait3A_251, %dma_wait3A_252, %dma_wait3A_259] : memref<2x5x128xi32, #tpu.memory_space<vmem>> -> memref<1x1x128xi32, #tpu.memory_space<vmem>>
    %dma_wait3A_261 = tpu.memref_squeeze %dma_wait3A_260 : memref<1x1x128xi32, #tpu.memory_space<vmem>> -> memref<128xi32, #tpu.memory_space<vmem>>
    %dma_wait3A_262 = arith.constant 0 : i32
    %dma_wait3A_263 = arith.constant 0 : i32
    %dma_wait3A_264 = tpu.memref_slice %arg10[%dma_wait3A_262, %dma_wait3A_263] : memref<49x64xf32, #tpu.memory_space<vmem_shared>> -> memref<49x64xf32, #tpu.memory_space<vmem_shared>>
    tpu.wait_indirect_dma semaphore(%arg7 : memref<!tpu.dma_semaphore, #tpu.memory_space<semaphore_mem>>) src(%dma_wait3A_264 : memref<49x64xf32, #tpu.memory_space<vmem_shared>>) dst(%dma_wait3A_258 : memref<128x64xf32, #tpu.memory_space<vmem>>)
    %add3A_265 = arith.constant 4 : i32
    %add3A_266 = arith.addi %add3A_122, %add3A_265 : i32
    %mul3A_267 = arith.constant 128 : i32
    %mul3A_268 = arith.muli %add3A_266, %mul3A_267 : i32
    %dma_start3A_269 = arith.constant 0 : i32
    %dma_start3A_270 = arith.constant 4 : i32
    %dma_start3A_271 = arith.constant 0 : i32
    %dma_start3A_272 = arith.constant 0 : i32
    %dma_start3A_273 = tpu.memref_slice %arg6[%dma_start3A_269, %dma_start3A_270, %dma_start3A_271, %dma_start3A_272] : memref<2x5x128x64xf32, #tpu.memory_space<vmem>> -> memref<1x1x128x64xf32, #tpu.memory_space<vmem>>
    %dma_start3A_274 = tpu.memref_squeeze %dma_start3A_273 : memref<1x1x128x64xf32, #tpu.memory_space<vmem>> -> memref<128x64xf32, #tpu.memory_space<vmem>>
    %dma_start3A_275 = arith.constant 0 : i32
    %dma_start3A_276 = tpu.memref_slice %arg4[%mul3A_268, %dma_start3A_275] : memref<3276800x64xf32, #tpu.memory_space<hbm>> -> memref<128x64xf32, #tpu.memory_space<hbm>>
    %dma_start3A_277 = arith.constant 0 : i32
    %dma_start3A_278 = tpu.memref_slice %arg4[%mul3A_268, %dma_start3A_277] : memref<3276800x64xf32, #tpu.memory_space<hbm>> -> memref<128x64xf32, #tpu.memory_space<hbm>>
    %dma_start3A_279 = arith.constant 0 : i32
    %dma_start3A_280 = arith.constant 0 : i32
    %dma_start3A_281 = tpu.memref_slice %arg6[%dma_start3A_269, %dma_start3A_270, %dma_start3A_279, %dma_start3A_280] : memref<2x5x128x64xf32, #tpu.memory_space<vmem>> -> memref<1x1x128x64xf32, #tpu.memory_space<vmem>>
    %dma_start3A_282 = tpu.memref_squeeze %dma_start3A_281 : memref<1x1x128x64xf32, #tpu.memory_space<vmem>> -> memref<128x64xf32, #tpu.memory_space<vmem>>
    tpu.enqueue_dma source(%dma_start3A_282 : memref<128x64xf32, #tpu.memory_space<vmem>>) target(%dma_start3A_278 : memref<128x64xf32, #tpu.memory_space<hbm>>) target_semaphore(%arg9 : memref<!tpu.dma_semaphore, #tpu.memory_space<semaphore_mem>>)
    %dma_wait3A_283 = arith.constant 1 : i32
    %dma_wait3A_284 = arith.constant 0 : i32
    %dma_wait3A_285 = arith.constant 0 : i32
    %dma_wait3A_286 = tpu.memref_slice %arg5[%dma_wait3A_283, %dma_wait3A_284, %dma_wait3A_285] : memref<2x5x128xi32, #tpu.memory_space<vmem>> -> memref<1x5x128xi32, #tpu.memory_space<vmem>>
    %dma_wait3A_287 = tpu.memref_squeeze %dma_wait3A_286 : memref<1x5x128xi32, #tpu.memory_space<vmem>> -> memref<5x128xi32, #tpu.memory_space<vmem>>
    %dma_wait3A_288 = arith.constant 0 : i32
    %dma_wait3A_289 = tpu.memref_slice %arg2[%mul3A_2, %dma_wait3A_288] : memref<25600x128xi32, #tpu.memory_space<hbm>> -> memref<5x128xi32, #tpu.memory_space<hbm>>
    %dma_wait3A_290 = arith.constant 0 : i32
    %dma_wait3A_291 = arith.constant 0 : i32
    %dma_wait3A_292 = tpu.memref_slice %arg5[%dma_wait3A_283, %dma_wait3A_290, %dma_wait3A_291] : memref<2x5x128xi32, #tpu.memory_space<vmem>> -> memref<1x5x128xi32, #tpu.memory_space<vmem>>
    %dma_wait3A_293 = tpu.memref_squeeze %dma_wait3A_292 : memref<1x5x128xi32, #tpu.memory_space<vmem>> -> memref<5x128xi32, #tpu.memory_space<vmem>>
    %dma_wait3A_294 = arith.constant 0 : i32
    %dma_wait3A_295 = tpu.memref_slice %arg2[%mul3A_2, %dma_wait3A_294] : memref<25600x128xi32, #tpu.memory_space<hbm>> -> memref<5x128xi32, #tpu.memory_space<hbm>>
    tpu.wait_dma2 semaphore(%arg8 : memref<!tpu.dma_semaphore, #tpu.memory_space<semaphore_mem>>) src(%dma_wait3A_295 : memref<5x128xi32, #tpu.memory_space<hbm>>) dst(%dma_wait3A_293 : memref<5x128xi32, #tpu.memory_space<vmem>>)
    %dma_start3A_296 = arith.constant 1 : i32
    %dma_start3A_297 = arith.constant 0 : i32
    %dma_start3A_298 = arith.constant 1 : i32
    %dma_start3A_299 = arith.constant 0 : i32
    %dma_start3A_300 = arith.constant 0 : i32
    %dma_start3A_301 = arith.constant 0 : i32
    %dma_start3A_302 = tpu.memref_slice %arg6[%dma_start3A_298, %dma_start3A_299, %dma_start3A_300, %dma_start3A_301] : memref<2x5x128x64xf32, #tpu.memory_space<vmem>> -> memref<1x1x128x64xf32, #tpu.memory_space<vmem>>
    %dma_start3A_303 = tpu.memref_squeeze %dma_start3A_302 : memref<1x1x128x64xf32, #tpu.memory_space<vmem>> -> memref<128x64xf32, #tpu.memory_space<vmem>>
    %dma_start3A_304 = arith.constant 0 : i32
    %dma_start3A_305 = tpu.memref_slice %arg5[%dma_start3A_296, %dma_start3A_297, %dma_start3A_304] : memref<2x5x128xi32, #tpu.memory_space<vmem>> -> memref<1x1x128xi32, #tpu.memory_space<vmem>>
    %dma_start3A_306 = tpu.memref_squeeze %dma_start3A_305 : memref<1x1x128xi32, #tpu.memory_space<vmem>> -> memref<128xi32, #tpu.memory_space<vmem>>
    %dma_start3A_307 = arith.constant 0 : i32
    %dma_start3A_308 = arith.constant 0 : i32
    %dma_start3A_309 = tpu.memref_slice %arg10[%dma_start3A_307, %dma_start3A_308] : memref<49x64xf32, #tpu.memory_space<vmem_shared>> -> memref<49x64xf32, #tpu.memory_space<vmem_shared>>
    tpu.enqueue_indirect_dma source(%dma_start3A_309 : memref<49x64xf32, #tpu.memory_space<vmem_shared>>) target(%dma_start3A_303 : memref<128x64xf32, #tpu.memory_space<vmem>>) offsets(%dma_start3A_306 : memref<128xi32, #tpu.memory_space<vmem>>) semaphore(%arg7 : memref<!tpu.dma_semaphore, #tpu.memory_space<semaphore_mem>>)
    %dma_start3A_310 = arith.constant 1 : i32
    %dma_start3A_311 = arith.constant 1 : i32
    %dma_start3A_312 = arith.constant 1 : i32
    %dma_start3A_313 = arith.constant 1 : i32
    %dma_start3A_314 = arith.constant 0 : i32
    %dma_start3A_315 = arith.constant 0 : i32
    %dma_start3A_316 = tpu.memref_slice %arg6[%dma_start3A_312, %dma_start3A_313, %dma_start3A_314, %dma_start3A_315] : memref<2x5x128x64xf32, #tpu.memory_space<vmem>> -> memref<1x1x128x64xf32, #tpu.memory_space<vmem>>
    %dma_start3A_317 = tpu.memref_squeeze %dma_start3A_316 : memref<1x1x128x64xf32, #tpu.memory_space<vmem>> -> memref<128x64xf32, #tpu.memory_space<vmem>>
    %dma_start3A_318 = arith.constant 0 : i32
    %dma_start3A_319 = tpu.memref_slice %arg5[%dma_start3A_310, %dma_start3A_311, %dma_start3A_318] : memref<2x5x128xi32, #tpu.memory_space<vmem>> -> memref<1x1x128xi32, #tpu.memory_space<vmem>>
    %dma_start3A_320 = tpu.memref_squeeze %dma_start3A_319 : memref<1x1x128xi32, #tpu.memory_space<vmem>> -> memref<128xi32, #tpu.memory_space<vmem>>
    %dma_start3A_321 = arith.constant 0 : i32
    %dma_start3A_322 = arith.constant 0 : i32
    %dma_start3A_323 = tpu.memref_slice %arg10[%dma_start3A_321, %dma_start3A_322] : memref<49x64xf32, #tpu.memory_space<vmem_shared>> -> memref<49x64xf32, #tpu.memory_space<vmem_shared>>
    tpu.enqueue_indirect_dma source(%dma_start3A_323 : memref<49x64xf32, #tpu.memory_space<vmem_shared>>) target(%dma_start3A_317 : memref<128x64xf32, #tpu.memory_space<vmem>>) offsets(%dma_start3A_320 : memref<128xi32, #tpu.memory_space<vmem>>) semaphore(%arg7 : memref<!tpu.dma_semaphore, #tpu.memory_space<semaphore_mem>>)
    %dma_start3A_324 = arith.constant 1 : i32
    %dma_start3A_325 = arith.constant 2 : i32
    %dma_start3A_326 = arith.constant 1 : i32
    %dma_start3A_327 = arith.constant 2 : i32
    %dma_start3A_328 = arith.constant 0 : i32
    %dma_start3A_329 = arith.constant 0 : i32
    %dma_start3A_330 = tpu.memref_slice %arg6[%dma_start3A_326, %dma_start3A_327, %dma_start3A_328, %dma_start3A_329] : memref<2x5x128x64xf32, #tpu.memory_space<vmem>> -> memref<1x1x128x64xf32, #tpu.memory_space<vmem>>
    %dma_start3A_331 = tpu.memref_squeeze %dma_start3A_330 : memref<1x1x128x64xf32, #tpu.memory_space<vmem>> -> memref<128x64xf32, #tpu.memory_space<vmem>>
    %dma_start3A_332 = arith.constant 0 : i32
    %dma_start3A_333 = tpu.memref_slice %arg5[%dma_start3A_324, %dma_start3A_325, %dma_start3A_332] : memref<2x5x128xi32, #tpu.memory_space<vmem>> -> memref<1x1x128xi32, #tpu.memory_space<vmem>>
    %dma_start3A_334 = tpu.memref_squeeze %dma_start3A_333 : memref<1x1x128xi32, #tpu.memory_space<vmem>> -> memref<128xi32, #tpu.memory_space<vmem>>
    %dma_start3A_335 = arith.constant 0 : i32
    %dma_start3A_336 = arith.constant 0 : i32
    %dma_start3A_337 = tpu.memref_slice %arg10[%dma_start3A_335, %dma_start3A_336] : memref<49x64xf32, #tpu.memory_space<vmem_shared>> -> memref<49x64xf32, #tpu.memory_space<vmem_shared>>
    tpu.enqueue_indirect_dma source(%dma_start3A_337 : memref<49x64xf32, #tpu.memory_space<vmem_shared>>) target(%dma_start3A_331 : memref<128x64xf32, #tpu.memory_space<vmem>>) offsets(%dma_start3A_334 : memref<128xi32, #tpu.memory_space<vmem>>) semaphore(%arg7 : memref<!tpu.dma_semaphore, #tpu.memory_space<semaphore_mem>>)
    %dma_start3A_338 = arith.constant 1 : i32
    %dma_start3A_339 = arith.constant 3 : i32
    %dma_start3A_340 = arith.constant 1 : i32
    %dma_start3A_341 = arith.constant 3 : i32
    %dma_start3A_342 = arith.constant 0 : i32
    %dma_start3A_343 = arith.constant 0 : i32
    %dma_start3A_344 = tpu.memref_slice %arg6[%dma_start3A_340, %dma_start3A_341, %dma_start3A_342, %dma_start3A_343] : memref<2x5x128x64xf32, #tpu.memory_space<vmem>> -> memref<1x1x128x64xf32, #tpu.memory_space<vmem>>
    %dma_start3A_345 = tpu.memref_squeeze %dma_start3A_344 : memref<1x1x128x64xf32, #tpu.memory_space<vmem>> -> memref<128x64xf32, #tpu.memory_space<vmem>>
    %dma_start3A_346 = arith.constant 0 : i32
    %dma_start3A_347 = tpu.memref_slice %arg5[%dma_start3A_338, %dma_start3A_339, %dma_start3A_346] : memref<2x5x128xi32, #tpu.memory_space<vmem>> -> memref<1x1x128xi32, #tpu.memory_space<vmem>>
    %dma_start3A_348 = tpu.memref_squeeze %dma_start3A_347 : memref<1x1x128xi32, #tpu.memory_space<vmem>> -> memref<128xi32, #tpu.memory_space<vmem>>
    %dma_start3A_349 = arith.constant 0 : i32
    %dma_start3A_350 = arith.constant 0 : i32
    %dma_start3A_351 = tpu.memref_slice %arg10[%dma_start3A_349, %dma_start3A_350] : memref<49x64xf32, #tpu.memory_space<vmem_shared>> -> memref<49x64xf32, #tpu.memory_space<vmem_shared>>
    tpu.enqueue_indirect_dma source(%dma_start3A_351 : memref<49x64xf32, #tpu.memory_space<vmem_shared>>) target(%dma_start3A_345 : memref<128x64xf32, #tpu.memory_space<vmem>>) offsets(%dma_start3A_348 : memref<128xi32, #tpu.memory_space<vmem>>) semaphore(%arg7 : memref<!tpu.dma_semaphore, #tpu.memory_space<semaphore_mem>>)
    %dma_start3A_352 = arith.constant 1 : i32
    %dma_start3A_353 = arith.constant 4 : i32
    %dma_start3A_354 = arith.constant 1 : i32
    %dma_start3A_355 = arith.constant 4 : i32
    %dma_start3A_356 = arith.constant 0 : i32
    %dma_start3A_357 = arith.constant 0 : i32
    %dma_start3A_358 = tpu.memref_slice %arg6[%dma_start3A_354, %dma_start3A_355, %dma_start3A_356, %dma_start3A_357] : memref<2x5x128x64xf32, #tpu.memory_space<vmem>> -> memref<1x1x128x64xf32, #tpu.memory_space<vmem>>
    %dma_start3A_359 = tpu.memref_squeeze %dma_start3A_358 : memref<1x1x128x64xf32, #tpu.memory_space<vmem>> -> memref<128x64xf32, #tpu.memory_space<vmem>>
    %dma_start3A_360 = arith.constant 0 : i32
    %dma_start3A_361 = tpu.memref_slice %arg5[%dma_start3A_352, %dma_start3A_353, %dma_start3A_360] : memref<2x5x128xi32, #tpu.memory_space<vmem>> -> memref<1x1x128xi32, #tpu.memory_space<vmem>>
    %dma_start3A_362 = tpu.memref_squeeze %dma_start3A_361 : memref<1x1x128xi32, #tpu.memory_space<vmem>> -> memref<128xi32, #tpu.memory_space<vmem>>
    %dma_start3A_363 = arith.constant 0 : i32
    %dma_start3A_364 = arith.constant 0 : i32
    %dma_start3A_365 = tpu.memref_slice %arg10[%dma_start3A_363, %dma_start3A_364] : memref<49x64xf32, #tpu.memory_space<vmem_shared>> -> memref<49x64xf32, #tpu.memory_space<vmem_shared>>
    tpu.enqueue_indirect_dma source(%dma_start3A_365 : memref<49x64xf32, #tpu.memory_space<vmem_shared>>) target(%dma_start3A_359 : memref<128x64xf32, #tpu.memory_space<vmem>>) offsets(%dma_start3A_362 : memref<128xi32, #tpu.memory_space<vmem>>) semaphore(%arg7 : memref<!tpu.dma_semaphore, #tpu.memory_space<semaphore_mem>>)
    %add3A_366 = arith.constant 790 : i32
    %add3A_367 = arith.addi %mul3A_2, %add3A_366 : i32
    %add3A_368 = arith.constant 0 : i32
    %add3A_369 = arith.addi %add3A_367, %add3A_368 : i32
    %mul3A_370 = arith.constant 128 : i32
    %mul3A_371 = arith.muli %add3A_369, %mul3A_370 : i32
    %dma_wait3A_372 = arith.constant 0 : i32
    %dma_wait3A_373 = arith.constant 0 : i32
    %dma_wait3A_374 = arith.constant 0 : i32
    %dma_wait3A_375 = arith.constant 0 : i32
    %dma_wait3A_376 = tpu.memref_slice %arg6[%dma_wait3A_372, %dma_wait3A_373, %dma_wait3A_374, %dma_wait3A_375] : memref<2x5x128x64xf32, #tpu.memory_space<vmem>> -> memref<1x1x128x64xf32, #tpu.memory_space<vmem>>
    %dma_wait3A_377 = tpu.memref_squeeze %dma_wait3A_376 : memref<1x1x128x64xf32, #tpu.memory_space<vmem>> -> memref<128x64xf32, #tpu.memory_space<vmem>>
    %dma_wait3A_378 = arith.constant 0 : i32
    %dma_wait3A_379 = tpu.memref_slice %arg4[%mul3A_371, %dma_wait3A_378] : memref<3276800x64xf32, #tpu.memory_space<hbm>> -> memref<128x64xf32, #tpu.memory_space<hbm>>
    %dma_wait3A_380 = arith.constant 0 : i32
    %dma_wait3A_381 = tpu.memref_slice %arg4[%mul3A_371, %dma_wait3A_380] : memref<3276800x64xf32, #tpu.memory_space<hbm>> -> memref<128x64xf32, #tpu.memory_space<hbm>>
    %dma_wait3A_382 = arith.constant 0 : i32
    %dma_wait3A_383 = arith.constant 0 : i32
    %dma_wait3A_384 = tpu.memref_slice %arg6[%dma_wait3A_372, %dma_wait3A_373, %dma_wait3A_382, %dma_wait3A_383] : memref<2x5x128x64xf32, #tpu.memory_space<vmem>> -> memref<1x1x128x64xf32, #tpu.memory_space<vmem>>
    %dma_wait3A_385 = tpu.memref_squeeze %dma_wait3A_384 : memref<1x1x128x64xf32, #tpu.memory_space<vmem>> -> memref<128x64xf32, #tpu.memory_space<vmem>>
    tpu.wait_dma2 semaphore(%arg9 : memref<!tpu.dma_semaphore, #tpu.memory_space<semaphore_mem>>) src(%dma_wait3A_385 : memref<128x64xf32, #tpu.memory_space<vmem>>) dst(%dma_wait3A_381 : memref<128x64xf32, #tpu.memory_space<hbm>>)
    %add3A_386 = arith.constant 1 : i32
    %add3A_387 = arith.addi %add3A_367, %add3A_386 : i32
    %mul3A_388 = arith.constant 128 : i32
    %mul3A_389 = arith.muli %add3A_387, %mul3A_388 : i32
    %dma_wait3A_390 = arith.constant 0 : i32
    %dma_wait3A_391 = arith.constant 1 : i32
    %dma_wait3A_392 = arith.constant 0 : i32
    %dma_wait3A_393 = arith.constant 0 : i32
    %dma_wait3A_394 = tpu.memref_slice %arg6[%dma_wait3A_390, %dma_wait3A_391, %dma_wait3A_392, %dma_wait3A_393] : memref<2x5x128x64xf32, #tpu.memory_space<vmem>> -> memref<1x1x128x64xf32, #tpu.memory_space<vmem>>
    %dma_wait3A_395 = tpu.memref_squeeze %dma_wait3A_394 : memref<1x1x128x64xf32, #tpu.memory_space<vmem>> -> memref<128x64xf32, #tpu.memory_space<vmem>>
    %dma_wait3A_396 = arith.constant 0 : i32
    %dma_wait3A_397 = tpu.memref_slice %arg4[%mul3A_389, %dma_wait3A_396] : memref<3276800x64xf32, #tpu.memory_space<hbm>> -> memref<128x64xf32, #tpu.memory_space<hbm>>
    %dma_wait3A_398 = arith.constant 0 : i32
    %dma_wait3A_399 = tpu.memref_slice %arg4[%mul3A_389, %dma_wait3A_398] : memref<3276800x64xf32, #tpu.memory_space<hbm>> -> memref<128x64xf32, #tpu.memory_space<hbm>>
    %dma_wait3A_400 = arith.constant 0 : i32
    %dma_wait3A_401 = arith.constant 0 : i32
    %dma_wait3A_402 = tpu.memref_slice %arg6[%dma_wait3A_390, %dma_wait3A_391, %dma_wait3A_400, %dma_wait3A_401] : memref<2x5x128x64xf32, #tpu.memory_space<vmem>> -> memref<1x1x128x64xf32, #tpu.memory_space<vmem>>
    %dma_wait3A_403 = tpu.memref_squeeze %dma_wait3A_402 : memref<1x1x128x64xf32, #tpu.memory_space<vmem>> -> memref<128x64xf32, #tpu.memory_space<vmem>>
    tpu.wait_dma2 semaphore(%arg9 : memref<!tpu.dma_semaphore, #tpu.memory_space<semaphore_mem>>) src(%dma_wait3A_403 : memref<128x64xf32, #tpu.memory_space<vmem>>) dst(%dma_wait3A_399 : memref<128x64xf32, #tpu.memory_space<hbm>>)
    %add3A_404 = arith.constant 2 : i32
    %add3A_405 = arith.addi %add3A_367, %add3A_404 : i32
    %mul3A_406 = arith.constant 128 : i32
    %mul3A_407 = arith.muli %add3A_405, %mul3A_406 : i32
    %dma_wait3A_408 = arith.constant 0 : i32
    %dma_wait3A_409 = arith.constant 2 : i32
    %dma_wait3A_410 = arith.constant 0 : i32
    %dma_wait3A_411 = arith.constant 0 : i32
    %dma_wait3A_412 = tpu.memref_slice %arg6[%dma_wait3A_408, %dma_wait3A_409, %dma_wait3A_410, %dma_wait3A_411] : memref<2x5x128x64xf32, #tpu.memory_space<vmem>> -> memref<1x1x128x64xf32, #tpu.memory_space<vmem>>
    %dma_wait3A_413 = tpu.memref_squeeze %dma_wait3A_412 : memref<1x1x128x64xf32, #tpu.memory_space<vmem>> -> memref<128x64xf32, #tpu.memory_space<vmem>>
    %dma_wait3A_414 = arith.constant 0 : i32
    %dma_wait3A_415 = tpu.memref_slice %arg4[%mul3A_407, %dma_wait3A_414] : memref<3276800x64xf32, #tpu.memory_space<hbm>> -> memref<128x64xf32, #tpu.memory_space<hbm>>
    %dma_wait3A_416 = arith.constant 0 : i32
    %dma_wait3A_417 = tpu.memref_slice %arg4[%mul3A_407, %dma_wait3A_416] : memref<3276800x64xf32, #tpu.memory_space<hbm>> -> memref<128x64xf32, #tpu.memory_space<hbm>>
    %dma_wait3A_418 = arith.constant 0 : i32
    %dma_wait3A_419 = arith.constant 0 : i32
    %dma_wait3A_420 = tpu.memref_slice %arg6[%dma_wait3A_408, %dma_wait3A_409, %dma_wait3A_418, %dma_wait3A_419] : memref<2x5x128x64xf32, #tpu.memory_space<vmem>> -> memref<1x1x128x64xf32, #tpu.memory_space<vmem>>
    %dma_wait3A_421 = tpu.memref_squeeze %dma_wait3A_420 : memref<1x1x128x64xf32, #tpu.memory_space<vmem>> -> memref<128x64xf32, #tpu.memory_space<vmem>>
    tpu.wait_dma2 semaphore(%arg9 : memref<!tpu.dma_semaphore, #tpu.memory_space<semaphore_mem>>) src(%dma_wait3A_421 : memref<128x64xf32, #tpu.memory_space<vmem>>) dst(%dma_wait3A_417 : memref<128x64xf32, #tpu.memory_space<hbm>>)
    %add3A_422 = arith.constant 3 : i32
    %add3A_423 = arith.addi %add3A_367, %add3A_422 : i32
    %mul3A_424 = arith.constant 128 : i32
    %mul3A_425 = arith.muli %add3A_423, %mul3A_424 : i32
    %dma_wait3A_426 = arith.constant 0 : i32
    %dma_wait3A_427 = arith.constant 3 : i32
    %dma_wait3A_428 = arith.constant 0 : i32
    %dma_wait3A_429 = arith.constant 0 : i32
    %dma_wait3A_430 = tpu.memref_slice %arg6[%dma_wait3A_426, %dma_wait3A_427, %dma_wait3A_428, %dma_wait3A_429] : memref<2x5x128x64xf32, #tpu.memory_space<vmem>> -> memref<1x1x128x64xf32, #tpu.memory_space<vmem>>
    %dma_wait3A_431 = tpu.memref_squeeze %dma_wait3A_430 : memref<1x1x128x64xf32, #tpu.memory_space<vmem>> -> memref<128x64xf32, #tpu.memory_space<vmem>>
    %dma_wait3A_432 = arith.constant 0 : i32
    %dma_wait3A_433 = tpu.memref_slice %arg4[%mul3A_425, %dma_wait3A_432] : memref<3276800x64xf32, #tpu.memory_space<hbm>> -> memref<128x64xf32, #tpu.memory_space<hbm>>
    %dma_wait3A_434 = arith.constant 0 : i32
    %dma_wait3A_435 = tpu.memref_slice %arg4[%mul3A_425, %dma_wait3A_434] : memref<3276800x64xf32, #tpu.memory_space<hbm>> -> memref<128x64xf32, #tpu.memory_space<hbm>>
    %dma_wait3A_436 = arith.constant 0 : i32
    %dma_wait3A_437 = arith.constant 0 : i32
    %dma_wait3A_438 = tpu.memref_slice %arg6[%dma_wait3A_426, %dma_wait3A_427, %dma_wait3A_436, %dma_wait3A_437] : memref<2x5x128x64xf32, #tpu.memory_space<vmem>> -> memref<1x1x128x64xf32, #tpu.memory_space<vmem>>
    %dma_wait3A_439 = tpu.memref_squeeze %dma_wait3A_438 : memref<1x1x128x64xf32, #tpu.memory_space<vmem>> -> memref<128x64xf32, #tpu.memory_space<vmem>>
    tpu.wait_dma2 semaphore(%arg9 : memref<!tpu.dma_semaphore, #tpu.memory_space<semaphore_mem>>) src(%dma_wait3A_439 : memref<128x64xf32, #tpu.memory_space<vmem>>) dst(%dma_wait3A_435 : memref<128x64xf32, #tpu.memory_space<hbm>>)
    %add3A_440 = arith.constant 4 : i32
    %add3A_441 = arith.addi %add3A_367, %add3A_440 : i32
    %mul3A_442 = arith.constant 128 : i32
    %mul3A_443 = arith.muli %add3A_441, %mul3A_442 : i32
    %dma_wait3A_444 = arith.constant 0 : i32
    %dma_wait3A_445 = arith.constant 4 : i32
    %dma_wait3A_446 = arith.constant 0 : i32
    %dma_wait3A_447 = arith.constant 0 : i32
    %dma_wait3A_448 = tpu.memref_slice %arg6[%dma_wait3A_444, %dma_wait3A_445, %dma_wait3A_446, %dma_wait3A_447] : memref<2x5x128x64xf32, #tpu.memory_space<vmem>> -> memref<1x1x128x64xf32, #tpu.memory_space<vmem>>
    %dma_wait3A_449 = tpu.memref_squeeze %dma_wait3A_448 : memref<1x1x128x64xf32, #tpu.memory_space<vmem>> -> memref<128x64xf32, #tpu.memory_space<vmem>>
    %dma_wait3A_450 = arith.constant 0 : i32
    %dma_wait3A_451 = tpu.memref_slice %arg4[%mul3A_443, %dma_wait3A_450] : memref<3276800x64xf32, #tpu.memory_space<hbm>> -> memref<128x64xf32, #tpu.memory_space<hbm>>
    %dma_wait3A_452 = arith.constant 0 : i32
    %dma_wait3A_453 = tpu.memref_slice %arg4[%mul3A_443, %dma_wait3A_452] : memref<3276800x64xf32, #tpu.memory_space<hbm>> -> memref<128x64xf32, #tpu.memory_space<hbm>>
    %dma_wait3A_454 = arith.constant 0 : i32
    %dma_wait3A_455 = arith.constant 0 : i32
    %dma_wait3A_456 = tpu.memref_slice %arg6[%dma_wait3A_444, %dma_wait3A_445, %dma_wait3A_454, %dma_wait3A_455] : memref<2x5x128x64xf32, #tpu.memory_space<vmem>> -> memref<1x1x128x64xf32, #tpu.memory_space<vmem>>
    %dma_wait3A_457 = tpu.memref_squeeze %dma_wait3A_456 : memref<1x1x128x64xf32, #tpu.memory_space<vmem>> -> memref<128x64xf32, #tpu.memory_space<vmem>>
    tpu.wait_dma2 semaphore(%arg9 : memref<!tpu.dma_semaphore, #tpu.memory_space<semaphore_mem>>) src(%dma_wait3A_457 : memref<128x64xf32, #tpu.memory_space<vmem>>) dst(%dma_wait3A_453 : memref<128x64xf32, #tpu.memory_space<hbm>>)
    %add3A_458 = arith.constant 795 : i32
    %add3A_459 = arith.addi %mul3A_2, %add3A_458 : i32
    %dma_wait3A_460 = arith.constant 1 : i32
    %dma_wait3A_461 = arith.constant 0 : i32
    %dma_wait3A_462 = arith.constant 1 : i32
    %dma_wait3A_463 = arith.constant 0 : i32
    %dma_wait3A_464 = arith.constant 0 : i32
    %dma_wait3A_465 = arith.constant 0 : i32
    %dma_wait3A_466 = tpu.memref_slice %arg6[%dma_wait3A_462, %dma_wait3A_463, %dma_wait3A_464, %dma_wait3A_465] : memref<2x5x128x64xf32, #tpu.memory_space<vmem>> -> memref<1x1x128x64xf32, #tpu.memory_space<vmem>>
    %dma_wait3A_467 = tpu.memref_squeeze %dma_wait3A_466 : memref<1x1x128x64xf32, #tpu.memory_space<vmem>> -> memref<128x64xf32, #tpu.memory_space<vmem>>
    %dma_wait3A_468 = arith.constant 0 : i32
    %dma_wait3A_469 = tpu.memref_slice %arg5[%dma_wait3A_460, %dma_wait3A_461, %dma_wait3A_468] : memref<2x5x128xi32, #tpu.memory_space<vmem>> -> memref<1x1x128xi32, #tpu.memory_space<vmem>>
    %dma_wait3A_470 = tpu.memref_squeeze %dma_wait3A_469 : memref<1x1x128xi32, #tpu.memory_space<vmem>> -> memref<128xi32, #tpu.memory_space<vmem>>
    %dma_wait3A_471 = arith.constant 0 : i32
    %dma_wait3A_472 = arith.constant 0 : i32
    %dma_wait3A_473 = tpu.memref_slice %arg10[%dma_wait3A_471, %dma_wait3A_472] : memref<49x64xf32, #tpu.memory_space<vmem_shared>> -> memref<49x64xf32, #tpu.memory_space<vmem_shared>>
    tpu.wait_indirect_dma semaphore(%arg7 : memref<!tpu.dma_semaphore, #tpu.memory_space<semaphore_mem>>) src(%dma_wait3A_473 : memref<49x64xf32, #tpu.memory_space<vmem_shared>>) dst(%dma_wait3A_467 : memref<128x64xf32, #tpu.memory_space<vmem>>)
    %add3A_474 = arith.constant 0 : i32
    %add3A_475 = arith.addi %add3A_459, %add3A_474 : i32
    %mul3A_476 = arith.constant 128 : i32
    %mul3A_477 = arith.muli %add3A_475, %mul3A_476 : i32
    %dma_start3A_478 = arith.constant 1 : i32
    %dma_start3A_479 = arith.constant 0 : i32
    %dma_start3A_480 = arith.constant 0 : i32
    %dma_start3A_481 = arith.constant 0 : i32
    %dma_start3A_482 = tpu.memref_slice %arg6[%dma_start3A_478, %dma_start3A_479, %dma_start3A_480, %dma_start3A_481] : memref<2x5x128x64xf32, #tpu.memory_space<vmem>> -> memref<1x1x128x64xf32, #tpu.memory_space<vmem>>
    %dma_start3A_483 = tpu.memref_squeeze %dma_start3A_482 : memref<1x1x128x64xf32, #tpu.memory_space<vmem>> -> memref<128x64xf32, #tpu.memory_space<vmem>>
    %dma_start3A_484 = arith.constant 0 : i32
    %dma_start3A_485 = tpu.memref_slice %arg4[%mul3A_477, %dma_start3A_484] : memref<3276800x64xf32, #tpu.memory_space<hbm>> -> memref<128x64xf32, #tpu.memory_space<hbm>>
    %dma_start3A_486 = arith.constant 0 : i32
    %dma_start3A_487 = tpu.memref_slice %arg4[%mul3A_477, %dma_start3A_486] : memref<3276800x64xf32, #tpu.memory_space<hbm>> -> memref<128x64xf32, #tpu.memory_space<hbm>>
    %dma_start3A_488 = arith.constant 0 : i32
    %dma_start3A_489 = arith.constant 0 : i32
    %dma_start3A_490 = tpu.memref_slice %arg6[%dma_start3A_478, %dma_start3A_479, %dma_start3A_488, %dma_start3A_489] : memref<2x5x128x64xf32, #tpu.memory_space<vmem>> -> memref<1x1x128x64xf32, #tpu.memory_space<vmem>>
    %dma_start3A_491 = tpu.memref_squeeze %dma_start3A_490 : memref<1x1x128x64xf32, #tpu.memory_space<vmem>> -> memref<128x64xf32, #tpu.memory_space<vmem>>
    tpu.enqueue_dma source(%dma_start3A_491 : memref<128x64xf32, #tpu.memory_space<vmem>>) target(%dma_start3A_487 : memref<128x64xf32, #tpu.memory_space<hbm>>) target_semaphore(%arg9 : memref<!tpu.dma_semaphore, #tpu.memory_space<semaphore_mem>>)
    %dma_wait3A_492 = arith.constant 1 : i32
    %dma_wait3A_493 = arith.constant 1 : i32
    %dma_wait3A_494 = arith.constant 1 : i32
    %dma_wait3A_495 = arith.constant 1 : i32
    %dma_wait3A_496 = arith.constant 0 : i32
    %dma_wait3A_497 = arith.constant 0 : i32
    %dma_wait3A_498 = tpu.memref_slice %arg6[%dma_wait3A_494, %dma_wait3A_495, %dma_wait3A_496, %dma_wait3A_497] : memref<2x5x128x64xf32, #tpu.memory_space<vmem>> -> memref<1x1x128x64xf32, #tpu.memory_space<vmem>>
    %dma_wait3A_499 = tpu.memref_squeeze %dma_wait3A_498 : memref<1x1x128x64xf32, #tpu.memory_space<vmem>> -> memref<128x64xf32, #tpu.memory_space<vmem>>
    %dma_wait3A_500 = arith.constant 0 : i32
    %dma_wait3A_501 = tpu.memref_slice %arg5[%dma_wait3A_492, %dma_wait3A_493, %dma_wait3A_500] : memref<2x5x128xi32, #tpu.memory_space<vmem>> -> memref<1x1x128xi32, #tpu.memory_space<vmem>>
    %dma_wait3A_502 = tpu.memref_squeeze %dma_wait3A_501 : memref<1x1x128xi32, #tpu.memory_space<vmem>> -> memref<128xi32, #tpu.memory_space<vmem>>
    %dma_wait3A_503 = arith.constant 0 : i32
    %dma_wait3A_504 = arith.constant 0 : i32
    %dma_wait3A_505 = tpu.memref_slice %arg10[%dma_wait3A_503, %dma_wait3A_504] : memref<49x64xf32, #tpu.memory_space<vmem_shared>> -> memref<49x64xf32, #tpu.memory_space<vmem_shared>>
    tpu.wait_indirect_dma semaphore(%arg7 : memref<!tpu.dma_semaphore, #tpu.memory_space<semaphore_mem>>) src(%dma_wait3A_505 : memref<49x64xf32, #tpu.memory_space<vmem_shared>>) dst(%dma_wait3A_499 : memref<128x64xf32, #tpu.memory_space<vmem>>)
    %add3A_506 = arith.constant 1 : i32
    %add3A_507 = arith.addi %add3A_459, %add3A_506 : i32
    %mul3A_508 = arith.constant 128 : i32
    %mul3A_509 = arith.muli %add3A_507, %mul3A_508 : i32
    %dma_start3A_510 = arith.constant 1 : i32
    %dma_start3A_511 = arith.constant 1 : i32
    %dma_start3A_512 = arith.constant 0 : i32
    %dma_start3A_513 = arith.constant 0 : i32
    %dma_start3A_514 = tpu.memref_slice %arg6[%dma_start3A_510, %dma_start3A_511, %dma_start3A_512, %dma_start3A_513] : memref<2x5x128x64xf32, #tpu.memory_space<vmem>> -> memref<1x1x128x64xf32, #tpu.memory_space<vmem>>
    %dma_start3A_515 = tpu.memref_squeeze %dma_start3A_514 : memref<1x1x128x64xf32, #tpu.memory_space<vmem>> -> memref<128x64xf32, #tpu.memory_space<vmem>>
    %dma_start3A_516 = arith.constant 0 : i32
    %dma_start3A_517 = tpu.memref_slice %arg4[%mul3A_509, %dma_start3A_516] : memref<3276800x64xf32, #tpu.memory_space<hbm>> -> memref<128x64xf32, #tpu.memory_space<hbm>>
    %dma_start3A_518 = arith.constant 0 : i32
    %dma_start3A_519 = tpu.memref_slice %arg4[%mul3A_509, %dma_start3A_518] : memref<3276800x64xf32, #tpu.memory_space<hbm>> -> memref<128x64xf32, #tpu.memory_space<hbm>>
    %dma_start3A_520 = arith.constant 0 : i32
    %dma_start3A_521 = arith.constant 0 : i32
    %dma_start3A_522 = tpu.memref_slice %arg6[%dma_start3A_510, %dma_start3A_511, %dma_start3A_520, %dma_start3A_521] : memref<2x5x128x64xf32, #tpu.memory_space<vmem>> -> memref<1x1x128x64xf32, #tpu.memory_space<vmem>>
    %dma_start3A_523 = tpu.memref_squeeze %dma_start3A_522 : memref<1x1x128x64xf32, #tpu.memory_space<vmem>> -> memref<128x64xf32, #tpu.memory_space<vmem>>
    tpu.enqueue_dma source(%dma_start3A_523 : memref<128x64xf32, #tpu.memory_space<vmem>>) target(%dma_start3A_519 : memref<128x64xf32, #tpu.memory_space<hbm>>) target_semaphore(%arg9 : memref<!tpu.dma_semaphore, #tpu.memory_space<semaphore_mem>>)
    %dma_wait3A_524 = arith.constant 1 : i32
    %dma_wait3A_525 = arith.constant 2 : i32
    %dma_wait3A_526 = arith.constant 1 : i32
    %dma_wait3A_527 = arith.constant 2 : i32
    %dma_wait3A_528 = arith.constant 0 : i32
    %dma_wait3A_529 = arith.constant 0 : i32
    %dma_wait3A_530 = tpu.memref_slice %arg6[%dma_wait3A_526, %dma_wait3A_527, %dma_wait3A_528, %dma_wait3A_529] : memref<2x5x128x64xf32, #tpu.memory_space<vmem>> -> memref<1x1x128x64xf32, #tpu.memory_space<vmem>>
    %dma_wait3A_531 = tpu.memref_squeeze %dma_wait3A_530 : memref<1x1x128x64xf32, #tpu.memory_space<vmem>> -> memref<128x64xf32, #tpu.memory_space<vmem>>
    %dma_wait3A_532 = arith.constant 0 : i32
    %dma_wait3A_533 = tpu.memref_slice %arg5[%dma_wait3A_524, %dma_wait3A_525, %dma_wait3A_532] : memref<2x5x128xi32, #tpu.memory_space<vmem>> -> memref<1x1x128xi32, #tpu.memory_space<vmem>>
    %dma_wait3A_534 = tpu.memref_squeeze %dma_wait3A_533 : memref<1x1x128xi32, #tpu.memory_space<vmem>> -> memref<128xi32, #tpu.memory_space<vmem>>
    %dma_wait3A_535 = arith.constant 0 : i32
    %dma_wait3A_536 = arith.constant 0 : i32
    %dma_wait3A_537 = tpu.memref_slice %arg10[%dma_wait3A_535, %dma_wait3A_536] : memref<49x64xf32, #tpu.memory_space<vmem_shared>> -> memref<49x64xf32, #tpu.memory_space<vmem_shared>>
    tpu.wait_indirect_dma semaphore(%arg7 : memref<!tpu.dma_semaphore, #tpu.memory_space<semaphore_mem>>) src(%dma_wait3A_537 : memref<49x64xf32, #tpu.memory_space<vmem_shared>>) dst(%dma_wait3A_531 : memref<128x64xf32, #tpu.memory_space<vmem>>)
    %add3A_538 = arith.constant 2 : i32
    %add3A_539 = arith.addi %add3A_459, %add3A_538 : i32
    %mul3A_540 = arith.constant 128 : i32
    %mul3A_541 = arith.muli %add3A_539, %mul3A_540 : i32
    %dma_start3A_542 = arith.constant 1 : i32
    %dma_start3A_543 = arith.constant 2 : i32
    %dma_start3A_544 = arith.constant 0 : i32
    %dma_start3A_545 = arith.constant 0 : i32
    %dma_start3A_546 = tpu.memref_slice %arg6[%dma_start3A_542, %dma_start3A_543, %dma_start3A_544, %dma_start3A_545] : memref<2x5x128x64xf32, #tpu.memory_space<vmem>> -> memref<1x1x128x64xf32, #tpu.memory_space<vmem>>
    %dma_start3A_547 = tpu.memref_squeeze %dma_start3A_546 : memref<1x1x128x64xf32, #tpu.memory_space<vmem>> -> memref<128x64xf32, #tpu.memory_space<vmem>>
    %dma_start3A_548 = arith.constant 0 : i32
    %dma_start3A_549 = tpu.memref_slice %arg4[%mul3A_541, %dma_start3A_548] : memref<3276800x64xf32, #tpu.memory_space<hbm>> -> memref<128x64xf32, #tpu.memory_space<hbm>>
    %dma_start3A_550 = arith.constant 0 : i32
    %dma_start3A_551 = tpu.memref_slice %arg4[%mul3A_541, %dma_start3A_550] : memref<3276800x64xf32, #tpu.memory_space<hbm>> -> memref<128x64xf32, #tpu.memory_space<hbm>>
    %dma_start3A_552 = arith.constant 0 : i32
    %dma_start3A_553 = arith.constant 0 : i32
    %dma_start3A_554 = tpu.memref_slice %arg6[%dma_start3A_542, %dma_start3A_543, %dma_start3A_552, %dma_start3A_553] : memref<2x5x128x64xf32, #tpu.memory_space<vmem>> -> memref<1x1x128x64xf32, #tpu.memory_space<vmem>>
    %dma_start3A_555 = tpu.memref_squeeze %dma_start3A_554 : memref<1x1x128x64xf32, #tpu.memory_space<vmem>> -> memref<128x64xf32, #tpu.memory_space<vmem>>
    tpu.enqueue_dma source(%dma_start3A_555 : memref<128x64xf32, #tpu.memory_space<vmem>>) target(%dma_start3A_551 : memref<128x64xf32, #tpu.memory_space<hbm>>) target_semaphore(%arg9 : memref<!tpu.dma_semaphore, #tpu.memory_space<semaphore_mem>>)
    %dma_wait3A_556 = arith.constant 1 : i32
    %dma_wait3A_557 = arith.constant 3 : i32
    %dma_wait3A_558 = arith.constant 1 : i32
    %dma_wait3A_559 = arith.constant 3 : i32
    %dma_wait3A_560 = arith.constant 0 : i32
    %dma_wait3A_561 = arith.constant 0 : i32
    %dma_wait3A_562 = tpu.memref_slice %arg6[%dma_wait3A_558, %dma_wait3A_559, %dma_wait3A_560, %dma_wait3A_561] : memref<2x5x128x64xf32, #tpu.memory_space<vmem>> -> memref<1x1x128x64xf32, #tpu.memory_space<vmem>>
    %dma_wait3A_563 = tpu.memref_squeeze %dma_wait3A_562 : memref<1x1x128x64xf32, #tpu.memory_space<vmem>> -> memref<128x64xf32, #tpu.memory_space<vmem>>
    %dma_wait3A_564 = arith.constant 0 : i32
    %dma_wait3A_565 = tpu.memref_slice %arg5[%dma_wait3A_556, %dma_wait3A_557, %dma_wait3A_564] : memref<2x5x128xi32, #tpu.memory_space<vmem>> -> memref<1x1x128xi32, #tpu.memory_space<vmem>>
    %dma_wait3A_566 = tpu.memref_squeeze %dma_wait3A_565 : memref<1x1x128xi32, #tpu.memory_space<vmem>> -> memref<128xi32, #tpu.memory_space<vmem>>
    %dma_wait3A_567 = arith.constant 0 : i32
    %dma_wait3A_568 = arith.constant 0 : i32
    %dma_wait3A_569 = tpu.memref_slice %arg10[%dma_wait3A_567, %dma_wait3A_568] : memref<49x64xf32, #tpu.memory_space<vmem_shared>> -> memref<49x64xf32, #tpu.memory_space<vmem_shared>>
    tpu.wait_indirect_dma semaphore(%arg7 : memref<!tpu.dma_semaphore, #tpu.memory_space<semaphore_mem>>) src(%dma_wait3A_569 : memref<49x64xf32, #tpu.memory_space<vmem_shared>>) dst(%dma_wait3A_563 : memref<128x64xf32, #tpu.memory_space<vmem>>)
    %add3A_570 = arith.constant 3 : i32
    %add3A_571 = arith.addi %add3A_459, %add3A_570 : i32
    %mul3A_572 = arith.constant 128 : i32
    %mul3A_573 = arith.muli %add3A_571, %mul3A_572 : i32
    %dma_start3A_574 = arith.constant 1 : i32
    %dma_start3A_575 = arith.constant 3 : i32
    %dma_start3A_576 = arith.constant 0 : i32
    %dma_start3A_577 = arith.constant 0 : i32
    %dma_start3A_578 = tpu.memref_slice %arg6[%dma_start3A_574, %dma_start3A_575, %dma_start3A_576, %dma_start3A_577] : memref<2x5x128x64xf32, #tpu.memory_space<vmem>> -> memref<1x1x128x64xf32, #tpu.memory_space<vmem>>
    %dma_start3A_579 = tpu.memref_squeeze %dma_start3A_578 : memref<1x1x128x64xf32, #tpu.memory_space<vmem>> -> memref<128x64xf32, #tpu.memory_space<vmem>>
    %dma_start3A_580 = arith.constant 0 : i32
    %dma_start3A_581 = tpu.memref_slice %arg4[%mul3A_573, %dma_start3A_580] : memref<3276800x64xf32, #tpu.memory_space<hbm>> -> memref<128x64xf32, #tpu.memory_space<hbm>>
    %dma_start3A_582 = arith.constant 0 : i32
    %dma_start3A_583 = tpu.memref_slice %arg4[%mul3A_573, %dma_start3A_582] : memref<3276800x64xf32, #tpu.memory_space<hbm>> -> memref<128x64xf32, #tpu.memory_space<hbm>>
    %dma_start3A_584 = arith.constant 0 : i32
    %dma_start3A_585 = arith.constant 0 : i32
    %dma_start3A_586 = tpu.memref_slice %arg6[%dma_start3A_574, %dma_start3A_575, %dma_start3A_584, %dma_start3A_585] : memref<2x5x128x64xf32, #tpu.memory_space<vmem>> -> memref<1x1x128x64xf32, #tpu.memory_space<vmem>>
    %dma_start3A_587 = tpu.memref_squeeze %dma_start3A_586 : memref<1x1x128x64xf32, #tpu.memory_space<vmem>> -> memref<128x64xf32, #tpu.memory_space<vmem>>
    tpu.enqueue_dma source(%dma_start3A_587 : memref<128x64xf32, #tpu.memory_space<vmem>>) target(%dma_start3A_583 : memref<128x64xf32, #tpu.memory_space<hbm>>) target_semaphore(%arg9 : memref<!tpu.dma_semaphore, #tpu.memory_space<semaphore_mem>>)
    %dma_wait3A_588 = arith.constant 1 : i32
    %dma_wait3A_589 = arith.constant 4 : i32
    %dma_wait3A_590 = arith.constant 1 : i32
    %dma_wait3A_591 = arith.constant 4 : i32
    %dma_wait3A_592 = arith.constant 0 : i32
    %dma_wait3A_593 = arith.constant 0 : i32
    %dma_wait3A_594 = tpu.memref_slice %arg6[%dma_wait3A_590, %dma_wait3A_591, %dma_wait3A_592, %dma_wait3A_593] : memref<2x5x128x64xf32, #tpu.memory_space<vmem>> -> memref<1x1x128x64xf32, #tpu.memory_space<vmem>>
    %dma_wait3A_595 = tpu.memref_squeeze %dma_wait3A_594 : memref<1x1x128x64xf32, #tpu.memory_space<vmem>> -> memref<128x64xf32, #tpu.memory_space<vmem>>
    %dma_wait3A_596 = arith.constant 0 : i32
    %dma_wait3A_597 = tpu.memref_slice %arg5[%dma_wait3A_588, %dma_wait3A_589, %dma_wait3A_596] : memref<2x5x128xi32, #tpu.memory_space<vmem>> -> memref<1x1x128xi32, #tpu.memory_space<vmem>>
    %dma_wait3A_598 = tpu.memref_squeeze %dma_wait3A_597 : memref<1x1x128xi32, #tpu.memory_space<vmem>> -> memref<128xi32, #tpu.memory_space<vmem>>
    %dma_wait3A_599 = arith.constant 0 : i32
    %dma_wait3A_600 = arith.constant 0 : i32
    %dma_wait3A_601 = tpu.memref_slice %arg10[%dma_wait3A_599, %dma_wait3A_600] : memref<49x64xf32, #tpu.memory_space<vmem_shared>> -> memref<49x64xf32, #tpu.memory_space<vmem_shared>>
    tpu.wait_indirect_dma semaphore(%arg7 : memref<!tpu.dma_semaphore, #tpu.memory_space<semaphore_mem>>) src(%dma_wait3A_601 : memref<49x64xf32, #tpu.memory_space<vmem_shared>>) dst(%dma_wait3A_595 : memref<128x64xf32, #tpu.memory_space<vmem>>)
    %add3A_602 = arith.constant 4 : i32
    %add3A_603 = arith.addi %add3A_459, %add3A_602 : i32
    %mul3A_604 = arith.constant 128 : i32
    %mul3A_605 = arith.muli %add3A_603, %mul3A_604 : i32
    %dma_start3A_606 = arith.constant 1 : i32
    %dma_start3A_607 = arith.constant 4 : i32
    %dma_start3A_608 = arith.constant 0 : i32
    %dma_start3A_609 = arith.constant 0 : i32
    %dma_start3A_610 = tpu.memref_slice %arg6[%dma_start3A_606, %dma_start3A_607, %dma_start3A_608, %dma_start3A_609] : memref<2x5x128x64xf32, #tpu.memory_space<vmem>> -> memref<1x1x128x64xf32, #tpu.memory_space<vmem>>
    %dma_start3A_611 = tpu.memref_squeeze %dma_start3A_610 : memref<1x1x128x64xf32, #tpu.memory_space<vmem>> -> memref<128x64xf32, #tpu.memory_space<vmem>>
    %dma_start3A_612 = arith.constant 0 : i32
    %dma_start3A_613 = tpu.memref_slice %arg4[%mul3A_605, %dma_start3A_612] : memref<3276800x64xf32, #tpu.memory_space<hbm>> -> memref<128x64xf32, #tpu.memory_space<hbm>>
    %dma_start3A_614 = arith.constant 0 : i32
    %dma_start3A_615 = tpu.memref_slice %arg4[%mul3A_605, %dma_start3A_614] : memref<3276800x64xf32, #tpu.memory_space<hbm>> -> memref<128x64xf32, #tpu.memory_space<hbm>>
    %dma_start3A_616 = arith.constant 0 : i32
    %dma_start3A_617 = arith.constant 0 : i32
    %dma_start3A_618 = tpu.memref_slice %arg6[%dma_start3A_606, %dma_start3A_607, %dma_start3A_616, %dma_start3A_617] : memref<2x5x128x64xf32, #tpu.memory_space<vmem>> -> memref<1x1x128x64xf32, #tpu.memory_space<vmem>>
    %dma_start3A_619 = tpu.memref_squeeze %dma_start3A_618 : memref<1x1x128x64xf32, #tpu.memory_space<vmem>> -> memref<128x64xf32, #tpu.memory_space<vmem>>
    tpu.enqueue_dma source(%dma_start3A_619 : memref<128x64xf32, #tpu.memory_space<vmem>>) target(%dma_start3A_615 : memref<128x64xf32, #tpu.memory_space<hbm>>) target_semaphore(%arg9 : memref<!tpu.dma_semaphore, #tpu.memory_space<semaphore_mem>>)
    %add3A_620 = arith.constant 795 : i32
    %add3A_621 = arith.addi %mul3A_2, %add3A_620 : i32
    %add3A_622 = arith.constant 0 : i32
    %add3A_623 = arith.addi %add3A_621, %add3A_622 : i32
    %mul3A_624 = arith.constant 128 : i32
    %mul3A_625 = arith.muli %add3A_623, %mul3A_624 : i32
    %dma_wait3A_626 = arith.constant 1 : i32
    %dma_wait3A_627 = arith.constant 0 : i32
    %dma_wait3A_628 = arith.constant 0 : i32
    %dma_wait3A_629 = arith.constant 0 : i32
    %dma_wait3A_630 = tpu.memref_slice %arg6[%dma_wait3A_626, %dma_wait3A_627, %dma_wait3A_628, %dma_wait3A_629] : memref<2x5x128x64xf32, #tpu.memory_space<vmem>> -> memref<1x1x128x64xf32, #tpu.memory_space<vmem>>
    %dma_wait3A_631 = tpu.memref_squeeze %dma_wait3A_630 : memref<1x1x128x64xf32, #tpu.memory_space<vmem>> -> memref<128x64xf32, #tpu.memory_space<vmem>>
    %dma_wait3A_632 = arith.constant 0 : i32
    %dma_wait3A_633 = tpu.memref_slice %arg4[%mul3A_625, %dma_wait3A_632] : memref<3276800x64xf32, #tpu.memory_space<hbm>> -> memref<128x64xf32, #tpu.memory_space<hbm>>
    %dma_wait3A_634 = arith.constant 0 : i32
    %dma_wait3A_635 = tpu.memref_slice %arg4[%mul3A_625, %dma_wait3A_634] : memref<3276800x64xf32, #tpu.memory_space<hbm>> -> memref<128x64xf32, #tpu.memory_space<hbm>>
    %dma_wait3A_636 = arith.constant 0 : i32
    %dma_wait3A_637 = arith.constant 0 : i32
    %dma_wait3A_638 = tpu.memref_slice %arg6[%dma_wait3A_626, %dma_wait3A_627, %dma_wait3A_636, %dma_wait3A_637] : memref<2x5x128x64xf32, #tpu.memory_space<vmem>> -> memref<1x1x128x64xf32, #tpu.memory_space<vmem>>
    %dma_wait3A_639 = tpu.memref_squeeze %dma_wait3A_638 : memref<1x1x128x64xf32, #tpu.memory_space<vmem>> -> memref<128x64xf32, #tpu.memory_space<vmem>>
    tpu.wait_dma2 semaphore(%arg9 : memref<!tpu.dma_semaphore, #tpu.memory_space<semaphore_mem>>) src(%dma_wait3A_639 : memref<128x64xf32, #tpu.memory_space<vmem>>) dst(%dma_wait3A_635 : memref<128x64xf32, #tpu.memory_space<hbm>>)
    %add3A_640 = arith.constant 1 : i32
    %add3A_641 = arith.addi %add3A_621, %add3A_640 : i32
    %mul3A_642 = arith.constant 128 : i32
    %mul3A_643 = arith.muli %add3A_641, %mul3A_642 : i32
    %dma_wait3A_644 = arith.constant 1 : i32
    %dma_wait3A_645 = arith.constant 1 : i32
    %dma_wait3A_646 = arith.constant 0 : i32
    %dma_wait3A_647 = arith.constant 0 : i32
    %dma_wait3A_648 = tpu.memref_slice %arg6[%dma_wait3A_644, %dma_wait3A_645, %dma_wait3A_646, %dma_wait3A_647] : memref<2x5x128x64xf32, #tpu.memory_space<vmem>> -> memref<1x1x128x64xf32, #tpu.memory_space<vmem>>
    %dma_wait3A_649 = tpu.memref_squeeze %dma_wait3A_648 : memref<1x1x128x64xf32, #tpu.memory_space<vmem>> -> memref<128x64xf32, #tpu.memory_space<vmem>>
    %dma_wait3A_650 = arith.constant 0 : i32
    %dma_wait3A_651 = tpu.memref_slice %arg4[%mul3A_643, %dma_wait3A_650] : memref<3276800x64xf32, #tpu.memory_space<hbm>> -> memref<128x64xf32, #tpu.memory_space<hbm>>
    %dma_wait3A_652 = arith.constant 0 : i32
    %dma_wait3A_653 = tpu.memref_slice %arg4[%mul3A_643, %dma_wait3A_652] : memref<3276800x64xf32, #tpu.memory_space<hbm>> -> memref<128x64xf32, #tpu.memory_space<hbm>>
    %dma_wait3A_654 = arith.constant 0 : i32
    %dma_wait3A_655 = arith.constant 0 : i32
    %dma_wait3A_656 = tpu.memref_slice %arg6[%dma_wait3A_644, %dma_wait3A_645, %dma_wait3A_654, %dma_wait3A_655] : memref<2x5x128x64xf32, #tpu.memory_space<vmem>> -> memref<1x1x128x64xf32, #tpu.memory_space<vmem>>
    %dma_wait3A_657 = tpu.memref_squeeze %dma_wait3A_656 : memref<1x1x128x64xf32, #tpu.memory_space<vmem>> -> memref<128x64xf32, #tpu.memory_space<vmem>>
    tpu.wait_dma2 semaphore(%arg9 : memref<!tpu.dma_semaphore, #tpu.memory_space<semaphore_mem>>) src(%dma_wait3A_657 : memref<128x64xf32, #tpu.memory_space<vmem>>) dst(%dma_wait3A_653 : memref<128x64xf32, #tpu.memory_space<hbm>>)
    %add3A_658 = arith.constant 2 : i32
    %add3A_659 = arith.addi %add3A_621, %add3A_658 : i32
    %mul3A_660 = arith.constant 128 : i32
    %mul3A_661 = arith.muli %add3A_659, %mul3A_660 : i32
    %dma_wait3A_662 = arith.constant 1 : i32
    %dma_wait3A_663 = arith.constant 2 : i32
    %dma_wait3A_664 = arith.constant 0 : i32
    %dma_wait3A_665 = arith.constant 0 : i32
    %dma_wait3A_666 = tpu.memref_slice %arg6[%dma_wait3A_662, %dma_wait3A_663, %dma_wait3A_664, %dma_wait3A_665] : memref<2x5x128x64xf32, #tpu.memory_space<vmem>> -> memref<1x1x128x64xf32, #tpu.memory_space<vmem>>
    %dma_wait3A_667 = tpu.memref_squeeze %dma_wait3A_666 : memref<1x1x128x64xf32, #tpu.memory_space<vmem>> -> memref<128x64xf32, #tpu.memory_space<vmem>>
    %dma_wait3A_668 = arith.constant 0 : i32
    %dma_wait3A_669 = tpu.memref_slice %arg4[%mul3A_661, %dma_wait3A_668] : memref<3276800x64xf32, #tpu.memory_space<hbm>> -> memref<128x64xf32, #tpu.memory_space<hbm>>
    %dma_wait3A_670 = arith.constant 0 : i32
    %dma_wait3A_671 = tpu.memref_slice %arg4[%mul3A_661, %dma_wait3A_670] : memref<3276800x64xf32, #tpu.memory_space<hbm>> -> memref<128x64xf32, #tpu.memory_space<hbm>>
    %dma_wait3A_672 = arith.constant 0 : i32
    %dma_wait3A_673 = arith.constant 0 : i32
    %dma_wait3A_674 = tpu.memref_slice %arg6[%dma_wait3A_662, %dma_wait3A_663, %dma_wait3A_672, %dma_wait3A_673] : memref<2x5x128x64xf32, #tpu.memory_space<vmem>> -> memref<1x1x128x64xf32, #tpu.memory_space<vmem>>
    %dma_wait3A_675 = tpu.memref_squeeze %dma_wait3A_674 : memref<1x1x128x64xf32, #tpu.memory_space<vmem>> -> memref<128x64xf32, #tpu.memory_space<vmem>>
    tpu.wait_dma2 semaphore(%arg9 : memref<!tpu.dma_semaphore, #tpu.memory_space<semaphore_mem>>) src(%dma_wait3A_675 : memref<128x64xf32, #tpu.memory_space<vmem>>) dst(%dma_wait3A_671 : memref<128x64xf32, #tpu.memory_space<hbm>>)
    %add3A_676 = arith.constant 3 : i32
    %add3A_677 = arith.addi %add3A_621, %add3A_676 : i32
    %mul3A_678 = arith.constant 128 : i32
    %mul3A_679 = arith.muli %add3A_677, %mul3A_678 : i32
    %dma_wait3A_680 = arith.constant 1 : i32
    %dma_wait3A_681 = arith.constant 3 : i32
    %dma_wait3A_682 = arith.constant 0 : i32
    %dma_wait3A_683 = arith.constant 0 : i32
    %dma_wait3A_684 = tpu.memref_slice %arg6[%dma_wait3A_680, %dma_wait3A_681, %dma_wait3A_682, %dma_wait3A_683] : memref<2x5x128x64xf32, #tpu.memory_space<vmem>> -> memref<1x1x128x64xf32, #tpu.memory_space<vmem>>
    %dma_wait3A_685 = tpu.memref_squeeze %dma_wait3A_684 : memref<1x1x128x64xf32, #tpu.memory_space<vmem>> -> memref<128x64xf32, #tpu.memory_space<vmem>>
    %dma_wait3A_686 = arith.constant 0 : i32
    %dma_wait3A_687 = tpu.memref_slice %arg4[%mul3A_679, %dma_wait3A_686] : memref<3276800x64xf32, #tpu.memory_space<hbm>> -> memref<128x64xf32, #tpu.memory_space<hbm>>
    %dma_wait3A_688 = arith.constant 0 : i32
    %dma_wait3A_689 = tpu.memref_slice %arg4[%mul3A_679, %dma_wait3A_688] : memref<3276800x64xf32, #tpu.memory_space<hbm>> -> memref<128x64xf32, #tpu.memory_space<hbm>>
    %dma_wait3A_690 = arith.constant 0 : i32
    %dma_wait3A_691 = arith.constant 0 : i32
    %dma_wait3A_692 = tpu.memref_slice %arg6[%dma_wait3A_680, %dma_wait3A_681, %dma_wait3A_690, %dma_wait3A_691] : memref<2x5x128x64xf32, #tpu.memory_space<vmem>> -> memref<1x1x128x64xf32, #tpu.memory_space<vmem>>
    %dma_wait3A_693 = tpu.memref_squeeze %dma_wait3A_692 : memref<1x1x128x64xf32, #tpu.memory_space<vmem>> -> memref<128x64xf32, #tpu.memory_space<vmem>>
    tpu.wait_dma2 semaphore(%arg9 : memref<!tpu.dma_semaphore, #tpu.memory_space<semaphore_mem>>) src(%dma_wait3A_693 : memref<128x64xf32, #tpu.memory_space<vmem>>) dst(%dma_wait3A_689 : memref<128x64xf32, #tpu.memory_space<hbm>>)
    %add3A_694 = arith.constant 4 : i32
    %add3A_695 = arith.addi %add3A_621, %add3A_694 : i32
    %mul3A_696 = arith.constant 128 : i32
    %mul3A_697 = arith.muli %add3A_695, %mul3A_696 : i32
    %dma_wait3A_698 = arith.constant 1 : i32
    %dma_wait3A_699 = arith.constant 4 : i32
    %dma_wait3A_700 = arith.constant 0 : i32
    %dma_wait3A_701 = arith.constant 0 : i32
    %dma_wait3A_702 = tpu.memref_slice %arg6[%dma_wait3A_698, %dma_wait3A_699, %dma_wait3A_700, %dma_wait3A_701] : memref<2x5x128x64xf32, #tpu.memory_space<vmem>> -> memref<1x1x128x64xf32, #tpu.memory_space<vmem>>
    %dma_wait3A_703 = tpu.memref_squeeze %dma_wait3A_702 : memref<1x1x128x64xf32, #tpu.memory_space<vmem>> -> memref<128x64xf32, #tpu.memory_space<vmem>>
    %dma_wait3A_704 = arith.constant 0 : i32
    %dma_wait3A_705 = tpu.memref_slice %arg4[%mul3A_697, %dma_wait3A_704] : memref<3276800x64xf32, #tpu.memory_space<hbm>> -> memref<128x64xf32, #tpu.memory_space<hbm>>
    %dma_wait3A_706 = arith.constant 0 : i32
    %dma_wait3A_707 = tpu.memref_slice %arg4[%mul3A_697, %dma_wait3A_706] : memref<3276800x64xf32, #tpu.memory_space<hbm>> -> memref<128x64xf32, #tpu.memory_space<hbm>>
    %dma_wait3A_708 = arith.constant 0 : i32
    %dma_wait3A_709 = arith.constant 0 : i32
    %dma_wait3A_710 = tpu.memref_slice %arg6[%dma_wait3A_698, %dma_wait3A_699, %dma_wait3A_708, %dma_wait3A_709] : memref<2x5x128x64xf32, #tpu.memory_space<vmem>> -> memref<1x1x128x64xf32, #tpu.memory_space<vmem>>
    %dma_wait3A_711 = tpu.memref_squeeze %dma_wait3A_710 : memref<1x1x128x64xf32, #tpu.memory_space<vmem>> -> memref<128x64xf32, #tpu.memory_space<vmem>>
    tpu.wait_dma2 semaphore(%arg9 : memref<!tpu.dma_semaphore, #tpu.memory_space<semaphore_mem>>) src(%dma_wait3A_711 : memref<128x64xf32, #tpu.memory_space<vmem>>) dst(%dma_wait3A_707 : memref<128x64xf32, #tpu.memory_space<hbm>>)
    return
  }
}

</mosaic_0001>

<sc_bundles>
// kernel: _sc_embedding_lookup.3.cloned.1.call-start
scs
__scs_entry_jumppad:
0x0: {  	(pc) =	sbr.rel $0x88, $3  }
0x1: {  	(tag) =	ssettag $0x0;
	lr =	simm.s32 $0x1  }
0x2: {  	[smem:$0x3F9F] =	sst lr;
	_ =	strace $0xD0000000  }
0x3: {  	_ = 	snop  }
0x4: {  	_ = 	snop  }
0x5: {  	_ = 	snop  }
0x6: {  	_ = 	snop  }
0x7: {  	_ = 	snop  }
__scs_overlays_trampoline_lowered:
0x8: {  	[smem:$0x3FAE] =	sst s0  }
0x9: {  	[smem:$0x3FAF] =	sst s1  }
0xa: {  	[smem:$0x3FB0] =	sst s2  }
0xb: {  	[smem:$0x3FB1] =	sst s3  }
0xc: {  	[smem:$0x3FB2] =	sst s4  }
0xd: {  	[smem:$0x3FB3] =	sst s5  }
0xe: {  	[smem:$0x3FB4] =	sst s6  }
0xf: {  	[smem:$0x3FB5] =	sst s7  }
0x10: {  	[smem:$0x3FB6] =	sst s8  }
0x11: {  	[smem:$0x3FB7] =	sst s9;
	s0 =	simm.s32 @!p0 $0x0  }
0x12: {  	s1 =	sld [smem:$0x3F9D];
	s0 =	simm.s32 @p0 $0x1  }
0x13: {  	[smem:$0x3FB8] =	sst s0;
	s0 =	simm.s32 @!p1 $0x0  }
0x14: {  	s2 =	sld [smem:$0x3F9C];
	s0 =	simm.s32 @p1 $0x1  }
0x15: {  	[smem:$0x3FB9] =	sst s0;
	s0 =	simm.s32 @!p2 $0x0  }
0x16: {  	s3 =	sld [smem:$0x3FDB];
	s0 =	simm.s32 @p2 $0x1  }
0x17: {  	s4 =	simm.s32 $0x1BF5;
	[smem:$0x3FBB] =	sst s0  }
0x18: {  	s0 =	sld [smem:$0x3F9E];
	_ =	swait.ge [sflag:s4], $0x0  }
0x19: {  	s7 =	sld [smem:$0x3F9F]  }
0x1a: {  	s8 =	sadd.s32 $0xFFFFE003, lr  }
0x1b: {  	s9 =	sadd.s32 $0xFFFFFEF7, lr;
	s5 =	simm.s32 $0xFFFFFFFF;
	p2 =	slt.u32 s8, $0xFFFFF086  }
0x1c: {  	p1 =	slt.u32 s9, $0xF7A;
	s5 =	simm.s32 @!p2 $0x0  }
0x1d: {  	s5 =	simm.s32 @p1 $0x1;
	p0 =	seq.s32 s7, s2  }
0x1e: {  	s7 =	smul.u32 @!p0 $0xF7A, s2;
	p2 =	seq.s32 @!p0 s5, $0x0  }
0x1f: {  	s9 =	smul.u32 $0xF7A, s1;
	s8 =	simm.s32 @!p0 $0x1BF5;
	p2 =	por !p2, p0  }
0x20: {  	[sflag:s8] =	ssyncset.s32 @!p0 $0xFFFFF086;
	s6 =	sadd.s32 @!p0 s3, s7;
	s7 =	simm.s32 @!p0 $0x108  }
0x21: {  	s3 =	sadd.s32 s3, s9;
	s6 =	sadd.s32 @!p0 $0x88, s6;
	s7 =	simm.s32 @p2 $0x1082  }
0x22: {  	[simem:s7], [sflag:s8] =	dma.local @!p0 [hbm:s6], $0xF7A  }
0x23: {  	s9 =	sor.u32 $0xD0000000, s2;
	s6 =	simm.s32 $0x108;
	_ =	swait.ge @!p0 [sflag:s8], $0x0  }
0x24: {  	s3 =	sadd.s32 $0x88, s3;
	s6 =	simm.s32 @!p1 $0x1082;
	[sflag:s4] =	ssyncset.s32 $0xFFFFF086  }
0x25: {  	[simem:s6], [sflag:s4] =	dma.local [hbm:s3], $0xF7A  }
0x26: {  	[smem:$0x3F9F] =	sst s1;
	(tag) =	ssettag s2;
	_ =	strace s9  }
0x27: {  	s1 =	sld [smem:$0x3FAF]  }
0x28: {  	s2 =	sld [smem:$0x3FB0]  }
0x29: {  	s4 =	sld [smem:$0x3FB2]  }
0x2a: {  	p0 =	seq.s32 s5, $0x0;
	s5 =	sld [smem:$0x3FB3]  }
0x2b: {  	s6 =	sld [smem:$0x3FB4]  }
0x2c: {  	s7 =	sld [smem:$0x3FB5]  }
0x2d: {  	s3 =	simm.s32 $0x108;
	s8 =	sld [smem:$0x3FB6]  }
0x2e: {  	s3 =	simm.s32 @!p0 $0x1082;
	s9 =	sld [smem:$0x3FB7]  }
0x2f: {  	lr =	sadd.s32 s0, s3;
	s0 =	sld [smem:$0x3FAE]  }
0x30: {  	s3 =	sld [smem:$0x3FB1]  }
0x31: {  	[smem:$0x3FBA] =	sst s10  }
0x32: {  	s10 =	sld [smem:$0x3FB8];
	_ =	sdelay $0x3  }
0x33: {  	p0 =	seq.s32 s10, $0x1;
	s10 =	sld [smem:$0x3FBA];
	_ =	sdelay $0x3  }
0x34: {  	[smem:$0x3FBA] =	sst s10  }
0x35: {  	s10 =	sld [smem:$0x3FB9];
	_ =	sdelay $0x3  }
0x36: {  	p1 =	seq.s32 s10, $0x1;
	s10 =	sld [smem:$0x3FBA];
	_ =	sdelay $0x3  }
0x37: {  	[smem:$0x3FBA] =	sst s10  }
0x38: {  	s10 =	sld [smem:$0x3FBB]  }
0x39: {  	_ = 	snop;
	(pc) =	sbr.ind lr, $3  }
0x3a: {  	_ = 	snop  }
0x3b: {  	_ = 	snop  }
0x3c: {  	p2 =	seq.s32 s10, $0x1;
	s10 =	sld [smem:$0x3FBA]  }
0x3d: {  	_ =	shalt  }
0x3e: {  	_ =	shalt  }
0x3f: {  	_ =	shalt  }
0x40: {  	_ =	shalt  }
0x41: {  	_ =	shalt  }
0x42: {  	_ =	shalt  }
0x43: {  	_ =	shalt  }
0x44: {  	_ =	shalt  }
0x45: {  	_ =	shalt  }
0x46: {  	_ =	shalt  }
0x47: {  	_ =	shalt  }
0x48: {  	_ =	shalt  }
0x49: {  	_ =	shalt  }
0x4a: {  	_ =	shalt  }
0x4b: {  	_ =	shalt  }
0x4c: {  	_ =	shalt  }
0x4d: {  	_ =	shalt  }
0x4e: {  	_ =	shalt  }
0x4f: {  	_ =	shalt  }
0x50: {  	_ =	shalt  }
0x51: {  	_ =	shalt  }
0x52: {  	_ =	shalt  }
0x53: {  	_ =	shalt  }
0x54: {  	_ =	shalt  }
0x55: {  	_ =	shalt  }
0x56: {  	_ =	shalt  }
0x57: {  	_ =	shalt  }
0x58: {  	_ =	shalt  }
0x59: {  	_ =	shalt  }
0x5a: {  	_ =	shalt  }
0x5b: {  	_ =	shalt  }
0x5c: {  	_ =	shalt  }
0x5d: {  	_ =	shalt  }
0x5e: {  	_ =	shalt  }
0x5f: {  	_ =	shalt  }
0x60: {  	_ =	shalt  }
0x61: {  	_ =	shalt  }
0x62: {  	_ =	shalt  }
0x63: {  	_ =	shalt  }
0x64: {  	_ =	shalt  }
0x65: {  	_ =	shalt  }
0x66: {  	_ =	shalt  }
0x67: {  	_ =	shalt  }
0x68: {  	_ =	shalt  }
0x69: {  	_ =	shalt  }
0x6a: {  	_ =	shalt  }
0x6b: {  	_ =	shalt  }
0x6c: {  	_ =	shalt  }
0x6d: {  	_ =	shalt  }
0x6e: {  	_ =	shalt  }
0x6f: {  	_ =	shalt  }
0x70: {  	_ =	shalt  }
0x71: {  	_ =	shalt  }
0x72: {  	_ =	shalt  }
0x73: {  	_ =	shalt  }
0x74: {  	_ =	shalt  }
0x75: {  	_ =	shalt  }
0x76: {  	_ =	shalt  }
0x77: {  	_ =	shalt  }
0x78: {  	_ =	shalt  }
0x79: {  	_ =	shalt  }
0x7a: {  	_ =	shalt  }
0x7b: {  	_ =	shalt  }
0x7c: {  	_ =	shalt  }
0x7d: {  	_ =	shalt  }
0x7e: {  	_ =	shalt  }
0x7f: {  	_ =	shalt  }
0x80: {  	_ =	shalt  }
0x81: {  	_ =	shalt  }
0x82: {  	_ =	shalt  }
0x83: {  	_ =	shalt  }
0x84: {  	_ =	shalt  }
0x85: {  	_ =	shalt  }
0x86: {  	_ =	shalt  }
0x87: {  	_ =	shalt  }
.Lfunc_end0:
.L_simem_size_0:
called_computation.1_lowered:
.L_overlay_start_0:
0x88: {  	s2 =	sld [smem:$0x3FD9]  }
0x89: {  	s3 =	sld [smem:$0x3FFE];
	_ =	sdelay $0x1  }
0x8a: {  	s1 =	srdreg.scid  }
0x8b: {  	s0 =	sand.u32 $0x1, s1  }
0x8c: {  	s17 =	sshll.u32 s0, $0xA;
	s2 =	sadd.s32 s3, s2  }
0x8d: {  	s2 =	sadd.s32 s2, s17  }
0x8e: {  	[smem:$0x3FC6] =	sst s2  }
0x8f: {  	_ = 	snop  }
0x90: {  	s2 =	sld [smem:$0x3FC9]  }
0x91: {  	s18 =	sld [smem:$0x3FD0];
	(tm) =	ssettm $0x1  }
0x92: {  	s4 =	sld [smem:$0x3FFB];
	_ =	sdelay $0x3  }
0x93: {  	_ =	strace s4  }
0x94: {  	s4 =	sld [smem:$0x3FFC];
	_ =	sdelay $0x3  }
0x95: {  	_ =	strace s4  }
0x96: {  	s4 =	sld [smem:$0x3FFD];
	_ =	sdelay $0x3  }
0x97: {  	_ =	strace s4  }
0x98: {  	_ =	strace $0x8FFFFFFF  }
0x99: {  	s19 =	sld [smem:$0x3FDB];
	_ =	sdelay $0x1  }
0x9a: {  	s5 =	simm.s32 $_scs_section_size  }
0x9b: {  	s6 =	simm.s32 $_size__tile_overlayer_lowered;
	s7 =	simm.s32 $_tile_overlayer_lowered  }
0x9c: {  	s22 =	simm.s32 $0x1BFF;
	s21 =	sshll.u32 s7, $0x1;
	s4 =	sadd.s32 s5, s19  }
0x9d: {  	s8 =	simm.s32 $0x0;
	s20 =	sshll.u32 s6, $0x1;
	s6 =	sadd.s32 s21, s4  }
0x9e: {  	[timem:s8], [sflag:s22] =	dma.local [hbm:s6], s20  }
0x9f: {  	_ =	swait.ge [sflag:s22], s20  }
0xa0: {  	s5 =	ssub.s32 $0x0, s20;
	[sflag:s22] =	ssyncset.done $0x0  }
0xa1: {  	[sflag:s22] =	ssyncadd.s32 s5;
	_ =	sdelay $0x1  }
0xa2: {  	s23 =	simm.s32 $0x1B8B  }
0xa3: {  	_ =	swait.ge [sflag:s23], $0x1  }
0xa4: {  	[sflag:s23] =	ssyncset.done $0x0  }
0xa5: {  	s25 =	simm.s32 $0x1B8E;
	s24 =	sld [smem:$0x3FFE];
	[sflag:s23] =	ssyncadd.s32 $0xFFFFFFFF  }
0xa6: {  	s26 =	simm.s32 $execute0_lowered;
	[smem:$0x3FD2] =	sst s25  }
0xa7: {  	s6 =	sshll.u32 s26, $0x1;
	_ =	strace $0x80000046;
	[dreg:$0x1] =	wrdreg $0xFFFFFFFF  }
0xa8: {  	s28 =	simm.s32 $_size_execute0_lowered;
	s4 =	sadd.s32 s4, s6;
	[dreg:$0x0] =	wrdreg $0x0  }
0xa9: {  	s6 =	sshll.u32 s28, $0x1;
	[dreg:$0x2] =	wrdreg s4  }
0xaa: {  	[dreg:$0x3] =	wrdreg s6  }
0xab: {  	[dreg:$0x4] =	wrdreg $0xC0  }
0xac: {  	_ =	task [dreg:s8], $0x5FFFF  }
0xad: {  	[dreg:$0x1] =	wrdreg $0xFFFFFFFF  }
0xae: {  	[dreg:$0x0] =	wrdreg $0x60  }
0xaf: {  	[dreg:$0x2] =	wrdreg s2  }
0xb0: {  	[dreg:$0x3] =	wrdreg s24  }
0xb1: {  	[dreg:$0x4] =	wrdreg s18  }
0xb2: {  	[dreg:$0x5] =	wrdreg $0x145000  }
0xb3: {  	[dreg:$0x6] =	wrdreg $0x9  }
0xb4: {  	_ =	task.clear_ibuf [dreg:s8], $0x7FFFF;
	_ =	strace $0x90000046  }
0xb5: {  	s29 =	simm.s32 $0x9;
	_ =	strace $0x80000048  }
0xb6: {  	_ =	swait.ge [sflag:s29], $0x1  }
0xb7: {  	[sflag:s29] =	ssyncadd.s32 $0xFFFFFFFF  }
0xb8: {  	_ =	strace $0x90000048  }
0xb9: {  	_ =	sfence  }
0xba: {  	s30 =	sld [smem:$0x0];
	_ =	sdelay $0x2  }
0xbb: {  	s31 =	sshll.u32 s1, $0xD;
	s1 =	sshrl.u32 s1, $0x2  }
0xbc: {  	s3 =	sand.u32 $0x4000, s31;
	s1 =	sadd.s32 s1, s30  }
0xbd: {  	s0 =	sor.u32 s3, s0;
	s1 =	sshll.u32 s1, $0x11  }
0xbe: {  	s0 =	sor.u32 s1, s0  }
0xbf: {  	s0 =	sadd.s32 $0x8F2B, s0  }
0xc0: {  	[sflag:s0] =	ssyncadd.remote.s32 $0x1  }
0xc1: {  	_ =	sfence.sel $0xFFFF  }
0xc2: {  	[dreg:$0x0] =	wrdreg $0xFFFFFFFF;
	(pc) =	sbr.abs _section_cstart, $3  }
0xc3: {  	[dreg:$0x1] =	wrdreg $0xFFFFFFFF  }
0xc4: {  	_ =	task.clear_ibuf [dreg:s8], $0x2FFFF;
	_ =	strace $0x9FFFFFFF  }
0xc5: {  	(tm) =	ssettm $0x7FFFFFFF  }
tec
execute0_lowered:
.L_overlay_start_1:
0x0: {  	(tag) =	ssettag $0x1  }
0x1: {  	s0 =	rddreg [dreg:$0x0]  }
0x2: {  	s3 =	rddreg [dreg:$0x1]  }
0x3: {  	s4 =	rddreg [dreg:$0x2];
	s2 =	srdreg.scid  }
0x4: {  	s5 =	stileid.u32;
	s1 =	rddreg [dreg:$0x3];
	s28 =	simm.s32 $0x180  }
0x5: {  	s29 =	simm.s32 $0x6500;
	s30 =	simm.s32 $0x200;
	s19 =	smul.u32 $0x640, s5  }
0x6: {  	s31 =	simm.s32 $0x8500;
	s6 =	sand.u32 $0x1, s2;
	s24 =	smul.u32 $0x190000, s5  }
0x7: {  	s7 =	sshll.u32 s5, $0x1;
	s2 =	simm.s32 $0x0;
	s22 =	smul.u32 $0x320, s6  }
0x8: {  	s7 =	sor.u32 s6, s7;
	s26 =	ssub.s32 $0x2, s6;
	s6 =	smul.u32 $0xC8000, s6  }
0x9: {  	s3 =	sadd.s32 $0x800, s3;
	p0 =	sne.s32 s5, $0x0;
	s8 =	smul.u32 $0x640000, s7  }
0xa: {  	s5 =	simm.s32 $0x300;
	[smem:$0x7FF] =	sst s2;
	s7 =	smul.u32 $0x3200, s7  }
0xb: {  	_ =	strace $0x80000047;
	[dreg:$0x7] =	wrdreg s3;
	s9 =	sshrl.u32 s26, $0x1  }
0xc: {  	s3 =	ssub.s32 s26, s9;
	s25 =	sadd.s32 s22, s19;
	s10 =	sadd.s32 s0, s7  }
0xd: {  	s8 =	sshrl.u32 s8, $0x3;
	s3 =	smax.u32 s3, $0x1;
	[dreg:$0x8] =	wrdreg s10  }
0xe: {  	s11 =	sadd.s32 s4, s8;
	s12 =	sadd.s32 $0x50, s10;
	[dreg:$0x14] =	wrdreg s3  }
0xf: {  	s22 =	simm.s32 $0x80;
	[dreg:$0x9] =	wrdreg s12;
	s13 =	sadd.s32 $0xC5800, s11  }
0x10: {  	s9 =	simm.s32 $0x400;
	s14 =	sadd.s32 $0xC5C00, s11;
	[dreg:$0xa] =	wrdreg s13  }
0x11: {  	s8 =	sshll.u32 s25, $0x4;
	s15 =	sadd.s32 $0xC6000, s11;
	[dreg:$0xb] =	wrdreg s14  }
0x12: {  	s3 =	sshll.u32 s25, $0xA;
	s16 =	sadd.s32 $0xC6400, s11;
	[dreg:$0xc] =	wrdreg s15  }
0x13: {  	s25 =	simm.s32 $0x100;
	s17 =	sadd.s32 $0xC6800, s11;
	[dreg:$0xd] =	wrdreg s16  }
0x14: {  	s10 =	simm.s32 $0x10500;
	s18 =	sadd.s32 $0xC6C00, s11;
	[dreg:$0xe] =	wrdreg s17  }
0x15: {  	s20 =	sadd.s32 $0xC7000, s11;
	s21 =	sadd.s32 $0xC7400, s11;
	[dreg:$0xf] =	wrdreg s18  }
0x16: {  	s23 =	sadd.s32 $0xC7800, s11;
	s7 =	sadd.s32 $0xC7C00, s11;
	[dreg:$0x10] =	wrdreg s20  }
0x17: {  	s0 =	sadd.s32 s8, s0;
	s3 =	sadd.s32 s3, s4;
	[dreg:$0x11] =	wrdreg s21  }
0x18: {  	s8 =	simm.s32 $0xE500;
	s11 =	simm.s32 $0x480;
	[dreg:$0x12] =	wrdreg s23  }
0x19: {  	s12 =	simm.s32 $0x12500;
	[dreg:$0x13] =	wrdreg s7;
	s7 =	sadd.s32 s24, s4  }
0x1a: {  	s26 =	sadd.s32 $0xF0, s0;
	s3 =	sadd.s32 $0x1400, s3;
	s0 =	sadd.s32 $0xA0, s0  }
0x1b: {  	s20 =	simm.s32 $0x2;
	s21 =	simm.s32 $0x280;
	s23 =	simm.s32 $0x500  }
0x1c: {  	s24 =	simm.s32 $0x2500;
	s13 =	simm.s32 $0x3;
	[dreg:$0x15] =	wrdreg s26  }
0x1d: {  	s14 =	simm.s32 $0x0;
	s6 =	sadd.s32 s6, s7;
	[dreg:$0x6] =	wrdreg s3  }
0x1e: {  	[dreg:$0x16] =	wrdreg s0;
	s0 =	sshrl.u32 @!p0 s1, $0x3;
	s26 =	simm.s32 $0x4500  }
0x1f: {  	s3 =	simm.s32 $0xA500;
	s7 =	simm.s32 $0x380;
	[dreg:$0x5] =	wrdreg s6  }
0x20: {  	[dreg:$0x17] =	wrdreg s0;
	s0 =	simm.s32 $0x1;
	s6 =	simm.s32 $0xC500  }
.LBB2_1:
0x21: {  	s15 =	rddreg [dreg:$0x7]  }
0x22: {  	s4 =	simm.s32 @!p0 $0x1C04;
	s16 =	rddreg [dreg:$0x17]  }
0x23: {  	[spmem:s16], [sflag:s4] =	dma.local @!p0 [hbm:s15], $0x188  }
0x24: {  	s4 =	simm.s32 @!p0 $0x4  }
0x25: {  	_ =	swait.ge @!p0 [sflag:s4], $0x188  }
0x26: {  	[sflag:s4] =	ssyncset.done @!p0 $0x0  }
0x27: {  	[sflag:s4] =	ssyncadd.s32 @!p0 $0xFFFFFE78  }
0x28: {  	[bflag:$0x0] =	sbarrier.arrive $0xFFFF  }
0x29: {  	s16 =	rddreg [dreg:$0x8]  }
0x2a: {  	[tilespmem:s2], [sflag:$0x2] =	stream.linear.gather [hbm4b:s16+s2], $0x280, $0x38;
	[tilespmem:$0x145C8] =	vst v63  }
0x2b: {  	_ =	swait.ge [sflag:s20], $0x280  }
0x2c: {  	[sflag:s20] =	ssyncset.done $0x0  }
0x2d: {  	s17 =	rddreg [dreg:$0x9];
	[sflag:s20] =	ssyncadd.s32 $0xFFFFFD80  }
0x2e: {  	[tilespmem:s21], [sflag:$0x2] =	stream.linear.gather [hbm4b:s17+s2], $0x280, $0x38;
	[tilespmem:$0x145C8] =	vst v63  }
0x2f: {  	_ = 	snop  }
0x30: {  	[tilespmem:s23], [sflag:$0x1] =	stream.indirect.gather [spmem:s1], $0x40, s2, s22, $0xb8;
	[tilespmem:$0x145C8] =	vst v63  }
0x31: {  	_ = 	snop  }
0x32: {  	[tilespmem:s24], [sflag:$0x1] =	stream.indirect.gather [spmem:s1], $0x40, s22, s22, $0xb8;
	[tilespmem:$0x145C8] =	vst v63  }
0x33: {  	_ = 	snop  }
0x34: {  	[tilespmem:s26], [sflag:$0x1] =	stream.indirect.gather [spmem:s1], $0x40, s25, s22, $0xb8;
	[tilespmem:$0x145C8] =	vst v63  }
0x35: {  	_ = 	snop  }
0x36: {  	[tilespmem:s29], [sflag:$0x1] =	stream.indirect.gather [spmem:s1], $0x40, s28, s22, $0xb8;
	[tilespmem:$0x145C8] =	vst v63  }
0x37: {  	_ = 	snop  }
0x38: {  	[tilespmem:s31], [sflag:$0x1] =	stream.indirect.gather [spmem:s1], $0x40, s30, s22, $0xb8;
	[tilespmem:$0x145C8] =	vst v63  }
0x39: {  	_ =	swait.ge [sflag:s0], $0x2000  }
0x3a: {  	s18 =	rddreg [dreg:$0x5];
	[sflag:s0] =	ssyncset.done $0x0  }
0x3b: {  	[sflag:s0] =	ssyncadd.s32 $0xFFFFE000;
	s4 =	sadd.s32 $0x0, s18  }
0x3c: {  	[hbm4b:s4+s2] =	stream.linear.scatter [tilespmem:s23], [sflag:$0x3], $0x2000, $0x38;
	[tilespmem:$0x145C8] =	vst v63  }
0x3d: {  	_ =	swait.ge [sflag:s0], $0x2000  }
0x3e: {  	[sflag:s0] =	ssyncset.done $0x0  }
0x3f: {  	s19 =	sadd.s32 $0x400, s4;
	[sflag:s0] =	ssyncadd.s32 $0xFFFFE000  }
0x40: {  	[hbm4b:s19+s2] =	stream.linear.scatter [tilespmem:s24], [sflag:$0x3], $0x2000, $0x38;
	[tilespmem:$0x145C8] =	vst v63  }
0x41: {  	_ =	swait.ge [sflag:s0], $0x2000  }
0x42: {  	[sflag:s0] =	ssyncset.done $0x0  }
0x43: {  	s16 =	sadd.s32 $0x800, s4;
	[sflag:s0] =	ssyncadd.s32 $0xFFFFE000  }
0x44: {  	[hbm4b:s16+s2] =	stream.linear.scatter [tilespmem:s26], [sflag:$0x3], $0x2000, $0x38;
	[tilespmem:$0x145C8] =	vst v63  }
0x45: {  	_ =	swait.ge [sflag:s0], $0x2000  }
0x46: {  	[sflag:s0] =	ssyncset.done $0x0  }
0x47: {  	s17 =	sadd.s32 $0xC00, s4;
	[sflag:s0] =	ssyncadd.s32 $0xFFFFE000  }
0x48: {  	[hbm4b:s17+s2] =	stream.linear.scatter [tilespmem:s29], [sflag:$0x3], $0x2000, $0x38;
	[tilespmem:$0x145C8] =	vst v63  }
0x49: {  	_ =	swait.ge [sflag:s0], $0x2000  }
0x4a: {  	[sflag:s0] =	ssyncset.done $0x0  }
0x4b: {  	s18 =	sadd.s32 $0x1000, s4;
	[sflag:s0] =	ssyncadd.s32 $0xFFFFE000  }
0x4c: {  	[hbm4b:s18+s2] =	stream.linear.scatter [tilespmem:s31], [sflag:$0x3], $0x2000, $0x38;
	[tilespmem:$0x145C8] =	vst v63  }
0x4d: {  	_ =	swait.ge [sflag:s20], $0x280  }
0x4e: {  	[sflag:s20] =	ssyncset.done $0x0  }
0x4f: {  	s18 =	rddreg [dreg:$0x16];
	[sflag:s20] =	ssyncadd.s32 $0xFFFFFD80  }
0x50: {  	[tilespmem:s2], [sflag:$0x2] =	stream.linear.gather [hbm4b:s18+s2], $0x280, $0x38;
	[tilespmem:$0x145C8] =	vst v63  }
0x51: {  	_ = 	snop  }
0x52: {  	[tilespmem:s3], [sflag:$0x1] =	stream.indirect.gather [spmem:s1], $0x40, s21, s22, $0xb8;
	[tilespmem:$0x145C8] =	vst v63  }
0x53: {  	_ = 	snop  }
0x54: {  	[tilespmem:s6], [sflag:$0x1] =	stream.indirect.gather [spmem:s1], $0x40, s5, s22, $0xb8;
	[tilespmem:$0x145C8] =	vst v63  }
0x55: {  	_ = 	snop  }
0x56: {  	[tilespmem:s8], [sflag:$0x1] =	stream.indirect.gather [spmem:s1], $0x40, s7, s22, $0xb8;
	[tilespmem:$0x145C8] =	vst v63  }
0x57: {  	_ = 	snop  }
0x58: {  	[tilespmem:s10], [sflag:$0x1] =	stream.indirect.gather [spmem:s1], $0x40, s9, s22, $0xb8;
	[tilespmem:$0x145C8] =	vst v63  }
0x59: {  	_ = 	snop  }
0x5a: {  	[tilespmem:s12], [sflag:$0x1] =	stream.indirect.gather [spmem:s1], $0x40, s11, s22, $0xb8;
	[tilespmem:$0x145C8] =	vst v63  }
0x5b: {  	_ =	swait.ge [sflag:s13], $0x2000  }
0x5c: {  	[sflag:s13] =	ssyncset.done $0x0  }
0x5d: {  	[sflag:s13] =	ssyncadd.s32 $0xFFFFE000  }
0x5e: {  	_ =	swait.ge [sflag:s13], $0x2000  }
0x5f: {  	[sflag:s13] =	ssyncset.done $0x0  }
0x60: {  	[sflag:s13] =	ssyncadd.s32 $0xFFFFE000  }
0x61: {  	_ =	swait.ge [sflag:s13], $0x2000  }
0x62: {  	[sflag:s13] =	ssyncset.done $0x0  }
0x63: {  	[sflag:s13] =	ssyncadd.s32 $0xFFFFE000  }
0x64: {  	_ =	swait.ge [sflag:s13], $0x2000  }
0x65: {  	[sflag:s13] =	ssyncset.done $0x0  }
0x66: {  	[sflag:s13] =	ssyncadd.s32 $0xFFFFE000  }
0x67: {  	_ =	swait.ge [sflag:s13], $0x2000  }
0x68: {  	[sflag:s13] =	ssyncset.done $0x0  }
0x69: {  	[sflag:s13] =	ssyncadd.s32 $0xFFFFE000  }
0x6a: {  	_ =	swait.ge [sflag:s0], $0x2000  }
0x6b: {  	s19 =	rddreg [dreg:$0x6];
	[sflag:s0] =	ssyncset.done $0x0  }
0x6c: {  	[sflag:s0] =	ssyncadd.s32 $0xFFFFE000;
	s15 =	sadd.s32 $0x0, s19  }
0x6d: {  	[hbm4b:s15+s2] =	stream.linear.scatter [tilespmem:s3], [sflag:$0x3], $0x2000, $0x38;
	[tilespmem:$0x145C8] =	vst v63  }
0x6e: {  	_ =	swait.ge [sflag:s0], $0x2000  }
0x6f: {  	[sflag:s0] =	ssyncset.done $0x0  }
0x70: {  	s16 =	sadd.s32 $0x1800, s4;
	[sflag:s0] =	ssyncadd.s32 $0xFFFFE000  }
0x71: {  	[hbm4b:s16+s2] =	stream.linear.scatter [tilespmem:s6], [sflag:$0x3], $0x2000, $0x38;
	[tilespmem:$0x145C8] =	vst v63  }
0x72: {  	_ =	swait.ge [sflag:s0], $0x2000  }
0x73: {  	[sflag:s0] =	ssyncset.done $0x0  }
0x74: {  	s17 =	sadd.s32 $0x1C00, s4;
	[sflag:s0] =	ssyncadd.s32 $0xFFFFE000  }
0x75: {  	[hbm4b:s17+s2] =	stream.linear.scatter [tilespmem:s8], [sflag:$0x3], $0x2000, $0x38;
	[tilespmem:$0x145C8] =	vst v63  }
0x76: {  	_ =	swait.ge [sflag:s0], $0x2000  }
0x77: {  	[sflag:s0] =	ssyncset.done $0x0  }
0x78: {  	s19 =	sadd.s32 $0x2000, s4;
	[sflag:s0] =	ssyncadd.s32 $0xFFFFE000  }
0x79: {  	[hbm4b:s19+s2] =	stream.linear.scatter [tilespmem:s10], [sflag:$0x3], $0x2000, $0x38;
	[tilespmem:$0x145C8] =	vst v63  }
0x7a: {  	_ =	swait.ge [sflag:s0], $0x2000  }
0x7b: {  	[sflag:s0] =	ssyncset.done $0x0  }
0x7c: {  	s4 =	sadd.s32 $0x2400, s4;
	[sflag:s0] =	ssyncadd.s32 $0xFFFFE000  }
0x7d: {  	[hbm4b:s4+s2] =	stream.linear.scatter [tilespmem:s12], [sflag:$0x3], $0x2000, $0x38;
	[tilespmem:$0x145C8] =	vst v63  }
0x7e: {  	_ =	swait.ge [sflag:s20], $0x280  }
0x7f: {  	[sflag:s20] =	ssyncset.done $0x0  }
0x80: {  	s17 =	rddreg [dreg:$0x15];
	[sflag:s20] =	ssyncadd.s32 $0xFFFFFD80  }
0x81: {  	[tilespmem:s21], [sflag:$0x2] =	stream.linear.gather [hbm4b:s17+s2], $0x280, $0x38;
	[tilespmem:$0x145C8] =	vst v63  }
0x82: {  	_ = 	snop  }
0x83: {  	[tilespmem:s23], [sflag:$0x1] =	stream.indirect.gather [spmem:s1], $0x40, s2, s22, $0xb8;
	[tilespmem:$0x145C8] =	vst v63  }
0x84: {  	_ = 	snop  }
0x85: {  	[tilespmem:s24], [sflag:$0x1] =	stream.indirect.gather [spmem:s1], $0x40, s22, s22, $0xb8;
	[tilespmem:$0x145C8] =	vst v63  }
0x86: {  	_ = 	snop  }
0x87: {  	[tilespmem:s26], [sflag:$0x1] =	stream.indirect.gather [spmem:s1], $0x40, s25, s22, $0xb8;
	[tilespmem:$0x145C8] =	vst v63  }
0x88: {  	_ = 	snop  }
0x89: {  	[tilespmem:s29], [sflag:$0x1] =	stream.indirect.gather [spmem:s1], $0x40, s28, s22, $0xb8;
	[tilespmem:$0x145C8] =	vst v63  }
0x8a: {  	_ = 	snop  }
0x8b: {  	[tilespmem:s31], [sflag:$0x1] =	stream.indirect.gather [spmem:s1], $0x40, s30, s22, $0xb8;
	[tilespmem:$0x145C8] =	vst v63  }
0x8c: {  	_ =	swait.ge [sflag:s13], $0x2000  }
0x8d: {  	[sflag:s13] =	ssyncset.done $0x0  }
0x8e: {  	[sflag:s13] =	ssyncadd.s32 $0xFFFFE000  }
0x8f: {  	_ =	swait.ge [sflag:s13], $0x2000  }
0x90: {  	[sflag:s13] =	ssyncset.done $0x0  }
0x91: {  	[sflag:s13] =	ssyncadd.s32 $0xFFFFE000  }
0x92: {  	_ =	swait.ge [sflag:s13], $0x2000  }
0x93: {  	[sflag:s13] =	ssyncset.done $0x0  }
0x94: {  	[sflag:s13] =	ssyncadd.s32 $0xFFFFE000  }
0x95: {  	_ =	swait.ge [sflag:s13], $0x2000  }
0x96: {  	[sflag:s13] =	ssyncset.done $0x0  }
0x97: {  	[sflag:s13] =	ssyncadd.s32 $0xFFFFE000  }
0x98: {  	_ =	swait.ge [sflag:s13], $0x2000  }
0x99: {  	s4 =	simm.s32 $0x2800;
	[sflag:s13] =	ssyncset.done $0x0  }
.LBB2_2:
0x9a: {  	[sflag:s13] =	ssyncadd.s32 $0xFFFFE000  }
0x9b: {  	_ =	swait.ge [sflag:s0], $0x2000  }
0x9c: {  	s15 =	smov.u32 s4;
	s19 =	rddreg [dreg:$0x5];
	[sflag:s0] =	ssyncset.done $0x0  }
0x9d: {  	[sflag:s0] =	ssyncadd.s32 $0xFFFFE000;
	s19 =	sadd.s32 s15, s19  }
0x9e: {  	[hbm4b:s19+s2] =	stream.linear.scatter [tilespmem:s23], [sflag:$0x3], $0x2000, $0x38;
	[tilespmem:$0x145C8] =	vst v63  }
0x9f: {  	_ =	swait.ge [sflag:s0], $0x2000  }
0xa0: {  	[sflag:s0] =	ssyncset.done $0x0  }
0xa1: {  	s16 =	sadd.s32 $0x400, s19;
	[sflag:s0] =	ssyncadd.s32 $0xFFFFE000  }
0xa2: {  	[hbm4b:s16+s2] =	stream.linear.scatter [tilespmem:s24], [sflag:$0x3], $0x2000, $0x38;
	[tilespmem:$0x145C8] =	vst v63  }
0xa3: {  	_ =	swait.ge [sflag:s0], $0x2000  }
0xa4: {  	[sflag:s0] =	ssyncset.done $0x0  }
0xa5: {  	s16 =	sadd.s32 $0x800, s19;
	[sflag:s0] =	ssyncadd.s32 $0xFFFFE000  }
0xa6: {  	[hbm4b:s16+s2] =	stream.linear.scatter [tilespmem:s26], [sflag:$0x3], $0x2000, $0x38;
	[tilespmem:$0x145C8] =	vst v63  }
0xa7: {  	_ =	swait.ge [sflag:s0], $0x2000  }
0xa8: {  	[sflag:s0] =	ssyncset.done $0x0  }
0xa9: {  	s16 =	sadd.s32 $0xC00, s19;
	[sflag:s0] =	ssyncadd.s32 $0xFFFFE000  }
0xaa: {  	[hbm4b:s16+s2] =	stream.linear.scatter [tilespmem:s29], [sflag:$0x3], $0x2000, $0x38;
	[tilespmem:$0x145C8] =	vst v63  }
0xab: {  	_ =	swait.ge [sflag:s0], $0x2000  }
0xac: {  	[sflag:s0] =	ssyncset.done $0x0  }
0xad: {  	s16 =	sadd.s32 $0x1000, s19;
	[sflag:s0] =	ssyncadd.s32 $0xFFFFE000  }
0xae: {  	[hbm4b:s16+s2] =	stream.linear.scatter [tilespmem:s31], [sflag:$0x3], $0x2000, $0x38;
	[tilespmem:$0x145C8] =	vst v63  }
0xaf: {  	_ =	swait.ge [sflag:s20], $0x280  }
0xb0: {  	[sflag:s20] =	ssyncset.done $0x0  }
0xb1: {  	s18 =	sadd.s32 $0xA0, s18;
	[sflag:s20] =	ssyncadd.s32 $0xFFFFFD80  }
0xb2: {  	[tilespmem:s2], [sflag:$0x2] =	stream.linear.gather [hbm4b:s18+s2], $0x280, $0x38;
	[tilespmem:$0x145C8] =	vst v63  }
0xb3: {  	_ = 	snop  }
0xb4: {  	[tilespmem:s3], [sflag:$0x1] =	stream.indirect.gather [spmem:s1], $0x40, s21, s22, $0xb8;
	[tilespmem:$0x145C8] =	vst v63  }
0xb5: {  	_ = 	snop  }
0xb6: {  	[tilespmem:s6], [sflag:$0x1] =	stream.indirect.gather [spmem:s1], $0x40, s5, s22, $0xb8;
	[tilespmem:$0x145C8] =	vst v63  }
0xb7: {  	_ = 	snop  }
0xb8: {  	[tilespmem:s8], [sflag:$0x1] =	stream.indirect.gather [spmem:s1], $0x40, s7, s22, $0xb8;
	[tilespmem:$0x145C8] =	vst v63  }
0xb9: {  	_ = 	snop  }
0xba: {  	[tilespmem:s10], [sflag:$0x1] =	stream.indirect.gather [spmem:s1], $0x40, s9, s22, $0xb8;
	[tilespmem:$0x145C8] =	vst v63  }
0xbb: {  	_ = 	snop  }
0xbc: {  	[tilespmem:s12], [sflag:$0x1] =	stream.indirect.gather [spmem:s1], $0x40, s11, s22, $0xb8;
	[tilespmem:$0x145C8] =	vst v63  }
0xbd: {  	_ =	swait.ge [sflag:s13], $0x2000  }
0xbe: {  	[sflag:s13] =	ssyncset.done $0x0  }
0xbf: {  	[sflag:s13] =	ssyncadd.s32 $0xFFFFE000  }
0xc0: {  	_ =	swait.ge [sflag:s13], $0x2000  }
0xc1: {  	[sflag:s13] =	ssyncset.done $0x0  }
0xc2: {  	[sflag:s13] =	ssyncadd.s32 $0xFFFFE000  }
0xc3: {  	_ =	swait.ge [sflag:s13], $0x2000  }
0xc4: {  	[sflag:s13] =	ssyncset.done $0x0  }
0xc5: {  	[sflag:s13] =	ssyncadd.s32 $0xFFFFE000  }
0xc6: {  	_ =	swait.ge [sflag:s13], $0x2000  }
0xc7: {  	[sflag:s13] =	ssyncset.done $0x0  }
0xc8: {  	[sflag:s13] =	ssyncadd.s32 $0xFFFFE000  }
0xc9: {  	_ =	swait.ge [sflag:s13], $0x2000  }
0xca: {  	[sflag:s13] =	ssyncset.done $0x0  }
0xcb: {  	[sflag:s13] =	ssyncadd.s32 $0xFFFFE000  }
0xcc: {  	_ =	swait.ge [sflag:s0], $0x2000  }
0xcd: {  	s16 =	rddreg [dreg:$0x6];
	[sflag:s0] =	ssyncset.done $0x0  }
0xce: {  	[sflag:s0] =	ssyncadd.s32 $0xFFFFE000;
	s15 =	sadd.s32 s15, s16  }
0xcf: {  	[hbm4b:s15+s2] =	stream.linear.scatter [tilespmem:s3], [sflag:$0x3], $0x2000, $0x38;
	[tilespmem:$0x145C8] =	vst v63  }
0xd0: {  	_ =	swait.ge [sflag:s0], $0x2000  }
0xd1: {  	[sflag:s0] =	ssyncset.done $0x0  }
0xd2: {  	s16 =	sadd.s32 $0x1800, s19;
	[sflag:s0] =	ssyncadd.s32 $0xFFFFE000  }
0xd3: {  	[hbm4b:s16+s2] =	stream.linear.scatter [tilespmem:s6], [sflag:$0x3], $0x2000, $0x38;
	[tilespmem:$0x145C8] =	vst v63  }
0xd4: {  	_ =	swait.ge [sflag:s0], $0x2000  }
0xd5: {  	[sflag:s0] =	ssyncset.done $0x0  }
0xd6: {  	s16 =	sadd.s32 $0x1C00, s19;
	[sflag:s0] =	ssyncadd.s32 $0xFFFFE000  }
0xd7: {  	[hbm4b:s16+s2] =	stream.linear.scatter [tilespmem:s8], [sflag:$0x3], $0x2000, $0x38;
	[tilespmem:$0x145C8] =	vst v63  }
0xd8: {  	_ =	swait.ge [sflag:s0], $0x2000  }
0xd9: {  	[sflag:s0] =	ssyncset.done $0x0  }
0xda: {  	s16 =	sadd.s32 $0x2000, s19;
	[sflag:s0] =	ssyncadd.s32 $0xFFFFE000  }
0xdb: {  	[hbm4b:s16+s2] =	stream.linear.scatter [tilespmem:s10], [sflag:$0x3], $0x2000, $0x38;
	[tilespmem:$0x145C8] =	vst v63  }
0xdc: {  	_ =	swait.ge [sflag:s0], $0x2000  }
0xdd: {  	[sflag:s0] =	ssyncset.done $0x0  }
0xde: {  	s19 =	sadd.s32 $0x2400, s19;
	[sflag:s0] =	ssyncadd.s32 $0xFFFFE000  }
0xdf: {  	[hbm4b:s19+s2] =	stream.linear.scatter [tilespmem:s12], [sflag:$0x3], $0x2000, $0x38;
	[tilespmem:$0x145C8] =	vst v63  }
0xe0: {  	_ =	swait.ge [sflag:s20], $0x280  }
0xe1: {  	[sflag:s20] =	ssyncset.done $0x0  }
0xe2: {  	s17 =	sadd.s32 $0xA0, s17;
	[sflag:s20] =	ssyncadd.s32 $0xFFFFFD80  }
0xe3: {  	[tilespmem:s21], [sflag:$0x2] =	stream.linear.gather [hbm4b:s17+s2], $0x280, $0x38;
	[tilespmem:$0x145C8] =	vst v63  }
0xe4: {  	_ = 	snop  }
0xe5: {  	[tilespmem:s23], [sflag:$0x1] =	stream.indirect.gather [spmem:s1], $0x40, s2, s22, $0xb8;
	[tilespmem:$0x145C8] =	vst v63  }
0xe6: {  	_ = 	snop  }
0xe7: {  	[tilespmem:s24], [sflag:$0x1] =	stream.indirect.gather [spmem:s1], $0x40, s22, s22, $0xb8;
	[tilespmem:$0x145C8] =	vst v63  }
0xe8: {  	_ = 	snop  }
0xe9: {  	[tilespmem:s26], [sflag:$0x1] =	stream.indirect.gather [spmem:s1], $0x40, s25, s22, $0xb8;
	[tilespmem:$0x145C8] =	vst v63  }
0xea: {  	_ = 	snop  }
0xeb: {  	[tilespmem:s29], [sflag:$0x1] =	stream.indirect.gather [spmem:s1], $0x40, s28, s22, $0xb8;
	[tilespmem:$0x145C8] =	vst v63  }
0xec: {  	_ = 	snop  }
0xed: {  	[tilespmem:s31], [sflag:$0x1] =	stream.indirect.gather [spmem:s1], $0x40, s30, s22, $0xb8;
	[tilespmem:$0x145C8] =	vst v63  }
0xee: {  	_ =	swait.ge [sflag:s13], $0x2000  }
0xef: {  	[sflag:s13] =	ssyncset.done $0x0  }
0xf0: {  	[sflag:s13] =	ssyncadd.s32 $0xFFFFE000  }
0xf1: {  	_ =	swait.ge [sflag:s13], $0x2000  }
0xf2: {  	[sflag:s13] =	ssyncset.done $0x0  }
0xf3: {  	[sflag:s13] =	ssyncadd.s32 $0xFFFFE000  }
0xf4: {  	_ =	swait.ge [sflag:s13], $0x2000  }
0xf5: {  	[sflag:s13] =	ssyncset.done $0x0  }
0xf6: {  	p1 =	sne.s32 s4, $0xC3000;
	[sflag:s13] =	ssyncadd.s32 $0xFFFFE000  }
.Ltmp0:
0xf7: {  	_ =	swait.ge [sflag:s13], $0x2000;
	(pc) =	sbr.rel @p1 .LBB2_2-.Ltmp0, $4  }
0xf8: {  	[sflag:s13] =	ssyncset.done $0x0  }
0xf9: {  	[sflag:s13] =	ssyncadd.s32 $0xFFFFE000  }
0xfa: {  	_ =	swait.ge [sflag:s13], $0x2000  }
0xfb: {  	s4 =	sadd.s32 $0x2800, s4;
	[sflag:s13] =	ssyncset.done $0x0  }
0xfc: {  	[sflag:s13] =	ssyncadd.s32 $0xFFFFE000  }
0xfd: {  	_ =	swait.ge [sflag:s0], $0x2000  }
0xfe: {  	[sflag:s0] =	ssyncset.done $0x0  }
0xff: {  	s4 =	rddreg [dreg:$0xa];
	[sflag:s0] =	ssyncadd.s32 $0xFFFFE000  }
0x100: {  	[hbm4b:s4+s2] =	stream.linear.scatter [tilespmem:s23], [sflag:$0x3], $0x2000, $0x38;
	[tilespmem:$0x145C8] =	vst v63  }
0x101: {  	_ =	swait.ge [sflag:s0], $0x2000  }
0x102: {  	[sflag:s0] =	ssyncset.done $0x0  }
0x103: {  	s15 =	rddreg [dreg:$0xb];
	[sflag:s0] =	ssyncadd.s32 $0xFFFFE000  }
0x104: {  	[hbm4b:s15+s2] =	stream.linear.scatter [tilespmem:s24], [sflag:$0x3], $0x2000, $0x38;
	[tilespmem:$0x145C8] =	vst v63  }
0x105: {  	_ =	swait.ge [sflag:s0], $0x2000  }
0x106: {  	[sflag:s0] =	ssyncset.done $0x0  }
0x107: {  	s16 =	rddreg [dreg:$0xc];
	[sflag:s0] =	ssyncadd.s32 $0xFFFFE000  }
0x108: {  	[hbm4b:s16+s2] =	stream.linear.scatter [tilespmem:s26], [sflag:$0x3], $0x2000, $0x38;
	[tilespmem:$0x145C8] =	vst v63  }
0x109: {  	_ =	swait.ge [sflag:s0], $0x2000  }
0x10a: {  	[sflag:s0] =	ssyncset.done $0x0  }
0x10b: {  	s17 =	rddreg [dreg:$0xd];
	[sflag:s0] =	ssyncadd.s32 $0xFFFFE000  }
0x10c: {  	[hbm4b:s17+s2] =	stream.linear.scatter [tilespmem:s29], [sflag:$0x3], $0x2000, $0x38;
	[tilespmem:$0x145C8] =	vst v63  }
0x10d: {  	_ =	swait.ge [sflag:s0], $0x2000  }
0x10e: {  	[sflag:s0] =	ssyncset.done $0x0  }
0x10f: {  	s18 =	rddreg [dreg:$0xe];
	[sflag:s0] =	ssyncadd.s32 $0xFFFFE000  }
0x110: {  	[hbm4b:s18+s2] =	stream.linear.scatter [tilespmem:s31], [sflag:$0x3], $0x2000, $0x38;
	[tilespmem:$0x145C8] =	vst v63  }
0x111: {  	_ =	swait.ge [sflag:s20], $0x280  }
0x112: {  	[sflag:s20] =	ssyncset.done $0x0  }
0x113: {  	[sflag:s20] =	ssyncadd.s32 $0xFFFFFD80  }
0x114: {  	[tilespmem:s3], [sflag:$0x1] =	stream.indirect.gather [spmem:s1], $0x40, s21, s22, $0xb8;
	[tilespmem:$0x145C8] =	vst v63  }
0x115: {  	_ = 	snop  }
0x116: {  	[tilespmem:s6], [sflag:$0x1] =	stream.indirect.gather [spmem:s1], $0x40, s5, s22, $0xb8;
	[tilespmem:$0x145C8] =	vst v63  }
0x117: {  	_ = 	snop  }
0x118: {  	[tilespmem:s8], [sflag:$0x1] =	stream.indirect.gather [spmem:s1], $0x40, s7, s22, $0xb8;
	[tilespmem:$0x145C8] =	vst v63  }
0x119: {  	_ = 	snop  }
0x11a: {  	[tilespmem:s10], [sflag:$0x1] =	stream.indirect.gather [spmem:s1], $0x40, s9, s22, $0xb8;
	[tilespmem:$0x145C8] =	vst v63  }
0x11b: {  	_ = 	snop  }
0x11c: {  	[tilespmem:s12], [sflag:$0x1] =	stream.indirect.gather [spmem:s1], $0x40, s11, s22, $0xb8;
	[tilespmem:$0x145C8] =	vst v63  }
0x11d: {  	_ =	swait.ge [sflag:s13], $0x2000  }
0x11e: {  	[sflag:s13] =	ssyncset.done $0x0  }
0x11f: {  	[sflag:s13] =	ssyncadd.s32 $0xFFFFE000  }
0x120: {  	_ =	swait.ge [sflag:s13], $0x2000  }
0x121: {  	[sflag:s13] =	ssyncset.done $0x0  }
0x122: {  	[sflag:s13] =	ssyncadd.s32 $0xFFFFE000  }
0x123: {  	_ =	swait.ge [sflag:s13], $0x2000  }
0x124: {  	[sflag:s13] =	ssyncset.done $0x0  }
0x125: {  	[sflag:s13] =	ssyncadd.s32 $0xFFFFE000  }
0x126: {  	_ =	swait.ge [sflag:s13], $0x2000  }
0x127: {  	[sflag:s13] =	ssyncset.done $0x0  }
0x128: {  	[sflag:s13] =	ssyncadd.s32 $0xFFFFE000  }
0x129: {  	_ =	swait.ge [sflag:s13], $0x2000  }
0x12a: {  	[sflag:s13] =	ssyncset.done $0x0  }
0x12b: {  	[sflag:s13] =	ssyncadd.s32 $0xFFFFE000  }
0x12c: {  	_ =	swait.ge [sflag:s0], $0x2000  }
0x12d: {  	[sflag:s0] =	ssyncset.done $0x0  }
0x12e: {  	s19 =	rddreg [dreg:$0xf];
	[sflag:s0] =	ssyncadd.s32 $0xFFFFE000  }
0x12f: {  	[hbm4b:s19+s2] =	stream.linear.scatter [tilespmem:s3], [sflag:$0x3], $0x2000, $0x38;
	[tilespmem:$0x145C8] =	vst v63  }
0x130: {  	_ =	swait.ge [sflag:s0], $0x2000  }
0x131: {  	[sflag:s0] =	ssyncset.done $0x0  }
0x132: {  	s15 =	rddreg [dreg:$0x10];
	[sflag:s0] =	ssyncadd.s32 $0xFFFFE000  }
0x133: {  	[hbm4b:s15+s2] =	stream.linear.scatter [tilespmem:s6], [sflag:$0x3], $0x2000, $0x38;
	[tilespmem:$0x145C8] =	vst v63  }
0x134: {  	_ =	swait.ge [sflag:s0], $0x2000  }
0x135: {  	[sflag:s0] =	ssyncset.done $0x0  }
0x136: {  	s16 =	rddreg [dreg:$0x11];
	[sflag:s0] =	ssyncadd.s32 $0xFFFFE000  }
0x137: {  	[hbm4b:s16+s2] =	stream.linear.scatter [tilespmem:s8], [sflag:$0x3], $0x2000, $0x38;
	[tilespmem:$0x145C8] =	vst v63  }
0x138: {  	_ =	swait.ge [sflag:s0], $0x2000  }
0x139: {  	[sflag:s0] =	ssyncset.done $0x0  }
0x13a: {  	s17 =	rddreg [dreg:$0x12];
	[sflag:s0] =	ssyncadd.s32 $0xFFFFE000  }
0x13b: {  	[hbm4b:s17+s2] =	stream.linear.scatter [tilespmem:s10], [sflag:$0x3], $0x2000, $0x38;
	[tilespmem:$0x145C8] =	vst v63  }
0x13c: {  	_ =	swait.ge [sflag:s0], $0x2000  }
0x13d: {  	[sflag:s0] =	ssyncset.done $0x0  }
0x13e: {  	s18 =	rddreg [dreg:$0x13];
	[sflag:s0] =	ssyncadd.s32 $0xFFFFE000  }
0x13f: {  	[hbm4b:s18+s2] =	stream.linear.scatter [tilespmem:s12], [sflag:$0x3], $0x2000, $0x38;
	[tilespmem:$0x145C8] =	vst v63  }
0x140: {  	_ =	swait.ge [sflag:s13], $0x2000  }
0x141: {  	[sflag:s13] =	ssyncset.done $0x0  }
0x142: {  	[sflag:s13] =	ssyncadd.s32 $0xFFFFE000  }
0x143: {  	_ =	swait.ge [sflag:s13], $0x2000  }
0x144: {  	[sflag:s13] =	ssyncset.done $0x0  }
0x145: {  	[sflag:s13] =	ssyncadd.s32 $0xFFFFE000  }
0x146: {  	_ =	swait.ge [sflag:s13], $0x2000  }
0x147: {  	[sflag:s13] =	ssyncset.done $0x0  }
0x148: {  	[sflag:s13] =	ssyncadd.s32 $0xFFFFE000  }
0x149: {  	_ =	swait.ge [sflag:s13], $0x2000  }
0x14a: {  	[sflag:s13] =	ssyncset.done $0x0  }
0x14b: {  	[sflag:s13] =	ssyncadd.s32 $0xFFFFE000  }
0x14c: {  	_ =	swait.ge [sflag:s13], $0x2000  }
0x14d: {  	s14 =	sadd.s32 $0x1, s14;
	s19 =	rddreg [dreg:$0x14]  }
0x14e: {  	p1 =	sne.s32 s14, s19  }
.Ltmp1:
0x14f: {  	_ = 	snop;
	(pc) =	sbr.rel @p1 .LBB2_1-.Ltmp1, $3  }
0x150: {  	_ =	sdelay $0x1  }
0x151: {  	[sflag:s13] =	ssyncset.done $0x0  }
0x152: {  	[sflag:s13] =	ssyncadd.s32 $0xFFFFE000  }
0x153: {  	_ =	sfence.sel $0x180000  }
0x154: {  	[bflag:$0x0] =	sbarrier.arrive $0xFFFF  }
0x155: {  	_ =	strace $0x90000047  }
0x156: {  	[bflag:$0x2] =	sbarrier.arrive $0xFFFF  }
0x157: {  	s0 =	rddreg [dreg:$0x4]  }
0x158: {  	s0 =	sadd.s32 @!p0 $0x100000, s0  }
0x159: {  	[sflag:s0] =	ssyncadd.tile.s32 @!p0 $0x1;
	_ =	shalt  }
.Lfunc_end2:
_tile_overlayer_lowered:
.L_overlay_start_2:
0x15a: {  	(tag) =	ssettag $0x2  }
0x15b: {  	s0 =	rddreg [dreg:$0x0];
	s2 =	stileid.u32  }
0x15c: {  	s1 =	rddreg [dreg:$0x1];
	p0 =	sne.s32 s2, $0x0  }
0x15d: {  	s3 =	rddreg [dreg:$0x2];
	[bflag:$0x3] =	sbarrier.arrive $0xFFFF;
	s2 =	simm.s32 @!p0 $0x1C04  }
0x15e: {  	[timem:s3], [sflag:s2] =	dma.local @!p0 [hbm:s0], s1  }
0x15f: {  	s0 =	simm.s32 @!p0 $0x4  }
0x160: {  	_ =	swait.ge @!p0 [sflag:s0], s1  }
0x161: {  	s1 =	ssub.s32 @!p0 $0x0, s1;
	[sflag:s0] =	ssyncset.done @!p0 $0x0  }
0x162: {  	[sflag:s0] =	ssyncadd.s32 @!p0 s1  }
0x163: {  	[bflag:$0x3] =	sbarrier.arrive $0xFFFF  }
0x164: {  	_ =	shalt  }

// kernel: sparse-core-data-format-call.cloned.1.call-start
scs
called_computation_lowered:
.L_overlay_start_0:
0x0: {  	s2 =	sld [smem:$0x3FD9]  }
0x1: {  	s3 =	sld [smem:$0x3FFE];
	_ =	sdelay $0x1  }
0x2: {  	s1 =	srdreg.scid  }
0x3: {  	s0 =	sand.u32 $0x1, s1  }
0x4: {  	s18 =	sshll.u32 s0, $0xA;
	s2 =	sadd.s32 s3, s2  }
0x5: {  	s2 =	sadd.s32 s2, s18  }
0x6: {  	[smem:$0x3FC6] =	sst s2  }
0x7: {  	_ = 	snop  }
0x8: {  	s2 =	sld [smem:$0x3FD0];
	(tm) =	ssettm $0x1  }
0x9: {  	s19 =	sld [smem:$0x3FFB];
	_ =	sdelay $0x3  }
0xa: {  	_ =	strace s19  }
0xb: {  	s3 =	sld [smem:$0x3FFC];
	_ =	sdelay $0x3  }
0xc: {  	_ =	strace s3  }
0xd: {  	s3 =	sld [smem:$0x3FFD];
	_ =	sdelay $0x3  }
0xe: {  	_ =	strace s3  }
0xf: {  	_ =	strace $0x8FFFFFFF  }
0x10: {  	s20 =	sld [smem:$0x3FDB];
	_ =	sdelay $0x1  }
0x11: {  	s4 =	simm.s32 $_scs_section_size  }
0x12: {  	s5 =	simm.s32 $_size__tile_overlayer_lowered;
	s6 =	simm.s32 $_tile_overlayer_lowered  }
0x13: {  	s23 =	simm.s32 $0x1BFF;
	s22 =	sshll.u32 s6, $0x1;
	s3 =	sadd.s32 s4, s20  }
0x14: {  	s7 =	simm.s32 $0x0;
	s21 =	sshll.u32 s5, $0x1;
	s5 =	sadd.s32 s22, s3  }
0x15: {  	[timem:s7], [sflag:s23] =	dma.local [hbm:s5], s21  }
0x16: {  	_ =	swait.ge [sflag:s23], s21  }
0x17: {  	s4 =	ssub.s32 $0x0, s21;
	[sflag:s23] =	ssyncset.done $0x0  }
0x18: {  	[sflag:s23] =	ssyncadd.s32 s4;
	_ =	sdelay $0x1  }
0x19: {  	s24 =	simm.s32 $0x1B8B  }
0x1a: {  	_ =	swait.ge [sflag:s24], $0x1  }
0x1b: {  	[sflag:s24] =	ssyncset.done $0x0  }
0x1c: {  	s26 =	simm.s32 $0x1B8E;
	s25 =	sld [smem:$0x3FFE];
	[sflag:s24] =	ssyncadd.s32 $0xFFFFFFFF  }
0x1d: {  	s27 =	simm.s32 $execute0_lowered;
	[smem:$0x3FD2] =	sst s26  }
0x1e: {  	s5 =	sshll.u32 s27, $0x1;
	_ =	strace $0x80000049;
	[dreg:$0x1] =	wrdreg $0xFFFFFFFF  }
0x1f: {  	s28 =	simm.s32 $_size_execute0_lowered;
	s3 =	sadd.s32 s3, s5;
	[dreg:$0x0] =	wrdreg $0x0  }
0x20: {  	s5 =	sshll.u32 s28, $0x1;
	[dreg:$0x2] =	wrdreg s3  }
0x21: {  	[dreg:$0x3] =	wrdreg s5  }
0x22: {  	[dreg:$0x4] =	wrdreg $0xC0  }
0x23: {  	_ =	task [dreg:s7], $0x5FFFF  }
0x24: {  	[dreg:$0x1] =	wrdreg $0xFFFFFFFF  }
0x25: {  	[dreg:$0x0] =	wrdreg $0x60  }
0x26: {  	[dreg:$0x2] =	wrdreg s25  }
0x27: {  	[dreg:$0x3] =	wrdreg s2  }
0x28: {  	[dreg:$0x4] =	wrdreg $0x9  }
0x29: {  	_ =	task.clear_ibuf [dreg:s7], $0x5FFFF;
	_ =	strace $0x90000049  }
0x2a: {  	s29 =	simm.s32 $0x9;
	_ =	strace $0x8000004B  }
0x2b: {  	_ =	swait.ge [sflag:s29], $0x1  }
0x2c: {  	[sflag:s29] =	ssyncadd.s32 $0xFFFFFFFF  }
0x2d: {  	_ =	strace $0x9000004B  }
0x2e: {  	_ =	sfence  }
0x2f: {  	s30 =	sld [smem:$0x0];
	_ =	sdelay $0x2  }
0x30: {  	s31 =	sshll.u32 s1, $0xD;
	s1 =	sshrl.u32 s1, $0x2  }
0x31: {  	s3 =	sand.u32 $0x4000, s31;
	s1 =	sadd.s32 s1, s30  }
0x32: {  	s0 =	sor.u32 s3, s0;
	s1 =	sshll.u32 s1, $0x11  }
0x33: {  	s0 =	sor.u32 s1, s0  }
0x34: {  	s0 =	sadd.s32 $0x8F2B, s0  }
0x35: {  	[sflag:s0] =	ssyncadd.remote.s32 $0x1  }
0x36: {  	_ =	sfence.sel $0xFFFF  }
0x37: {  	[dreg:$0x0] =	wrdreg $0xFFFFFFFF;
	(pc) =	sbr.abs _section_cstart, $3  }
0x38: {  	[dreg:$0x1] =	wrdreg $0xFFFFFFFF  }
0x39: {  	_ =	task.clear_ibuf [dreg:s7], $0x2FFFF;
	_ =	strace $0x9FFFFFFF  }
0x3a: {  	(tm) =	ssettm $0x7FFFFFFF  }
0x3b: {  	_ =	shalt  }
tec
execute0_lowered:
.L_overlay_start_1:
0x0: {  	(tag) =	ssettag $0x1  }
0x1: {  	s0 =	srdreg.scid  }
0x2: {  	s1 =	sshll.u32 s0, $0x4  }
0x3: {  	s4 =	rddreg [dreg:$0x0];
	s0 =	stileid.u32;
	s1 =	sand.u32 $0x10, s1  }
0x4: {  	s2 =	rddreg [dreg:$0x1];
	s7 =	simm.s32 $0x1;
	s1 =	sor.u32 s0, s1  }
0x5: {  	s8 =	simm.s32 $0x2;
	s11 =	simm.s32 $0x0;
	s3 =	sshll.u32 s1, $0x7  }
0x6: {  	s10 =	simm.s32 $0x0;
	s4 =	sadd.s32 $0x800, s4;
	s6 =	ssub.s32 $0x320000, s3  }
.Ltmp0:
0x7: {  	s1 =	rddreg [dreg:$0x2];
	s5 =	sand.u32 $0xF80, s6;
	(pc) =	sbr.rel .LBB1_1-.Ltmp0, $4  }
0x8: {  	_ =	strace $0x8000004A;
	s9 =	smov.u32 s3;
	p0 =	sne.s32 s5, $0x0  }
0x9: {  	s6 =	sshrl.u32 s6, $0xC;
	s5 =	simm.s32 $0x1;
	s7 =	simm.s32 @!p0 $0x0  }
0xa: {  	[sflag:s5] =	ssyncpa.u1 $0x0;
	p0 =	por $0x0, $0x0;
	s6 =	sadd.s32 s7, s6  }
0xb: {  	[sflag:s8] =	ssyncpa.u1 $0x0;
	s8 =	simm.s32 $0x1900000;
	s7 =	sadd.s32 $0x1, s6  }
.LBB1_4:
0xc: {  	s14 =	sshll.u32 s11, $0x3  }
0xd: {  	s30 =	sand.u32 $0x7F, s11;
	s15 =	sand.u32 $0xFFFFFC00, s14  }
0xe: {  	s11 =	sor.u32 s30, s15  }
0xf: {  	s15 =	smulhi.u32 $0x51EB851F, s11  }
0x10: {  	s14 =	smulhi.u32 $0x51EB851F, s14  }
0x11: {  	s15 =	sshrl.u32 s15, $0x14  }
0x12: {  	s14 =	sshrl.u32 s14, $0x14;
	s15 =	smul.u32 $0x320000, s15  }
0x13: {  	s14 =	sand.u32 $0x3F, s14  }
0x14: {  	s14 =	smul.u32 $0x64000, s14;
	s11 =	ssub.s32 s11, s15  }
0x15: {  	[tilespmem:s13+$0x810 ss:$0x81] =	vst.msk $0xffff, v2;
	s15 =	sand.u32 $0x7, s11  }
0x16: {  	[tilespmem:s13+$0x1020 ss:$0x81] =	vst.msk $0xffff, v0;
	s14 =	sadd.s32 s2, s14;
	s11 =	sshrl.u32 s11, $0x3;
	s15 =	sshll.u32 s15, $0x12  }
0x17: {  	[tilespmem:s13+$0x0 ss:$0x81] =	vst.msk $0xffff, v1;
	s11 =	sadd.s32 s11, s14;
	s31 =	sor.u32 $0x400, s15  }
0x18: {  	[hbm4b:s11+s31] =	stream.strided.scatter [tilespmem:s12], [sflag:$0x2], $0x2000, s8, s31, $0x20;
	[tilespmem:$0x8080] =	vst v63  }
.LBB1_5:
0x19: {  	s13 =	sadd.s32 $0x1000, s9  }
0x1a: {  	p2 =	sgt.s32 s13, $0x31FFFF  }
0x1b: {  	s13 =	smov.u32 @p2 s3;
	p2 =	sne.s32 s10, s7  }
.Ltmp1:
0x1c: {  	p1 =	slt.u32 s10, $0x2;
	(pc) =	sbr.rel @!p2 .LBB1_6-.Ltmp1, $4  }
0x1d: {  	s12 =	simm.s32 @!p1 $0x2  }
0x1e: {  	s14 =	sadd.s32 $0x1, s10;
	_ =	swait.ge @!p1 [sflag:s12], $0x2000  }
0x1f: {  	s11 =	smov.u32 s9;
	p0 =	por !p0, !p0;
	[sflag:s12] =	ssyncset.done @!p1 $0x0  }
0x20: {  	s10 =	smov.u32 s14;
	s9 =	smov.u32 s13;
	[sflag:s12] =	ssyncadd.s32 @!p1 $0xFFFFE000  }
.LBB1_1:
0x21: {  	p1 =	sge.u32 s10, s6  }
0x22: {  	s12 =	sand.u32 @!p1 $0x1FFFFFF, s9  }
0x23: {  	s13 =	smulhi.u32 @!p1 $0x147AE15, s12;
	_ =	sdelay $0x1  }
0x24: {  	s13 =	sshrl.u32 @!p1 s13, $0xE  }
0x25: {  	s13 =	smul.u32 @!p1 $0x320000, s13;
	_ =	sdelay $0x1  }
0x26: {  	s31 =	sadd.s32 $0xFFFFFFFF, s10;
	s14 =	sxor.u32 @!p1 $0xFFFFFFFF, s10;
	s12 =	ssub.s32 @!p1 s12, s13  }
0x27: {  	s15 =	simm.s32 @!p1 $0x80;
	s14 =	sshll.u32 @!p1 s14, $0xD;
	s12 =	sshll.u32 @!p1 s12, $0x4  }
0x28: {  	s13 =	sand.u32 @!p1 $0x2000, s14;
	s14 =	simm.s32 @!p1 $0x40;
	s12 =	sadd.s32 @!p1 s4, s12  }
0x29: {  	[tilespmem:s13], [sflag:$0x1] =	stream.strided.gather @!p1 [hbm4b:s12+s14], $0x2000, s15, s14, $0x38;
	[tilespmem:$0x8080] =	vst v63  }
0x2a: {  	p1 =	sge.u32 s31, s6  }
.Ltmp2:
0x2b: {  	_ = 	snop;
	(pc) =	sbr.rel @p1 .LBB1_5-.Ltmp2, $1  }
0x2c: {  	_ =	sdelay $0x3  }
0x2d: {  	s12 =	simm.s32 $0x1  }
0x2e: {  	_ =	swait.ge [sflag:s5], $0x2000;
	s12 =	simm.s32 @!p0 $0x0  }
0x2f: {  	[sflag:s5] =	ssyncset.done $0x0;
	s13 =	sshll.u32 s12, $0xD  }
0x30: {  	[sflag:s5] =	ssyncadd.s32 $0xFFFFE000;
	s16 =	sor.u32 $0x20, s13  }
0x31: {  	s12 =	smul.u32 $0x8100, s12;
	v3 =	vld [tilespmem:s16+$0x10]  }
0x32: {  	s30 =	sand.u32 $0x1, s10;
	v2 =	vld [tilespmem:s16+$0xFFFFFFF0]  }
0x33: {  	s13 =	smul.u32 $0x8100, s30;
	s12 =	sshrl.u32 s12, $0x2;
	v0 =	vld [tilespmem:s16+$0x0]  }
0x34: {  	v1 =	vld [tilespmem:s16+$0xFFFFFFE0];
	s14 =	sor.u32 $0x4000, s12  }
0x35: {  	s31 =	sshrl.u32 s13, $0x2;
	s13 =	sadd.s32 $0x0, s14  }
0x36: {  	s15 =	simm.s32 $0x4;
	s16 =	sadd.s32 $0x40, s16;
	s12 =	sor.u32 $0x4000, s31;
	[tilespmem:s13+$0x1830 ss:$0x81] =	vst.msk $0xffff, v3  }
.LBB1_3:
0x37: {  	v3 =	vld [tilespmem:s16+$0x10];
	p1 =	sne.s32 s15, $0x1FC;
	[tilespmem:s13+$0x810 ss:$0x81] =	vst.msk $0xffff, v2;
	s17 =	smov.u32 s15;
	s15 =	sadd.s32 $0x4, s15  }
.Ltmp3:
0x38: {  	v2 =	vld [tilespmem:s16+$0xFFFFFFF0];
	[tilespmem:s13+$0x1020 ss:$0x81] =	vst.msk $0xffff, v0;
	(pc) =	sbr.rel @p1 .LBB1_3-.Ltmp3, $4  }
0x39: {  	v0 =	vld [tilespmem:s16+$0x0];
	[tilespmem:s13+$0x0 ss:$0x81] =	vst.msk $0xffff, v1  }
0x3a: {  	s13 =	sshra.s32 s17, $0x2;
	v1 =	vld [tilespmem:s16+$0xFFFFFFE0]  }
0x3b: {  	s13 =	sadd.s32 s13, s14  }
0x3c: {  	s16 =	sadd.s32 $0x40, s16;
	[tilespmem:s13+$0x1830 ss:$0x81] =	vst.msk $0xffff, v3  }
.Ltmp4:
0x3d: {  	_ = 	snop;
	(pc) =	sbr.rel .LBB1_4-.Ltmp4, $1  }
0x3e: {  	_ =	sdelay $0x3  }
.LBB1_6:
0x3f: {  	_ =	sfence.sel $0x180000  }
0x40: {  	s2 =	simm.s32 $0x1;
	[bflag:$0x0] =	sbarrier.arrive $0xFFFF  }
0x41: {  	s31 =	simm.s32 $0x2;
	[sflag:s2] =	ssyncpa.u1 $0x1  }
0x42: {  	[sflag:s31] =	ssyncpa.u1 $0x1  }
0x43: {  	p0 =	sne.s32 s0, $0x0;
	_ =	strace $0x9000004A  }
0x44: {  	s0 =	sadd.s32 @!p0 $0x100000, s1;
	[bflag:$0x2] =	sbarrier.arrive $0xFFFF  }
0x45: {  	[sflag:s0] =	ssyncadd.tile.s32 @!p0 $0x1;
	_ =	shalt  }
.Lfunc_end1:
_tile_overlayer_lowered:
.L_overlay_start_2:
0x46: {  	(tag) =	ssettag $0x2  }
0x47: {  	s0 =	rddreg [dreg:$0x0];
	s2 =	stileid.u32  }
0x48: {  	s1 =	rddreg [dreg:$0x1];
	p0 =	sne.s32 s2, $0x0  }
0x49: {  	s3 =	rddreg [dreg:$0x2];
	[bflag:$0x3] =	sbarrier.arrive $0xFFFF;
	s2 =	simm.s32 @!p0 $0x1C01  }
0x4a: {  	[timem:s3], [sflag:s2] =	dma.local @!p0 [hbm:s0], s1  }
0x4b: {  	s0 =	simm.s32 @!p0 $0x1  }
0x4c: {  	_ =	swait.ge @!p0 [sflag:s0], s1  }
0x4d: {  	s1 =	ssub.s32 @!p0 $0x0, s1;
	[sflag:s0] =	ssyncset.done @!p0 $0x0  }
0x4e: {  	[sflag:s0] =	ssyncadd.s32 @!p0 s1  }
0x4f: {  	[bflag:$0x3] =	sbarrier.arrive $0xFFFF  }
0x50: {  	_ =	shalt  }

</sc_bundles>
